<compile_context>
chip_gen: v7x
topology: tpu7x:2x2x1
jax: 0.10.2.dev20260603
libtpu: 0.0.44.dev20260713+nightly
codegen_flags: <defaults>
</compile_context>

<pallas_src>
import functools
import math

import jax
import jax.numpy as jnp
from jax import lax
from jax.experimental import pallas as pl
from jax.experimental.pallas import tpu as pltpu
from jax.experimental.pallas import tpu_sc as plsc

N = 10000
NP = 10240
DEG = 32
D = 128
HID = 64
NCOL = 3
CPAD = 16
NC = 2
NS = 16
NW = NC * NS
CH = 128
PER_W = NP * DEG // NW
NCHUNK = PER_W // CH
NBUF = 4
TN = 512
GRID = NP // TN
NEG = -1e30



def _sc_gather(table, idx2d, ncols):
    mesh = plsc.VectorSubcoreMesh(core_axis_name="c", subcore_axis_name="s")

    @functools.partial(
        pl.kernel,
        mesh=mesh,
        out_type=jax.ShapeDtypeStruct((NP * DEG, ncols), jnp.float32),
        compiler_params=pltpu.CompilerParams(use_tc_tiling_on_sc=False),
        scratch_types=(
            [pltpu.VMEM((NCHUNK, CH), jnp.int32)]
            + [pltpu.VMEM((CH, ncols), jnp.float32) for _ in range(NBUF)]
            + [pltpu.SemaphoreType.DMA for _ in range(2 * NBUF)]
        ),
    )
    def k(table_hbm, idx_hbm, out_hbm, idx_v, *rest):
        bufs = rest[:NBUF]
        gsem = rest[NBUF:2 * NBUF]
        wsem = rest[2 * NBUF:]
        wid = lax.axis_index("s") * NC + lax.axis_index("c")
        pltpu.sync_copy(idx_hbm.at[pl.ds(wid * NCHUNK, NCHUNK)], idx_v)
        base = wid * PER_W

        for b in range(NBUF):
            pltpu.async_copy(table_hbm.at[idx_v.at[b]], bufs[b], gsem[b])

        def body(q, carry):
            g0 = q * NBUF
            for b in range(NBUF):
                out_slc = out_hbm.at[pl.ds(base + (g0 + b) * CH, CH)]
                pltpu.make_async_copy(
                    table_hbm.at[idx_v.at[g0 + b]], bufs[b], gsem[b]).wait()
                pltpu.async_copy(bufs[b], out_slc, wsem[b])

            @pl.when(q < NCHUNK // NBUF - 1)
            def _():
                for b in range(NBUF):
                    out_slc = out_hbm.at[pl.ds(base + (g0 + b) * CH, CH)]
                    pltpu.make_async_copy(bufs[b], out_slc, wsem[b]).wait()
                    pltpu.async_copy(
                        table_hbm.at[idx_v.at[g0 + NBUF + b]], bufs[b],
                        gsem[b])
            return carry

        lax.fori_loop(0, NCHUNK // NBUF, body, 0)
        for b in range(NBUF):
            out_slc = out_hbm.at[pl.ds(base + PER_W - (NBUF - b) * CH, CH)]
            pltpu.make_async_copy(bufs[b], out_slc, wsem[b]).wait()

    return k(table, idx2d)


def _sc_hist(idx_flat):
    perh = N * DEG // NW
    mesh = plsc.VectorSubcoreMesh(core_axis_name="c", subcore_axis_name="s")

    @functools.partial(
        pl.kernel,
        mesh=mesh,
        out_type=jax.ShapeDtypeStruct((NW, NP), jnp.float32),
        compiler_params=pltpu.CompilerParams(needs_layout_passes=False),
        scratch_types=[
            pltpu.VMEM((perh,), jnp.int32),
            pltpu.VMEM((NP,), jnp.float32),
        ],
    )
    def k(idx_hbm, out_hbm, idx_v, bins_v):
        wid = lax.axis_index("s") * NC + lax.axis_index("c")
        pltpu.sync_copy(idx_hbm.at[pl.ds(wid * perh, perh)], idx_v)
        zeros16 = jnp.zeros((16,), jnp.float32)

        def zbody(i, c):
            bins_v[pl.ds(i * 16, 16)] = zeros16
            return c

        lax.fori_loop(0, NP // 16, zbody, 0)
        ones16 = jnp.ones((16,), jnp.float32)

        def body(i, c):
            v = idx_v[pl.ds(i * 16, 16)]
            plsc.addupdate_scatter(bins_v, [v], ones16)
            return c

        lax.fori_loop(0, perh // 16, body, 0)
        pltpu.sync_copy(bins_v, out_hbm.at[wid])

    return k(idx_flat)



def _tc_iter(nb, hself, gst, wiT_top, wiT_bot, whT, ws_top, ws_bot, wn,
             b4, b2, wg, first):
    scale = 1.0 / math.sqrt(D) if first else 1.0
    C = nb.shape[2]
    Cs = hself.shape[1]

    def body(nb_ref, hs_ref, gst_ref, wit_ref, wib_ref, wht_ref, wst_ref,
             wsb_ref, wn_ref, b4_ref, b2_ref, wg_ref,
             h2_ref, gout_ref, ms_ref, num_ref):
        i = pl.program_id(0)
        gstv = gst_ref[...]
        bias4 = b4_ref[...] + jnp.dot(gstv, wib_ref[...],
                                      preferred_element_type=jnp.float32)
        wit = wit_ref[...].astype(jnp.bfloat16)
        wht = wht_ref[...].astype(jnp.bfloat16)

        def step(t, carry):
            hs, c = carry
            xt = (nb_ref[t] * scale).astype(jnp.bfloat16)
            gates = (jnp.dot(xt, wit,
                             preferred_element_type=jnp.float32)
                     + jnp.dot(hs.astype(jnp.bfloat16), wht,
                               preferred_element_type=jnp.float32)
                     + bias4)
            ig = jax.nn.sigmoid(gates[:, 0:D])
            fg = jax.nn.sigmoid(gates[:, D:2 * D])
            gg = jnp.tanh(gates[:, 2 * D:3 * D])
            og = jax.nn.sigmoid(gates[:, 3 * D:4 * D])
            c = fg * c + ig * gg
            hs = og * jnp.tanh(c)
            return (hs, c)

        z = jnp.zeros((TN, D), jnp.float32)
        hs, _ = lax.fori_loop(0, DEG, step, (z, z))

        h2 = (jnp.dot(hs_ref[...] * scale, wst_ref[...],
                      preferred_element_type=jnp.float32)
              + jnp.dot(gstv, wsb_ref[...],
                        preferred_element_type=jnp.float32)
              + jnp.dot(hs, wn_ref[...],
                        preferred_element_type=jnp.float32)
              + b2_ref[...])
        h2 = jnp.where(h2 > 0, h2, 0.01 * h2)
        h2_ref[...] = h2

        logit = jnp.dot(h2, wg_ref[...], preferred_element_type=jnp.float32)
        rows = lax.broadcasted_iota(jnp.int32, (TN, 1), 0) + i * TN
        lg = jnp.where(rows < N, logit, NEG)

        @pl.when(i == 0)
        def _():
            ms_ref[0] = NEG
            ms_ref[1] = 0.0
            num_ref[...] = jnp.zeros_like(num_ref)

        m_old = ms_ref[0]
        m_new = jnp.maximum(m_old, jnp.max(lg))
        sc = jnp.exp(m_old - m_new)
        e = jnp.where(rows < N, jnp.exp(lg - m_new), 0.0)
        s_new = ms_ref[1] * sc + jnp.sum(e)
        num_new = num_ref[...] * sc + lax.dot_general(
            e, h2, (((0,), (0,)), ((), ())),
            preferred_element_type=jnp.float32)
        ms_ref[0] = m_new
        ms_ref[1] = s_new
        num_ref[...] = num_new
        gout_ref[...] = num_new / s_new

    return pl.pallas_call(
        body,
        grid=(GRID,),
        in_specs=[
            pl.BlockSpec((DEG, TN, C), lambda i: (0, i, 0)),
            pl.BlockSpec((TN, Cs), lambda i: (i, 0)),
            pl.BlockSpec((1, HID), lambda i: (0, 0)),
            pl.BlockSpec((C, 4 * D), lambda i: (0, 0)),
            pl.BlockSpec((HID, 4 * D), lambda i: (0, 0)),
            pl.BlockSpec((D, 4 * D), lambda i: (0, 0)),
            pl.BlockSpec((Cs, HID), lambda i: (0, 0)),
            pl.BlockSpec((HID, HID), lambda i: (0, 0)),
            pl.BlockSpec((D, HID), lambda i: (0, 0)),
            pl.BlockSpec((1, 4 * D), lambda i: (0, 0)),
            pl.BlockSpec((1, HID), lambda i: (0, 0)),
            pl.BlockSpec((HID, 1), lambda i: (0, 0)),
        ],
        out_specs=[
            pl.BlockSpec((TN, HID), lambda i: (i, 0)),
            pl.BlockSpec((1, HID), lambda i: (0, 0)),
        ],
        out_shape=[
            jax.ShapeDtypeStruct((NP, HID), jnp.float32),
            jax.ShapeDtypeStruct((1, HID), jnp.float32),
        ],
        scratch_shapes=[
            pltpu.SMEM((2,), jnp.float32),
            pltpu.VMEM((1, HID), jnp.float32),
        ],
    )(nb, hself, gst, wiT_top, wiT_bot, whT, ws_top, ws_bot, wn, b4, b2, wg)


def _tc_feat(h2, gst, hist, wc_top, wc_bot):

    def body(h2_ref, gst_ref, hist_ref, wt_ref, wb_ref, out_ref):
        ones = jnp.ones((NW, 1), jnp.float32)
        cnt = lax.dot_general(hist_ref[...], ones, (((0,), (0,)), ((), ())),
                              preferred_element_type=jnp.float32)
        feat = (jnp.dot(h2_ref[...], wt_ref[...],
                        preferred_element_type=jnp.float32)
                + jnp.dot(gst_ref[...], wb_ref[...],
                          preferred_element_type=jnp.float32))
        out_ref[...] = feat * lax.rsqrt(jnp.maximum(cnt, 1.0))

    return pl.pallas_call(
        body,
        grid=(GRID,),
        in_specs=[
            pl.BlockSpec((TN, HID), lambda i: (i, 0)),
            pl.BlockSpec((1, HID), lambda i: (0, 0)),
            pl.BlockSpec((NW, TN), lambda i: (0, i)),
            pl.BlockSpec((HID, CPAD), lambda i: (0, 0)),
            pl.BlockSpec((HID, CPAD), lambda i: (0, 0)),
        ],
        out_specs=pl.BlockSpec((TN, CPAD), lambda i: (i, 0)),
        out_shape=jax.ShapeDtypeStruct((NP, CPAD), jnp.float32),
    )(h2, gst, hist, wc_top, wc_bot)


def _tc_final(nbf, bc_pad, wf_pad, ws_pad, bs):

    def body(nb_ref, bc_ref, wf_ref, ws_ref, bs_ref,
             col_ref, sat_ref, ms_ref, num_ref):
        i = pl.program_id(0)
        agg = jnp.sum(nb_ref[...], axis=0)
        g2 = agg * (1.0 / math.sqrt(DEG)) + bc_ref[...]
        cols = lax.broadcasted_iota(jnp.int32, (TN, CPAD), 1)
        cvalid = cols < NCOL
        g2m = jnp.where(cvalid, g2, NEG)
        rmax = jnp.max(g2m, axis=1, keepdims=True)
        ex = jnp.where(cvalid, jnp.exp(g2m - rmax), 0.0)
        colors = ex / jnp.sum(ex, axis=1, keepdims=True)
        col_ref[...] = colors

        logit = jnp.dot(colors, wf_ref[...],
                        preferred_element_type=jnp.float32)
        rows = lax.broadcasted_iota(jnp.int32, (TN, 1), 0) + i * TN
        lg = jnp.where(rows < N, logit, NEG)

        @pl.when(i == 0)
        def _():
            ms_ref[0] = NEG
            ms_ref[1] = 0.0
            num_ref[...] = jnp.zeros_like(num_ref)

        m_old = ms_ref[0]
        m_new = jnp.maximum(m_old, jnp.max(lg))
        sc = jnp.exp(m_old - m_new)
        e = jnp.where(rows < N, jnp.exp(lg - m_new), 0.0)
        s_new = ms_ref[1] * sc + jnp.sum(e)
        num_new = num_ref[...] * sc + lax.dot_general(
            e, colors, (((0,), (0,)), ((), ())),
            preferred_element_type=jnp.float32)
        ms_ref[0] = m_new
        ms_ref[1] = s_new
        num_ref[...] = num_new
        pooled = num_new / s_new
        sat_ref[...] = jax.nn.sigmoid(
            jnp.dot(pooled, ws_ref[...], preferred_element_type=jnp.float32)
            + bs_ref[...])

    return pl.pallas_call(
        body,
        grid=(GRID,),
        in_specs=[
            pl.BlockSpec((DEG, TN, CPAD), lambda i: (0, i, 0)),
            pl.BlockSpec((1, CPAD), lambda i: (0, 0)),
            pl.BlockSpec((CPAD, 1), lambda i: (0, 0)),
            pl.BlockSpec((CPAD, 1), lambda i: (0, 0)),
            pl.BlockSpec((1, 1), lambda i: (0, 0)),
        ],
        out_specs=[
            pl.BlockSpec((TN, CPAD), lambda i: (i, 0)),
            pl.BlockSpec((1, 1), lambda i: (0, 0)),
        ],
        out_shape=[
            jax.ShapeDtypeStruct((NP, CPAD), jnp.float32),
            jax.ShapeDtypeStruct((1, 1), jnp.float32),
        ],
        scratch_shapes=[
            pltpu.SMEM((2,), jnp.float32),
            pltpu.VMEM((1, CPAD), jnp.float32),
        ],
    )(nbf, bc_pad, wf_pad, ws_pad, bs)



def kernel(x, neighbors, lstm_Wi, lstm_Wh, lstm_bi, lstm_bh, W_self, b_self,
           W_neigh, b_neigh, Wg, bg, Wc, bc, Wf, bf, Ws, bs):
    x_pad = jnp.pad(x, ((0, NP - N), (0, 0)))
    nbr_pad = jnp.pad(neighbors, ((0, NP - N), (0, 0)))
    idxT = jnp.transpose(nbr_pad).reshape(NW * NCHUNK, CH)
    wiT = jnp.transpose(lstm_Wi)
    whT = jnp.transpose(lstm_Wh)
    wiT_bot = wiT[HID:]
    ws_bot = W_self[HID:]
    b4 = (lstm_bi + lstm_bh).reshape(1, 4 * D)
    b2 = (b_self + b_neigh).reshape(1, HID)
    wc_pad = jnp.pad(Wc, ((0, 0), (0, CPAD - NCOL)))
    bc_pad = jnp.pad(bc, (0, CPAD - NCOL)).reshape(1, CPAD)
    wf_pad = jnp.pad(Wf, ((0, CPAD - NCOL), (0, 0)))
    ws_pad = jnp.pad(Ws, ((0, CPAD - NCOL), (0, 0)))
    zgst = jnp.zeros((1, HID), jnp.float32)
    zbot = jnp.zeros((HID, 4 * D), jnp.float32)
    zsb = jnp.zeros((HID, HID), jnp.float32)

    hist = _sc_hist(neighbors.reshape(-1))

    nb1 = _sc_gather(x_pad, idxT, D).reshape(DEG, NP, D)
    h2, gst = _tc_iter(nb1, x_pad, zgst, wiT, zbot, whT, W_self, zsb,
                       W_neigh, b4, b2, Wg, first=True)

    for _ in range(2):
        nb = _sc_gather(h2, idxT, HID).reshape(DEG, NP, HID)
        h2, gst = _tc_iter(nb, h2, gst, wiT[:HID], wiT_bot, whT,
                           W_self[:HID], ws_bot, W_neigh, b4, b2, Wg,
                           first=False)

    scaled = _tc_feat(h2, gst, hist, wc_pad[:HID], wc_pad[HID:])
    nbf = _sc_gather(scaled, idxT, CPAD).reshape(DEG, NP, CPAD)
    colors_pad, sat = _tc_final(nbf, bc_pad, wf_pad, ws_pad,
                                bs.reshape(1, 1))

    return colors_pad[:N, :NCOL], sat.reshape(())

# --- scband reference (transcript-rebuilt; emitter-appended) ---
"""Pipeline reference for scband-hash-sat-7224134991919 (READ-ONLY COPY).

The authoritative reference and input builder live on the scoring server;
editing this copy changes nothing except your own understanding.
"""

import jax, jax.numpy as jnp
import numpy as np

N = 10000
DEG = 32
HID = 64
D = 2 * HID
T_MAX = 3
NUM_COLORS = 3


def setup_inputs(seed: int = 0) -> dict:
    key = jax.random.key(seed)
    ks = jax.random.split(key, 12)

    def lin(k, i, o):
        return jax.random.normal(k, (i, o), dtype=jnp.float32) / np.sqrt(i)

    inp = {}
    inp['x'] = jax.random.uniform(ks[0], (N, D), dtype=jnp.float32)
    inp['neighbors'] = jax.random.randint(ks[1], (N, DEG), 0, N, dtype=jnp.int32)
    inp['lstm_Wi'] = jax.random.normal(ks[2], (4 * D, D), dtype=jnp.float32) / np.sqrt(D)
    inp['lstm_Wh'] = jax.random.normal(ks[3], (4 * D, D), dtype=jnp.float32) / np.sqrt(D)
    inp['lstm_bi'] = jnp.zeros((4 * D,), jnp.float32)
    inp['lstm_bh'] = jnp.zeros((4 * D,), jnp.float32)
    inp['W_self'] = lin(ks[4], D, HID)
    inp['b_self'] = jnp.zeros((HID,), jnp.float32)
    inp['W_neigh'] = lin(ks[5], D, HID)
    inp['b_neigh'] = jnp.zeros((HID,), jnp.float32)
    inp['Wg'] = lin(ks[6], HID, 1)
    inp['bg'] = jnp.zeros((1,), jnp.float32)
    inp['Wc'] = lin(ks[7], D, NUM_COLORS)
    inp['bc'] = jnp.zeros((NUM_COLORS,), jnp.float32)
    inp['Wf'] = lin(ks[8], NUM_COLORS, 1)
    inp['bf'] = jnp.zeros((1,), jnp.float32)
    inp['Ws'] = lin(ks[9], NUM_COLORS, 1)
    inp['bs'] = jnp.zeros((1,), jnp.float32)
    return inp


def _lstm_agg(nb, Wi, Wh, bi, bh):
    # DGL SAGEConv 'lstm' aggregator: LSTM(in_feats, in_feats) over neighbor feats,
    # take final hidden state. nb: [N, deg, D]
    n = nb.shape[0]
    Hd = Wh.shape[1]

    def step(carry, xt):
        h, c = carry
        gates = xt @ Wi.T + bi + h @ Wh.T + bh
        i, f, g, o = jnp.split(gates, 4, axis=1)
        i = jax.nn.sigmoid(i)
        f = jax.nn.sigmoid(f)
        g = jnp.tanh(g)
        o = jax.nn.sigmoid(o)
        c = f * c + i * g
        h = o * jnp.tanh(c)
        return (h, c), None

    init = (jnp.zeros((n, Hd), nb.dtype), jnp.zeros((n, Hd), nb.dtype))
    (h, c), _ = jax.lax.scan(step, init, jnp.transpose(nb, (1, 0, 2)))
    return h


def _forward(x, neighbors, lstm_Wi, lstm_Wh, lstm_bi, lstm_bh, W_self, b_self,
             W_neigh, b_neigh, Wg, bg, Wc, bc, Wf, bf, Ws, bs):
    n, d = x.shape
    deg = neighbors.shape[1]
    # original: x = torch.rand(...); x /= x.size(1) ** 0.5
    h = x / (d ** 0.5)
    for _ in range(T_MAX):
        nb = h[neighbors]  # gather neighbor features [N, deg, D]
        h_neigh = _lstm_agg(nb, lstm_Wi, lstm_Wh, lstm_bi, lstm_bh)
        h2 = h @ W_self + b_self + h_neigh @ W_neigh + b_neigh  # SAGEConv out
        h2 = jnp.where(h2 > 0, h2, 0.01 * h2)  # leaky_relu(0.01)
        # GlobalAttentionPooling over the single batched graph
        gate = jax.nn.softmax(h2 @ Wg + bg, axis=0)
        gstate = jnp.sum(gate * h2, axis=0, keepdims=True)
        # repeat_interleave over batch_num_nodes == broadcast for single graph
        h = jnp.concatenate([h2, jnp.broadcast_to(gstate, h2.shape)], axis=1)
    # GraphConv with norm='both'
    src = neighbors.reshape(-1)
    dst = jnp.repeat(jnp.arange(n), deg)
    out_deg = jnp.clip(jnp.bincount(src, length=n), 1, None).astype(h.dtype)
    feat = h @ Wc
    msg = (feat * (out_deg ** -0.5)[:, None])[src]
    agg = jnp.zeros((n, feat.shape[1]), feat.dtype).at[dst].add(msg)
    g2 = agg * (float(deg) ** -0.5) + bc  # in-degree is constant DEG
    colors = jax.nn.softmax(g2, axis=1)
    gate2 = jax.nn.softmax(colors @ Wf + bf, axis=0)
    pooled = jnp.sum(gate2 * colors, axis=0, keepdims=True)
    sat = jax.nn.sigmoid(pooled @ Ws + bs).squeeze()
    return colors, sat


def reference(x, neighbors, lstm_Wi, lstm_Wh, lstm_bi, lstm_bh, W_self, b_self,
              W_neigh, b_neigh, Wg, bg, Wc, bc, Wf, bf, Ws, bs):
    return _forward(x, neighbors, lstm_Wi, lstm_Wh, lstm_bi, lstm_bh, W_self,
                    b_self, W_neigh, b_neigh, Wg, bg, Wc, bc, Wf, bf, Ws, bs)

if __name__ == "__main__":
    import jax
    _d = setup_inputs()
    print(jax.jit(kernel)(*tuple(_d.values())))

</pallas_src>

<mosaic_0001>
#map = affine_map<(d0, d1) -> (0, 0)>
module attributes {stable_mosaic.version = 14 : i64} {
  func.func @k(%arg0: i32, %arg1: i32, %arg2: memref<10240x128xf32, #tpu.memory_space<hbm>>, %arg3: memref<2560x128xi32, #tpu.memory_space<hbm>>, %arg4: memref<327680x128xf32, #tpu.memory_space<hbm>>, %arg5: memref<80x128xi32, #tpu.memory_space<vmem>>, %arg6: memref<128x128xf32, #tpu.memory_space<vmem>>, %arg7: memref<128x128xf32, #tpu.memory_space<vmem>>, %arg8: memref<128x128xf32, #tpu.memory_space<vmem>>, %arg9: memref<128x128xf32, #tpu.memory_space<vmem>>, %arg10: memref<!tpu.dma_semaphore, #tpu.memory_space<semaphore_mem>>, %arg11: memref<!tpu.dma_semaphore, #tpu.memory_space<semaphore_mem>>, %arg12: memref<!tpu.dma_semaphore, #tpu.memory_space<semaphore_mem>>, %arg13: memref<!tpu.dma_semaphore, #tpu.memory_space<semaphore_mem>>, %arg14: memref<!tpu.dma_semaphore, #tpu.memory_space<semaphore_mem>>, %arg15: memref<!tpu.dma_semaphore, #tpu.memory_space<semaphore_mem>>, %arg16: memref<!tpu.dma_semaphore, #tpu.memory_space<semaphore_mem>>, %arg17: memref<!tpu.dma_semaphore, #tpu.memory_space<semaphore_mem>>) attributes {dimension_semantics = [#tpu.dimension_semantics<core_parallel>, #tpu.dimension_semantics<subcore_parallel>], iteration_bounds = array<i64: 2, 16>, scalar_prefetch = 0 : i64, scratch_operands = 13 : i64, tpu.core_type = #tpu.core_type<sc_vector_subcore>, window_params = [{transform_indices = #map}, {transform_indices = #map}, {transform_indices = #map}]} {
    %mul3A = arith.constant 2 : i32
    %mul3A_0 = arith.muli %arg1, %mul3A : i32
    %add3A = arith.addi %mul3A_0, %arg0 : i32
    %mul3A_1 = arith.constant 80 : i32
    %mul3A_2 = arith.muli %add3A, %mul3A_1 : i32
    "tpu.region"() ({
      %run_scoped3A = tpu.sem_alloc : memref<!tpu.dma_semaphore, #tpu.memory_space<semaphore_mem>>
      %dma_start3A_67 = arith.constant 0 : i32
      %dma_start3A_68 = tpu.memref_slice %arg3[%mul3A_2, %dma_start3A_67] : memref<2560x128xi32, #tpu.memory_space<hbm>> -> memref<80x128xi32, #tpu.memory_space<hbm>>
      %dma_start3A_69 = arith.constant 0 : i32
      %dma_start3A_70 = tpu.memref_slice %arg3[%mul3A_2, %dma_start3A_69] : memref<2560x128xi32, #tpu.memory_space<hbm>> -> memref<80x128xi32, #tpu.memory_space<hbm>>
      tpu.enqueue_dma source(%dma_start3A_70 : memref<80x128xi32, #tpu.memory_space<hbm>>) target(%arg5 : memref<80x128xi32, #tpu.memory_space<vmem>>) target_semaphore(%run_scoped3A : memref<!tpu.dma_semaphore, #tpu.memory_space<semaphore_mem>>)
      %dma_wait3A_71 = arith.constant 0 : i32
      %dma_wait3A_72 = tpu.memref_slice %arg3[%mul3A_2, %dma_wait3A_71] : memref<2560x128xi32, #tpu.memory_space<hbm>> -> memref<80x128xi32, #tpu.memory_space<hbm>>
      %dma_wait3A_73 = arith.constant 0 : i32
      %dma_wait3A_74 = tpu.memref_slice %arg3[%mul3A_2, %dma_wait3A_73] : memref<2560x128xi32, #tpu.memory_space<hbm>> -> memref<80x128xi32, #tpu.memory_space<hbm>>
      tpu.wait_dma2 semaphore(%run_scoped3A : memref<!tpu.dma_semaphore, #tpu.memory_space<semaphore_mem>>) src(%dma_wait3A_74 : memref<80x128xi32, #tpu.memory_space<hbm>>) dst(%arg5 : memref<80x128xi32, #tpu.memory_space<vmem>>)
      tpu.yield
    }) : () -> ()
    %mul3A_3 = arith.constant 10240 : i32
    %mul3A_4 = arith.muli %add3A, %mul3A_3 : i32
    %dma_start3A = arith.constant 0 : i32
    %dma_start3A_5 = arith.constant 0 : i32
    %dma_start3A_6 = tpu.memref_slice %arg5[%dma_start3A, %dma_start3A_5] : memref<80x128xi32, #tpu.memory_space<vmem>> -> memref<1x128xi32, #tpu.memory_space<vmem>>
    %dma_start3A_7 = tpu.memref_squeeze %dma_start3A_6 : memref<1x128xi32, #tpu.memory_space<vmem>> -> memref<128xi32, #tpu.memory_space<vmem>>
    %dma_start3A_8 = arith.constant 0 : i32
    %dma_start3A_9 = arith.constant 0 : i32
    %dma_start3A_10 = tpu.memref_slice %arg2[%dma_start3A_8, %dma_start3A_9] : memref<10240x128xf32, #tpu.memory_space<hbm>> -> memref<10240x128xf32, #tpu.memory_space<hbm>>
    tpu.enqueue_indirect_dma source(%dma_start3A_10 : memref<10240x128xf32, #tpu.memory_space<hbm>>) target(%arg6 : memref<128x128xf32, #tpu.memory_space<vmem>>) offsets(%dma_start3A_7 : memref<128xi32, #tpu.memory_space<vmem>>) semaphore(%arg10 : memref<!tpu.dma_semaphore, #tpu.memory_space<semaphore_mem>>)
    %dma_start3A_11 = arith.constant 1 : i32
    %dma_start3A_12 = arith.constant 0 : i32
    %dma_start3A_13 = tpu.memref_slice %arg5[%dma_start3A_11, %dma_start3A_12] : memref<80x128xi32, #tpu.memory_space<vmem>> -> memref<1x128xi32, #tpu.memory_space<vmem>>
    %dma_start3A_14 = tpu.memref_squeeze %dma_start3A_13 : memref<1x128xi32, #tpu.memory_space<vmem>> -> memref<128xi32, #tpu.memory_space<vmem>>
    %dma_start3A_15 = arith.constant 0 : i32
    %dma_start3A_16 = arith.constant 0 : i32
    %dma_start3A_17 = tpu.memref_slice %arg2[%dma_start3A_15, %dma_start3A_16] : memref<10240x128xf32, #tpu.memory_space<hbm>> -> memref<10240x128xf32, #tpu.memory_space<hbm>>
    tpu.enqueue_indirect_dma source(%dma_start3A_17 : memref<10240x128xf32, #tpu.memory_space<hbm>>) target(%arg7 : memref<128x128xf32, #tpu.memory_space<vmem>>) offsets(%dma_start3A_14 : memref<128xi32, #tpu.memory_space<vmem>>) semaphore(%arg11 : memref<!tpu.dma_semaphore, #tpu.memory_space<semaphore_mem>>)
    %dma_start3A_18 = arith.constant 2 : i32
    %dma_start3A_19 = arith.constant 0 : i32
    %dma_start3A_20 = tpu.memref_slice %arg5[%dma_start3A_18, %dma_start3A_19] : memref<80x128xi32, #tpu.memory_space<vmem>> -> memref<1x128xi32, #tpu.memory_space<vmem>>
    %dma_start3A_21 = tpu.memref_squeeze %dma_start3A_20 : memref<1x128xi32, #tpu.memory_space<vmem>> -> memref<128xi32, #tpu.memory_space<vmem>>
    %dma_start3A_22 = arith.constant 0 : i32
    %dma_start3A_23 = arith.constant 0 : i32
    %dma_start3A_24 = tpu.memref_slice %arg2[%dma_start3A_22, %dma_start3A_23] : memref<10240x128xf32, #tpu.memory_space<hbm>> -> memref<10240x128xf32, #tpu.memory_space<hbm>>
    tpu.enqueue_indirect_dma source(%dma_start3A_24 : memref<10240x128xf32, #tpu.memory_space<hbm>>) target(%arg8 : memref<128x128xf32, #tpu.memory_space<vmem>>) offsets(%dma_start3A_21 : memref<128xi32, #tpu.memory_space<vmem>>) semaphore(%arg12 : memref<!tpu.dma_semaphore, #tpu.memory_space<semaphore_mem>>)
    %dma_start3A_25 = arith.constant 3 : i32
    %dma_start3A_26 = arith.constant 0 : i32
    %dma_start3A_27 = tpu.memref_slice %arg5[%dma_start3A_25, %dma_start3A_26] : memref<80x128xi32, #tpu.memory_space<vmem>> -> memref<1x128xi32, #tpu.memory_space<vmem>>
    %dma_start3A_28 = tpu.memref_squeeze %dma_start3A_27 : memref<1x128xi32, #tpu.memory_space<vmem>> -> memref<128xi32, #tpu.memory_space<vmem>>
    %dma_start3A_29 = arith.constant 0 : i32
    %dma_start3A_30 = arith.constant 0 : i32
    %dma_start3A_31 = tpu.memref_slice %arg2[%dma_start3A_29, %dma_start3A_30] : memref<10240x128xf32, #tpu.memory_space<hbm>> -> memref<10240x128xf32, #tpu.memory_space<hbm>>
    tpu.enqueue_indirect_dma source(%dma_start3A_31 : memref<10240x128xf32, #tpu.memory_space<hbm>>) target(%arg9 : memref<128x128xf32, #tpu.memory_space<vmem>>) offsets(%dma_start3A_28 : memref<128xi32, #tpu.memory_space<vmem>>) semaphore(%arg13 : memref<!tpu.dma_semaphore, #tpu.memory_space<semaphore_mem>>)
    %scan3A = arith.constant 0 : i32
    %scan3A_32 = arith.constant 0 : i32
    %scan3A_33 = arith.constant 20 : i32
    %scan3A_34 = arith.addi %scan3A_32, %scan3A_33 : i32
    %scan3A_35 = arith.constant 1 : i32
    scf.for %scan3A_67 = %scan3A_32 to %scan3A_34 step %scan3A_35  : i32 {
      %mul3A_68 = arith.constant 4 : i32
      %mul3A_69 = arith.muli %scan3A_67, %mul3A_68 : i32
      %add3A_70 = arith.constant 0 : i32
      %add3A_71 = arith.addi %mul3A_69, %add3A_70 : i32
      %mul3A_72 = arith.constant 128 : i32
      %mul3A_73 = arith.muli %add3A_71, %mul3A_72 : i32
      %add3A_74 = arith.addi %mul3A_4, %mul3A_73 : i32
      %add3A_75 = arith.constant 0 : i32
      %add3A_76 = arith.addi %mul3A_69, %add3A_75 : i32
      %dma_wait3A_77 = arith.constant 0 : i32
      %dma_wait3A_78 = tpu.memref_slice %arg5[%add3A_76, %dma_wait3A_77] : memref<80x128xi32, #tpu.memory_space<vmem>> -> memref<1x128xi32, #tpu.memory_space<vmem>>
      %dma_wait3A_79 = tpu.memref_squeeze %dma_wait3A_78 : memref<1x128xi32, #tpu.memory_space<vmem>> -> memref<128xi32, #tpu.memory_space<vmem>>
      %dma_wait3A_80 = arith.constant 0 : i32
      %dma_wait3A_81 = arith.constant 0 : i32
      %dma_wait3A_82 = tpu.memref_slice %arg2[%dma_wait3A_80, %dma_wait3A_81] : memref<10240x128xf32, #tpu.memory_space<hbm>> -> memref<10240x128xf32, #tpu.memory_space<hbm>>
      tpu.wait_indirect_dma semaphore(%arg10 : memref<!tpu.dma_semaphore, #tpu.memory_space<semaphore_mem>>) src(%dma_wait3A_82 : memref<10240x128xf32, #tpu.memory_space<hbm>>) dst(%arg6 : memref<128x128xf32, #tpu.memory_space<vmem>>)
      %dma_start3A_83 = arith.constant 0 : i32
      %dma_start3A_84 = tpu.memref_slice %arg4[%add3A_74, %dma_start3A_83] : memref<327680x128xf32, #tpu.memory_space<hbm>> -> memref<128x128xf32, #tpu.memory_space<hbm>>
      %dma_start3A_85 = arith.constant 0 : i32
      %dma_start3A_86 = tpu.memref_slice %arg4[%add3A_74, %dma_start3A_85] : memref<327680x128xf32, #tpu.memory_space<hbm>> -> memref<128x128xf32, #tpu.memory_space<hbm>>
      tpu.enqueue_dma source(%arg6 : memref<128x128xf32, #tpu.memory_space<vmem>>) target(%dma_start3A_86 : memref<128x128xf32, #tpu.memory_space<hbm>>) target_semaphore(%arg14 : memref<!tpu.dma_semaphore, #tpu.memory_space<semaphore_mem>>)
      %add3A_87 = arith.constant 1 : i32
      %add3A_88 = arith.addi %mul3A_69, %add3A_87 : i32
      %mul3A_89 = arith.constant 128 : i32
      %mul3A_90 = arith.muli %add3A_88, %mul3A_89 : i32
      %add3A_91 = arith.addi %mul3A_4, %mul3A_90 : i32
      %add3A_92 = arith.constant 1 : i32
      %add3A_93 = arith.addi %mul3A_69, %add3A_92 : i32
      %dma_wait3A_94 = arith.constant 0 : i32
      %dma_wait3A_95 = tpu.memref_slice %arg5[%add3A_93, %dma_wait3A_94] : memref<80x128xi32, #tpu.memory_space<vmem>> -> memref<1x128xi32, #tpu.memory_space<vmem>>
      %dma_wait3A_96 = tpu.memref_squeeze %dma_wait3A_95 : memref<1x128xi32, #tpu.memory_space<vmem>> -> memref<128xi32, #tpu.memory_space<vmem>>
      %dma_wait3A_97 = arith.constant 0 : i32
      %dma_wait3A_98 = arith.constant 0 : i32
      %dma_wait3A_99 = tpu.memref_slice %arg2[%dma_wait3A_97, %dma_wait3A_98] : memref<10240x128xf32, #tpu.memory_space<hbm>> -> memref<10240x128xf32, #tpu.memory_space<hbm>>
      tpu.wait_indirect_dma semaphore(%arg11 : memref<!tpu.dma_semaphore, #tpu.memory_space<semaphore_mem>>) src(%dma_wait3A_99 : memref<10240x128xf32, #tpu.memory_space<hbm>>) dst(%arg7 : memref<128x128xf32, #tpu.memory_space<vmem>>)
      %dma_start3A_100 = arith.constant 0 : i32
      %dma_start3A_101 = tpu.memref_slice %arg4[%add3A_91, %dma_start3A_100] : memref<327680x128xf32, #tpu.memory_space<hbm>> -> memref<128x128xf32, #tpu.memory_space<hbm>>
      %dma_start3A_102 = arith.constant 0 : i32
      %dma_start3A_103 = tpu.memref_slice %arg4[%add3A_91, %dma_start3A_102] : memref<327680x128xf32, #tpu.memory_space<hbm>> -> memref<128x128xf32, #tpu.memory_space<hbm>>
      tpu.enqueue_dma source(%arg7 : memref<128x128xf32, #tpu.memory_space<vmem>>) target(%dma_start3A_103 : memref<128x128xf32, #tpu.memory_space<hbm>>) target_semaphore(%arg15 : memref<!tpu.dma_semaphore, #tpu.memory_space<semaphore_mem>>)
      %add3A_104 = arith.constant 2 : i32
      %add3A_105 = arith.addi %mul3A_69, %add3A_104 : i32
      %mul3A_106 = arith.constant 128 : i32
      %mul3A_107 = arith.muli %add3A_105, %mul3A_106 : i32
      %add3A_108 = arith.addi %mul3A_4, %mul3A_107 : i32
      %add3A_109 = arith.constant 2 : i32
      %add3A_110 = arith.addi %mul3A_69, %add3A_109 : i32
      %dma_wait3A_111 = arith.constant 0 : i32
      %dma_wait3A_112 = tpu.memref_slice %arg5[%add3A_110, %dma_wait3A_111] : memref<80x128xi32, #tpu.memory_space<vmem>> -> memref<1x128xi32, #tpu.memory_space<vmem>>
      %dma_wait3A_113 = tpu.memref_squeeze %dma_wait3A_112 : memref<1x128xi32, #tpu.memory_space<vmem>> -> memref<128xi32, #tpu.memory_space<vmem>>
      %dma_wait3A_114 = arith.constant 0 : i32
      %dma_wait3A_115 = arith.constant 0 : i32
      %dma_wait3A_116 = tpu.memref_slice %arg2[%dma_wait3A_114, %dma_wait3A_115] : memref<10240x128xf32, #tpu.memory_space<hbm>> -> memref<10240x128xf32, #tpu.memory_space<hbm>>
      tpu.wait_indirect_dma semaphore(%arg12 : memref<!tpu.dma_semaphore, #tpu.memory_space<semaphore_mem>>) src(%dma_wait3A_116 : memref<10240x128xf32, #tpu.memory_space<hbm>>) dst(%arg8 : memref<128x128xf32, #tpu.memory_space<vmem>>)
      %dma_start3A_117 = arith.constant 0 : i32
      %dma_start3A_118 = tpu.memref_slice %arg4[%add3A_108, %dma_start3A_117] : memref<327680x128xf32, #tpu.memory_space<hbm>> -> memref<128x128xf32, #tpu.memory_space<hbm>>
      %dma_start3A_119 = arith.constant 0 : i32
      %dma_start3A_120 = tpu.memref_slice %arg4[%add3A_108, %dma_start3A_119] : memref<327680x128xf32, #tpu.memory_space<hbm>> -> memref<128x128xf32, #tpu.memory_space<hbm>>
      tpu.enqueue_dma source(%arg8 : memref<128x128xf32, #tpu.memory_space<vmem>>) target(%dma_start3A_120 : memref<128x128xf32, #tpu.memory_space<hbm>>) target_semaphore(%arg16 : memref<!tpu.dma_semaphore, #tpu.memory_space<semaphore_mem>>)
      %add3A_121 = arith.constant 3 : i32
      %add3A_122 = arith.addi %mul3A_69, %add3A_121 : i32
      %mul3A_123 = arith.constant 128 : i32
      %mul3A_124 = arith.muli %add3A_122, %mul3A_123 : i32
      %add3A_125 = arith.addi %mul3A_4, %mul3A_124 : i32
      %add3A_126 = arith.constant 3 : i32
      %add3A_127 = arith.addi %mul3A_69, %add3A_126 : i32
      %dma_wait3A_128 = arith.constant 0 : i32
      %dma_wait3A_129 = tpu.memref_slice %arg5[%add3A_127, %dma_wait3A_128] : memref<80x128xi32, #tpu.memory_space<vmem>> -> memref<1x128xi32, #tpu.memory_space<vmem>>
      %dma_wait3A_130 = tpu.memref_squeeze %dma_wait3A_129 : memref<1x128xi32, #tpu.memory_space<vmem>> -> memref<128xi32, #tpu.memory_space<vmem>>
      %dma_wait3A_131 = arith.constant 0 : i32
      %dma_wait3A_132 = arith.constant 0 : i32
      %dma_wait3A_133 = tpu.memref_slice %arg2[%dma_wait3A_131, %dma_wait3A_132] : memref<10240x128xf32, #tpu.memory_space<hbm>> -> memref<10240x128xf32, #tpu.memory_space<hbm>>
      tpu.wait_indirect_dma semaphore(%arg13 : memref<!tpu.dma_semaphore, #tpu.memory_space<semaphore_mem>>) src(%dma_wait3A_133 : memref<10240x128xf32, #tpu.memory_space<hbm>>) dst(%arg9 : memref<128x128xf32, #tpu.memory_space<vmem>>)
      %dma_start3A_134 = arith.constant 0 : i32
      %dma_start3A_135 = tpu.memref_slice %arg4[%add3A_125, %dma_start3A_134] : memref<327680x128xf32, #tpu.memory_space<hbm>> -> memref<128x128xf32, #tpu.memory_space<hbm>>
      %dma_start3A_136 = arith.constant 0 : i32
      %dma_start3A_137 = tpu.memref_slice %arg4[%add3A_125, %dma_start3A_136] : memref<327680x128xf32, #tpu.memory_space<hbm>> -> memref<128x128xf32, #tpu.memory_space<hbm>>
      tpu.enqueue_dma source(%arg9 : memref<128x128xf32, #tpu.memory_space<vmem>>) target(%dma_start3A_137 : memref<128x128xf32, #tpu.memory_space<hbm>>) target_semaphore(%arg17 : memref<!tpu.dma_semaphore, #tpu.memory_space<semaphore_mem>>)
      %lt3A = arith.constant 19 : i32
      %lt3A_138 = arith.cmpi slt, %scan3A_67, %lt3A : i32
      %convert_element_type3A = arith.extui %lt3A_138 : i1 to i32
      %cond3A = arith.constant 0 : i32
      %cond3A_139 = arith.cmpi ne, %convert_element_type3A, %cond3A : i32
      scf.if %cond3A_139 {
        %add3A_140 = arith.constant 0 : i32
        %add3A_141 = arith.addi %mul3A_69, %add3A_140 : i32
        %mul3A_142 = arith.constant 128 : i32
        %mul3A_143 = arith.muli %add3A_141, %mul3A_142 : i32
        %add3A_144 = arith.addi %mul3A_4, %mul3A_143 : i32
        %dma_wait3A_145 = arith.constant 0 : i32
        %dma_wait3A_146 = tpu.memref_slice %arg4[%add3A_144, %dma_wait3A_145] : memref<327680x128xf32, #tpu.memory_space<hbm>> -> memref<128x128xf32, #tpu.memory_space<hbm>>
        %dma_wait3A_147 = arith.constant 0 : i32
        %dma_wait3A_148 = tpu.memref_slice %arg4[%add3A_144, %dma_wait3A_147] : memref<327680x128xf32, #tpu.memory_space<hbm>> -> memref<128x128xf32, #tpu.memory_space<hbm>>
        tpu.wait_dma2 semaphore(%arg14 : memref<!tpu.dma_semaphore, #tpu.memory_space<semaphore_mem>>) src(%arg6 : memref<128x128xf32, #tpu.memory_space<vmem>>) dst(%dma_wait3A_148 : memref<128x128xf32, #tpu.memory_space<hbm>>)
        %add3A_149 = arith.constant 4 : i32
        %add3A_150 = arith.addi %mul3A_69, %add3A_149 : i32
        %add3A_151 = arith.constant 0 : i32
        %add3A_152 = arith.addi %add3A_150, %add3A_151 : i32
        %dma_start3A_153 = arith.constant 0 : i32
        %dma_start3A_154 = tpu.memref_slice %arg5[%add3A_152, %dma_start3A_153] : memref<80x128xi32, #tpu.memory_space<vmem>> -> memref<1x128xi32, #tpu.memory_space<vmem>>
        %dma_start3A_155 = tpu.memref_squeeze %dma_start3A_154 : memref<1x128xi32, #tpu.memory_space<vmem>> -> memref<128xi32, #tpu.memory_space<vmem>>
        %dma_start3A_156 = arith.constant 0 : i32
        %dma_start3A_157 = arith.constant 0 : i32
        %dma_start3A_158 = tpu.memref_slice %arg2[%dma_start3A_156, %dma_start3A_157] : memref<10240x128xf32, #tpu.memory_space<hbm>> -> memref<10240x128xf32, #tpu.memory_space<hbm>>
        tpu.enqueue_indirect_dma source(%dma_start3A_158 : memref<10240x128xf32, #tpu.memory_space<hbm>>) target(%arg6 : memref<128x128xf32, #tpu.memory_space<vmem>>) offsets(%dma_start3A_155 : memref<128xi32, #tpu.memory_space<vmem>>) semaphore(%arg10 : memref<!tpu.dma_semaphore, #tpu.memory_space<semaphore_mem>>)
        %add3A_159 = arith.constant 1 : i32
        %add3A_160 = arith.addi %mul3A_69, %add3A_159 : i32
        %mul3A_161 = arith.constant 128 : i32
        %mul3A_162 = arith.muli %add3A_160, %mul3A_161 : i32
        %add3A_163 = arith.addi %mul3A_4, %mul3A_162 : i32
        %dma_wait3A_164 = arith.constant 0 : i32
        %dma_wait3A_165 = tpu.memref_slice %arg4[%add3A_163, %dma_wait3A_164] : memref<327680x128xf32, #tpu.memory_space<hbm>> -> memref<128x128xf32, #tpu.memory_space<hbm>>
        %dma_wait3A_166 = arith.constant 0 : i32
        %dma_wait3A_167 = tpu.memref_slice %arg4[%add3A_163, %dma_wait3A_166] : memref<327680x128xf32, #tpu.memory_space<hbm>> -> memref<128x128xf32, #tpu.memory_space<hbm>>
        tpu.wait_dma2 semaphore(%arg15 : memref<!tpu.dma_semaphore, #tpu.memory_space<semaphore_mem>>) src(%arg7 : memref<128x128xf32, #tpu.memory_space<vmem>>) dst(%dma_wait3A_167 : memref<128x128xf32, #tpu.memory_space<hbm>>)
        %add3A_168 = arith.constant 4 : i32
        %add3A_169 = arith.addi %mul3A_69, %add3A_168 : i32
        %add3A_170 = arith.constant 1 : i32
        %add3A_171 = arith.addi %add3A_169, %add3A_170 : i32
        %dma_start3A_172 = arith.constant 0 : i32
        %dma_start3A_173 = tpu.memref_slice %arg5[%add3A_171, %dma_start3A_172] : memref<80x128xi32, #tpu.memory_space<vmem>> -> memref<1x128xi32, #tpu.memory_space<vmem>>
        %dma_start3A_174 = tpu.memref_squeeze %dma_start3A_173 : memref<1x128xi32, #tpu.memory_space<vmem>> -> memref<128xi32, #tpu.memory_space<vmem>>
        %dma_start3A_175 = arith.constant 0 : i32
        %dma_start3A_176 = arith.constant 0 : i32
        %dma_start3A_177 = tpu.memref_slice %arg2[%dma_start3A_175, %dma_start3A_176] : memref<10240x128xf32, #tpu.memory_space<hbm>> -> memref<10240x128xf32, #tpu.memory_space<hbm>>
        tpu.enqueue_indirect_dma source(%dma_start3A_177 : memref<10240x128xf32, #tpu.memory_space<hbm>>) target(%arg7 : memref<128x128xf32, #tpu.memory_space<vmem>>) offsets(%dma_start3A_174 : memref<128xi32, #tpu.memory_space<vmem>>) semaphore(%arg11 : memref<!tpu.dma_semaphore, #tpu.memory_space<semaphore_mem>>)
        %add3A_178 = arith.constant 2 : i32
        %add3A_179 = arith.addi %mul3A_69, %add3A_178 : i32
        %mul3A_180 = arith.constant 128 : i32
        %mul3A_181 = arith.muli %add3A_179, %mul3A_180 : i32
        %add3A_182 = arith.addi %mul3A_4, %mul3A_181 : i32
        %dma_wait3A_183 = arith.constant 0 : i32
        %dma_wait3A_184 = tpu.memref_slice %arg4[%add3A_182, %dma_wait3A_183] : memref<327680x128xf32, #tpu.memory_space<hbm>> -> memref<128x128xf32, #tpu.memory_space<hbm>>
        %dma_wait3A_185 = arith.constant 0 : i32
        %dma_wait3A_186 = tpu.memref_slice %arg4[%add3A_182, %dma_wait3A_185] : memref<327680x128xf32, #tpu.memory_space<hbm>> -> memref<128x128xf32, #tpu.memory_space<hbm>>
        tpu.wait_dma2 semaphore(%arg16 : memref<!tpu.dma_semaphore, #tpu.memory_space<semaphore_mem>>) src(%arg8 : memref<128x128xf32, #tpu.memory_space<vmem>>) dst(%dma_wait3A_186 : memref<128x128xf32, #tpu.memory_space<hbm>>)
        %add3A_187 = arith.constant 4 : i32
        %add3A_188 = arith.addi %mul3A_69, %add3A_187 : i32
        %add3A_189 = arith.constant 2 : i32
        %add3A_190 = arith.addi %add3A_188, %add3A_189 : i32
        %dma_start3A_191 = arith.constant 0 : i32
        %dma_start3A_192 = tpu.memref_slice %arg5[%add3A_190, %dma_start3A_191] : memref<80x128xi32, #tpu.memory_space<vmem>> -> memref<1x128xi32, #tpu.memory_space<vmem>>
        %dma_start3A_193 = tpu.memref_squeeze %dma_start3A_192 : memref<1x128xi32, #tpu.memory_space<vmem>> -> memref<128xi32, #tpu.memory_space<vmem>>
        %dma_start3A_194 = arith.constant 0 : i32
        %dma_start3A_195 = arith.constant 0 : i32
        %dma_start3A_196 = tpu.memref_slice %arg2[%dma_start3A_194, %dma_start3A_195] : memref<10240x128xf32, #tpu.memory_space<hbm>> -> memref<10240x128xf32, #tpu.memory_space<hbm>>
        tpu.enqueue_indirect_dma source(%dma_start3A_196 : memref<10240x128xf32, #tpu.memory_space<hbm>>) target(%arg8 : memref<128x128xf32, #tpu.memory_space<vmem>>) offsets(%dma_start3A_193 : memref<128xi32, #tpu.memory_space<vmem>>) semaphore(%arg12 : memref<!tpu.dma_semaphore, #tpu.memory_space<semaphore_mem>>)
        %add3A_197 = arith.constant 3 : i32
        %add3A_198 = arith.addi %mul3A_69, %add3A_197 : i32
        %mul3A_199 = arith.constant 128 : i32
        %mul3A_200 = arith.muli %add3A_198, %mul3A_199 : i32
        %add3A_201 = arith.addi %mul3A_4, %mul3A_200 : i32
        %dma_wait3A_202 = arith.constant 0 : i32
        %dma_wait3A_203 = tpu.memref_slice %arg4[%add3A_201, %dma_wait3A_202] : memref<327680x128xf32, #tpu.memory_space<hbm>> -> memref<128x128xf32, #tpu.memory_space<hbm>>
        %dma_wait3A_204 = arith.constant 0 : i32
        %dma_wait3A_205 = tpu.memref_slice %arg4[%add3A_201, %dma_wait3A_204] : memref<327680x128xf32, #tpu.memory_space<hbm>> -> memref<128x128xf32, #tpu.memory_space<hbm>>
        tpu.wait_dma2 semaphore(%arg17 : memref<!tpu.dma_semaphore, #tpu.memory_space<semaphore_mem>>) src(%arg9 : memref<128x128xf32, #tpu.memory_space<vmem>>) dst(%dma_wait3A_205 : memref<128x128xf32, #tpu.memory_space<hbm>>)
        %add3A_206 = arith.constant 4 : i32
        %add3A_207 = arith.addi %mul3A_69, %add3A_206 : i32
        %add3A_208 = arith.constant 3 : i32
        %add3A_209 = arith.addi %add3A_207, %add3A_208 : i32
        %dma_start3A_210 = arith.constant 0 : i32
        %dma_start3A_211 = tpu.memref_slice %arg5[%add3A_209, %dma_start3A_210] : memref<80x128xi32, #tpu.memory_space<vmem>> -> memref<1x128xi32, #tpu.memory_space<vmem>>
        %dma_start3A_212 = tpu.memref_squeeze %dma_start3A_211 : memref<1x128xi32, #tpu.memory_space<vmem>> -> memref<128xi32, #tpu.memory_space<vmem>>
        %dma_start3A_213 = arith.constant 0 : i32
        %dma_start3A_214 = arith.constant 0 : i32
        %dma_start3A_215 = tpu.memref_slice %arg2[%dma_start3A_213, %dma_start3A_214] : memref<10240x128xf32, #tpu.memory_space<hbm>> -> memref<10240x128xf32, #tpu.memory_space<hbm>>
        tpu.enqueue_indirect_dma source(%dma_start3A_215 : memref<10240x128xf32, #tpu.memory_space<hbm>>) target(%arg9 : memref<128x128xf32, #tpu.memory_space<vmem>>) offsets(%dma_start3A_212 : memref<128xi32, #tpu.memory_space<vmem>>) semaphore(%arg13 : memref<!tpu.dma_semaphore, #tpu.memory_space<semaphore_mem>>)
      } else {
      }
    }
    %scan3A_36 = arith.constant 20 : i32
    %add3A_37 = arith.constant 10240 : i32
    %add3A_38 = arith.addi %mul3A_4, %add3A_37 : i32
    %sub3A = arith.constant 512 : i32
    %sub3A_39 = arith.subi %add3A_38, %sub3A : i32
    %dma_wait3A = arith.constant 0 : i32
    %dma_wait3A_40 = tpu.memref_slice %arg4[%sub3A_39, %dma_wait3A] : memref<327680x128xf32, #tpu.memory_space<hbm>> -> memref<128x128xf32, #tpu.memory_space<hbm>>
    %dma_wait3A_41 = arith.constant 0 : i32
    %dma_wait3A_42 = tpu.memref_slice %arg4[%sub3A_39, %dma_wait3A_41] : memref<327680x128xf32, #tpu.memory_space<hbm>> -> memref<128x128xf32, #tpu.memory_space<hbm>>
    tpu.wait_dma2 semaphore(%arg14 : memref<!tpu.dma_semaphore, #tpu.memory_space<semaphore_mem>>) src(%arg6 : memref<128x128xf32, #tpu.memory_space<vmem>>) dst(%dma_wait3A_42 : memref<128x128xf32, #tpu.memory_space<hbm>>)
    %add3A_43 = arith.constant 10240 : i32
    %add3A_44 = arith.addi %mul3A_4, %add3A_43 : i32
    %sub3A_45 = arith.constant 384 : i32
    %sub3A_46 = arith.subi %add3A_44, %sub3A_45 : i32
    %dma_wait3A_47 = arith.constant 0 : i32
    %dma_wait3A_48 = tpu.memref_slice %arg4[%sub3A_46, %dma_wait3A_47] : memref<327680x128xf32, #tpu.memory_space<hbm>> -> memref<128x128xf32, #tpu.memory_space<hbm>>
    %dma_wait3A_49 = arith.constant 0 : i32
    %dma_wait3A_50 = tpu.memref_slice %arg4[%sub3A_46, %dma_wait3A_49] : memref<327680x128xf32, #tpu.memory_space<hbm>> -> memref<128x128xf32, #tpu.memory_space<hbm>>
    tpu.wait_dma2 semaphore(%arg15 : memref<!tpu.dma_semaphore, #tpu.memory_space<semaphore_mem>>) src(%arg7 : memref<128x128xf32, #tpu.memory_space<vmem>>) dst(%dma_wait3A_50 : memref<128x128xf32, #tpu.memory_space<hbm>>)
    %add3A_51 = arith.constant 10240 : i32
    %add3A_52 = arith.addi %mul3A_4, %add3A_51 : i32
    %sub3A_53 = arith.constant 256 : i32
    %sub3A_54 = arith.subi %add3A_52, %sub3A_53 : i32
    %dma_wait3A_55 = arith.constant 0 : i32
    %dma_wait3A_56 = tpu.memref_slice %arg4[%sub3A_54, %dma_wait3A_55] : memref<327680x128xf32, #tpu.memory_space<hbm>> -> memref<128x128xf32, #tpu.memory_space<hbm>>
    %dma_wait3A_57 = arith.constant 0 : i32
    %dma_wait3A_58 = tpu.memref_slice %arg4[%sub3A_54, %dma_wait3A_57] : memref<327680x128xf32, #tpu.memory_space<hbm>> -> memref<128x128xf32, #tpu.memory_space<hbm>>
    tpu.wait_dma2 semaphore(%arg16 : memref<!tpu.dma_semaphore, #tpu.memory_space<semaphore_mem>>) src(%arg8 : memref<128x128xf32, #tpu.memory_space<vmem>>) dst(%dma_wait3A_58 : memref<128x128xf32, #tpu.memory_space<hbm>>)
    %add3A_59 = arith.constant 10240 : i32
    %add3A_60 = arith.addi %mul3A_4, %add3A_59 : i32
    %sub3A_61 = arith.constant 128 : i32
    %sub3A_62 = arith.subi %add3A_60, %sub3A_61 : i32
    %dma_wait3A_63 = arith.constant 0 : i32
    %dma_wait3A_64 = tpu.memref_slice %arg4[%sub3A_62, %dma_wait3A_63] : memref<327680x128xf32, #tpu.memory_space<hbm>> -> memref<128x128xf32, #tpu.memory_space<hbm>>
    %dma_wait3A_65 = arith.constant 0 : i32
    %dma_wait3A_66 = tpu.memref_slice %arg4[%sub3A_62, %dma_wait3A_65] : memref<327680x128xf32, #tpu.memory_space<hbm>> -> memref<128x128xf32, #tpu.memory_space<hbm>>
    tpu.wait_dma2 semaphore(%arg17 : memref<!tpu.dma_semaphore, #tpu.memory_space<semaphore_mem>>) src(%arg9 : memref<128x128xf32, #tpu.memory_space<vmem>>) dst(%dma_wait3A_66 : memref<128x128xf32, #tpu.memory_space<hbm>>)
    return
  }
}

#map = affine_map<(d0, d1) -> (0, 0)>
module attributes {stable_mosaic.version = 14 : i64} {
  func.func @k(%arg0: i32, %arg1: i32, %arg2: memref<10240x64xf32, #tpu.memory_space<hbm>>, %arg3: memref<2560x128xi32, #tpu.memory_space<hbm>>, %arg4: memref<327680x64xf32, #tpu.memory_space<hbm>>, %arg5: memref<80x128xi32, #tpu.memory_space<vmem>>, %arg6: memref<128x64xf32, #tpu.memory_space<vmem>>, %arg7: memref<128x64xf32, #tpu.memory_space<vmem>>, %arg8: memref<128x64xf32, #tpu.memory_space<vmem>>, %arg9: memref<128x64xf32, #tpu.memory_space<vmem>>, %arg10: memref<!tpu.dma_semaphore, #tpu.memory_space<semaphore_mem>>, %arg11: memref<!tpu.dma_semaphore, #tpu.memory_space<semaphore_mem>>, %arg12: memref<!tpu.dma_semaphore, #tpu.memory_space<semaphore_mem>>, %arg13: memref<!tpu.dma_semaphore, #tpu.memory_space<semaphore_mem>>, %arg14: memref<!tpu.dma_semaphore, #tpu.memory_space<semaphore_mem>>, %arg15: memref<!tpu.dma_semaphore, #tpu.memory_space<semaphore_mem>>, %arg16: memref<!tpu.dma_semaphore, #tpu.memory_space<semaphore_mem>>, %arg17: memref<!tpu.dma_semaphore, #tpu.memory_space<semaphore_mem>>) attributes {dimension_semantics = [#tpu.dimension_semantics<core_parallel>, #tpu.dimension_semantics<subcore_parallel>], iteration_bounds = array<i64: 2, 16>, scalar_prefetch = 0 : i64, scratch_operands = 13 : i64, tpu.core_type = #tpu.core_type<sc_vector_subcore>, window_params = [{transform_indices = #map}, {transform_indices = #map}, {transform_indices = #map}]} {
    %mul3A = arith.constant 2 : i32
    %mul3A_0 = arith.muli %arg1, %mul3A : i32
    %add3A = arith.addi %mul3A_0, %arg0 : i32
    %mul3A_1 = arith.constant 80 : i32
    %mul3A_2 = arith.muli %add3A, %mul3A_1 : i32
    "tpu.region"() ({
      %run_scoped3A = tpu.sem_alloc : memref<!tpu.dma_semaphore, #tpu.memory_space<semaphore_mem>>
      %dma_start3A_67 = arith.constant 0 : i32
      %dma_start3A_68 = tpu.memref_slice %arg3[%mul3A_2, %dma_start3A_67] : memref<2560x128xi32, #tpu.memory_space<hbm>> -> memref<80x128xi32, #tpu.memory_space<hbm>>
      %dma_start3A_69 = arith.constant 0 : i32
      %dma_start3A_70 = tpu.memref_slice %arg3[%mul3A_2, %dma_start3A_69] : memref<2560x128xi32, #tpu.memory_space<hbm>> -> memref<80x128xi32, #tpu.memory_space<hbm>>
      tpu.enqueue_dma source(%dma_start3A_70 : memref<80x128xi32, #tpu.memory_space<hbm>>) target(%arg5 : memref<80x128xi32, #tpu.memory_space<vmem>>) target_semaphore(%run_scoped3A : memref<!tpu.dma_semaphore, #tpu.memory_space<semaphore_mem>>)
      %dma_wait3A_71 = arith.constant 0 : i32
      %dma_wait3A_72 = tpu.memref_slice %arg3[%mul3A_2, %dma_wait3A_71] : memref<2560x128xi32, #tpu.memory_space<hbm>> -> memref<80x128xi32, #tpu.memory_space<hbm>>
      %dma_wait3A_73 = arith.constant 0 : i32
      %dma_wait3A_74 = tpu.memref_slice %arg3[%mul3A_2, %dma_wait3A_73] : memref<2560x128xi32, #tpu.memory_space<hbm>> -> memref<80x128xi32, #tpu.memory_space<hbm>>
      tpu.wait_dma2 semaphore(%run_scoped3A : memref<!tpu.dma_semaphore, #tpu.memory_space<semaphore_mem>>) src(%dma_wait3A_74 : memref<80x128xi32, #tpu.memory_space<hbm>>) dst(%arg5 : memref<80x128xi32, #tpu.memory_space<vmem>>)
      tpu.yield
    }) : () -> ()
    %mul3A_3 = arith.constant 10240 : i32
    %mul3A_4 = arith.muli %add3A, %mul3A_3 : i32
    %dma_start3A = arith.constant 0 : i32
    %dma_start3A_5 = arith.constant 0 : i32
    %dma_start3A_6 = tpu.memref_slice %arg5[%dma_start3A, %dma_start3A_5] : memref<80x128xi32, #tpu.memory_space<vmem>> -> memref<1x128xi32, #tpu.memory_space<vmem>>
    %dma_start3A_7 = tpu.memref_squeeze %dma_start3A_6 : memref<1x128xi32, #tpu.memory_space<vmem>> -> memref<128xi32, #tpu.memory_space<vmem>>
    %dma_start3A_8 = arith.constant 0 : i32
    %dma_start3A_9 = arith.constant 0 : i32
    %dma_start3A_10 = tpu.memref_slice %arg2[%dma_start3A_8, %dma_start3A_9] : memref<10240x64xf32, #tpu.memory_space<hbm>> -> memref<10240x64xf32, #tpu.memory_space<hbm>>
    tpu.enqueue_indirect_dma source(%dma_start3A_10 : memref<10240x64xf32, #tpu.memory_space<hbm>>) target(%arg6 : memref<128x64xf32, #tpu.memory_space<vmem>>) offsets(%dma_start3A_7 : memref<128xi32, #tpu.memory_space<vmem>>) semaphore(%arg10 : memref<!tpu.dma_semaphore, #tpu.memory_space<semaphore_mem>>)
    %dma_start3A_11 = arith.constant 1 : i32
    %dma_start3A_12 = arith.constant 0 : i32
    %dma_start3A_13 = tpu.memref_slice %arg5[%dma_start3A_11, %dma_start3A_12] : memref<80x128xi32, #tpu.memory_space<vmem>> -> memref<1x128xi32, #tpu.memory_space<vmem>>
    %dma_start3A_14 = tpu.memref_squeeze %dma_start3A_13 : memref<1x128xi32, #tpu.memory_space<vmem>> -> memref<128xi32, #tpu.memory_space<vmem>>
    %dma_start3A_15 = arith.constant 0 : i32
    %dma_start3A_16 = arith.constant 0 : i32
    %dma_start3A_17 = tpu.memref_slice %arg2[%dma_start3A_15, %dma_start3A_16] : memref<10240x64xf32, #tpu.memory_space<hbm>> -> memref<10240x64xf32, #tpu.memory_space<hbm>>
    tpu.enqueue_indirect_dma source(%dma_start3A_17 : memref<10240x64xf32, #tpu.memory_space<hbm>>) target(%arg7 : memref<128x64xf32, #tpu.memory_space<vmem>>) offsets(%dma_start3A_14 : memref<128xi32, #tpu.memory_space<vmem>>) semaphore(%arg11 : memref<!tpu.dma_semaphore, #tpu.memory_space<semaphore_mem>>)
    %dma_start3A_18 = arith.constant 2 : i32
    %dma_start3A_19 = arith.constant 0 : i32
    %dma_start3A_20 = tpu.memref_slice %arg5[%dma_start3A_18, %dma_start3A_19] : memref<80x128xi32, #tpu.memory_space<vmem>> -> memref<1x128xi32, #tpu.memory_space<vmem>>
    %dma_start3A_21 = tpu.memref_squeeze %dma_start3A_20 : memref<1x128xi32, #tpu.memory_space<vmem>> -> memref<128xi32, #tpu.memory_space<vmem>>
    %dma_start3A_22 = arith.constant 0 : i32
    %dma_start3A_23 = arith.constant 0 : i32
    %dma_start3A_24 = tpu.memref_slice %arg2[%dma_start3A_22, %dma_start3A_23] : memref<10240x64xf32, #tpu.memory_space<hbm>> -> memref<10240x64xf32, #tpu.memory_space<hbm>>
    tpu.enqueue_indirect_dma source(%dma_start3A_24 : memref<10240x64xf32, #tpu.memory_space<hbm>>) target(%arg8 : memref<128x64xf32, #tpu.memory_space<vmem>>) offsets(%dma_start3A_21 : memref<128xi32, #tpu.memory_space<vmem>>) semaphore(%arg12 : memref<!tpu.dma_semaphore, #tpu.memory_space<semaphore_mem>>)
    %dma_start3A_25 = arith.constant 3 : i32
    %dma_start3A_26 = arith.constant 0 : i32
    %dma_start3A_27 = tpu.memref_slice %arg5[%dma_start3A_25, %dma_start3A_26] : memref<80x128xi32, #tpu.memory_space<vmem>> -> memref<1x128xi32, #tpu.memory_space<vmem>>
    %dma_start3A_28 = tpu.memref_squeeze %dma_start3A_27 : memref<1x128xi32, #tpu.memory_space<vmem>> -> memref<128xi32, #tpu.memory_space<vmem>>
    %dma_start3A_29 = arith.constant 0 : i32
    %dma_start3A_30 = arith.constant 0 : i32
    %dma_start3A_31 = tpu.memref_slice %arg2[%dma_start3A_29, %dma_start3A_30] : memref<10240x64xf32, #tpu.memory_space<hbm>> -> memref<10240x64xf32, #tpu.memory_space<hbm>>
    tpu.enqueue_indirect_dma source(%dma_start3A_31 : memref<10240x64xf32, #tpu.memory_space<hbm>>) target(%arg9 : memref<128x64xf32, #tpu.memory_space<vmem>>) offsets(%dma_start3A_28 : memref<128xi32, #tpu.memory_space<vmem>>) semaphore(%arg13 : memref<!tpu.dma_semaphore, #tpu.memory_space<semaphore_mem>>)
    %scan3A = arith.constant 0 : i32
    %scan3A_32 = arith.constant 0 : i32
    %scan3A_33 = arith.constant 20 : i32
    %scan3A_34 = arith.addi %scan3A_32, %scan3A_33 : i32
    %scan3A_35 = arith.constant 1 : i32
    scf.for %scan3A_67 = %scan3A_32 to %scan3A_34 step %scan3A_35  : i32 {
      %mul3A_68 = arith.constant 4 : i32
      %mul3A_69 = arith.muli %scan3A_67, %mul3A_68 : i32
      %add3A_70 = arith.constant 0 : i32
      %add3A_71 = arith.addi %mul3A_69, %add3A_70 : i32
      %mul3A_72 = arith.constant 128 : i32
      %mul3A_73 = arith.muli %add3A_71, %mul3A_72 : i32
      %add3A_74 = arith.addi %mul3A_4, %mul3A_73 : i32
      %add3A_75 = arith.constant 0 : i32
      %add3A_76 = arith.addi %mul3A_69, %add3A_75 : i32
      %dma_wait3A_77 = arith.constant 0 : i32
      %dma_wait3A_78 = tpu.memref_slice %arg5[%add3A_76, %dma_wait3A_77] : memref<80x128xi32, #tpu.memory_space<vmem>> -> memref<1x128xi32, #tpu.memory_space<vmem>>
      %dma_wait3A_79 = tpu.memref_squeeze %dma_wait3A_78 : memref<1x128xi32, #tpu.memory_space<vmem>> -> memref<128xi32, #tpu.memory_space<vmem>>
      %dma_wait3A_80 = arith.constant 0 : i32
      %dma_wait3A_81 = arith.constant 0 : i32
      %dma_wait3A_82 = tpu.memref_slice %arg2[%dma_wait3A_80, %dma_wait3A_81] : memref<10240x64xf32, #tpu.memory_space<hbm>> -> memref<10240x64xf32, #tpu.memory_space<hbm>>
      tpu.wait_indirect_dma semaphore(%arg10 : memref<!tpu.dma_semaphore, #tpu.memory_space<semaphore_mem>>) src(%dma_wait3A_82 : memref<10240x64xf32, #tpu.memory_space<hbm>>) dst(%arg6 : memref<128x64xf32, #tpu.memory_space<vmem>>)
      %dma_start3A_83 = arith.constant 0 : i32
      %dma_start3A_84 = tpu.memref_slice %arg4[%add3A_74, %dma_start3A_83] : memref<327680x64xf32, #tpu.memory_space<hbm>> -> memref<128x64xf32, #tpu.memory_space<hbm>>
      %dma_start3A_85 = arith.constant 0 : i32
      %dma_start3A_86 = tpu.memref_slice %arg4[%add3A_74, %dma_start3A_85] : memref<327680x64xf32, #tpu.memory_space<hbm>> -> memref<128x64xf32, #tpu.memory_space<hbm>>
      tpu.enqueue_dma source(%arg6 : memref<128x64xf32, #tpu.memory_space<vmem>>) target(%dma_start3A_86 : memref<128x64xf32, #tpu.memory_space<hbm>>) target_semaphore(%arg14 : memref<!tpu.dma_semaphore, #tpu.memory_space<semaphore_mem>>)
      %add3A_87 = arith.constant 1 : i32
      %add3A_88 = arith.addi %mul3A_69, %add3A_87 : i32
      %mul3A_89 = arith.constant 128 : i32
      %mul3A_90 = arith.muli %add3A_88, %mul3A_89 : i32
      %add3A_91 = arith.addi %mul3A_4, %mul3A_90 : i32
      %add3A_92 = arith.constant 1 : i32
      %add3A_93 = arith.addi %mul3A_69, %add3A_92 : i32
      %dma_wait3A_94 = arith.constant 0 : i32
      %dma_wait3A_95 = tpu.memref_slice %arg5[%add3A_93, %dma_wait3A_94] : memref<80x128xi32, #tpu.memory_space<vmem>> -> memref<1x128xi32, #tpu.memory_space<vmem>>
      %dma_wait3A_96 = tpu.memref_squeeze %dma_wait3A_95 : memref<1x128xi32, #tpu.memory_space<vmem>> -> memref<128xi32, #tpu.memory_space<vmem>>
      %dma_wait3A_97 = arith.constant 0 : i32
      %dma_wait3A_98 = arith.constant 0 : i32
      %dma_wait3A_99 = tpu.memref_slice %arg2[%dma_wait3A_97, %dma_wait3A_98] : memref<10240x64xf32, #tpu.memory_space<hbm>> -> memref<10240x64xf32, #tpu.memory_space<hbm>>
      tpu.wait_indirect_dma semaphore(%arg11 : memref<!tpu.dma_semaphore, #tpu.memory_space<semaphore_mem>>) src(%dma_wait3A_99 : memref<10240x64xf32, #tpu.memory_space<hbm>>) dst(%arg7 : memref<128x64xf32, #tpu.memory_space<vmem>>)
      %dma_start3A_100 = arith.constant 0 : i32
      %dma_start3A_101 = tpu.memref_slice %arg4[%add3A_91, %dma_start3A_100] : memref<327680x64xf32, #tpu.memory_space<hbm>> -> memref<128x64xf32, #tpu.memory_space<hbm>>
      %dma_start3A_102 = arith.constant 0 : i32
      %dma_start3A_103 = tpu.memref_slice %arg4[%add3A_91, %dma_start3A_102] : memref<327680x64xf32, #tpu.memory_space<hbm>> -> memref<128x64xf32, #tpu.memory_space<hbm>>
      tpu.enqueue_dma source(%arg7 : memref<128x64xf32, #tpu.memory_space<vmem>>) target(%dma_start3A_103 : memref<128x64xf32, #tpu.memory_space<hbm>>) target_semaphore(%arg15 : memref<!tpu.dma_semaphore, #tpu.memory_space<semaphore_mem>>)
      %add3A_104 = arith.constant 2 : i32
      %add3A_105 = arith.addi %mul3A_69, %add3A_104 : i32
      %mul3A_106 = arith.constant 128 : i32
      %mul3A_107 = arith.muli %add3A_105, %mul3A_106 : i32
      %add3A_108 = arith.addi %mul3A_4, %mul3A_107 : i32
      %add3A_109 = arith.constant 2 : i32
      %add3A_110 = arith.addi %mul3A_69, %add3A_109 : i32
      %dma_wait3A_111 = arith.constant 0 : i32
      %dma_wait3A_112 = tpu.memref_slice %arg5[%add3A_110, %dma_wait3A_111] : memref<80x128xi32, #tpu.memory_space<vmem>> -> memref<1x128xi32, #tpu.memory_space<vmem>>
      %dma_wait3A_113 = tpu.memref_squeeze %dma_wait3A_112 : memref<1x128xi32, #tpu.memory_space<vmem>> -> memref<128xi32, #tpu.memory_space<vmem>>
      %dma_wait3A_114 = arith.constant 0 : i32
      %dma_wait3A_115 = arith.constant 0 : i32
      %dma_wait3A_116 = tpu.memref_slice %arg2[%dma_wait3A_114, %dma_wait3A_115] : memref<10240x64xf32, #tpu.memory_space<hbm>> -> memref<10240x64xf32, #tpu.memory_space<hbm>>
      tpu.wait_indirect_dma semaphore(%arg12 : memref<!tpu.dma_semaphore, #tpu.memory_space<semaphore_mem>>) src(%dma_wait3A_116 : memref<10240x64xf32, #tpu.memory_space<hbm>>) dst(%arg8 : memref<128x64xf32, #tpu.memory_space<vmem>>)
      %dma_start3A_117 = arith.constant 0 : i32
      %dma_start3A_118 = tpu.memref_slice %arg4[%add3A_108, %dma_start3A_117] : memref<327680x64xf32, #tpu.memory_space<hbm>> -> memref<128x64xf32, #tpu.memory_space<hbm>>
      %dma_start3A_119 = arith.constant 0 : i32
      %dma_start3A_120 = tpu.memref_slice %arg4[%add3A_108, %dma_start3A_119] : memref<327680x64xf32, #tpu.memory_space<hbm>> -> memref<128x64xf32, #tpu.memory_space<hbm>>
      tpu.enqueue_dma source(%arg8 : memref<128x64xf32, #tpu.memory_space<vmem>>) target(%dma_start3A_120 : memref<128x64xf32, #tpu.memory_space<hbm>>) target_semaphore(%arg16 : memref<!tpu.dma_semaphore, #tpu.memory_space<semaphore_mem>>)
      %add3A_121 = arith.constant 3 : i32
      %add3A_122 = arith.addi %mul3A_69, %add3A_121 : i32
      %mul3A_123 = arith.constant 128 : i32
      %mul3A_124 = arith.muli %add3A_122, %mul3A_123 : i32
      %add3A_125 = arith.addi %mul3A_4, %mul3A_124 : i32
      %add3A_126 = arith.constant 3 : i32
      %add3A_127 = arith.addi %mul3A_69, %add3A_126 : i32
      %dma_wait3A_128 = arith.constant 0 : i32
      %dma_wait3A_129 = tpu.memref_slice %arg5[%add3A_127, %dma_wait3A_128] : memref<80x128xi32, #tpu.memory_space<vmem>> -> memref<1x128xi32, #tpu.memory_space<vmem>>
      %dma_wait3A_130 = tpu.memref_squeeze %dma_wait3A_129 : memref<1x128xi32, #tpu.memory_space<vmem>> -> memref<128xi32, #tpu.memory_space<vmem>>
      %dma_wait3A_131 = arith.constant 0 : i32
      %dma_wait3A_132 = arith.constant 0 : i32
      %dma_wait3A_133 = tpu.memref_slice %arg2[%dma_wait3A_131, %dma_wait3A_132] : memref<10240x64xf32, #tpu.memory_space<hbm>> -> memref<10240x64xf32, #tpu.memory_space<hbm>>
      tpu.wait_indirect_dma semaphore(%arg13 : memref<!tpu.dma_semaphore, #tpu.memory_space<semaphore_mem>>) src(%dma_wait3A_133 : memref<10240x64xf32, #tpu.memory_space<hbm>>) dst(%arg9 : memref<128x64xf32, #tpu.memory_space<vmem>>)
      %dma_start3A_134 = arith.constant 0 : i32
      %dma_start3A_135 = tpu.memref_slice %arg4[%add3A_125, %dma_start3A_134] : memref<327680x64xf32, #tpu.memory_space<hbm>> -> memref<128x64xf32, #tpu.memory_space<hbm>>
      %dma_start3A_136 = arith.constant 0 : i32
      %dma_start3A_137 = tpu.memref_slice %arg4[%add3A_125, %dma_start3A_136] : memref<327680x64xf32, #tpu.memory_space<hbm>> -> memref<128x64xf32, #tpu.memory_space<hbm>>
      tpu.enqueue_dma source(%arg9 : memref<128x64xf32, #tpu.memory_space<vmem>>) target(%dma_start3A_137 : memref<128x64xf32, #tpu.memory_space<hbm>>) target_semaphore(%arg17 : memref<!tpu.dma_semaphore, #tpu.memory_space<semaphore_mem>>)
      %lt3A = arith.constant 19 : i32
      %lt3A_138 = arith.cmpi slt, %scan3A_67, %lt3A : i32
      %convert_element_type3A = arith.extui %lt3A_138 : i1 to i32
      %cond3A = arith.constant 0 : i32
      %cond3A_139 = arith.cmpi ne, %convert_element_type3A, %cond3A : i32
      scf.if %cond3A_139 {
        %add3A_140 = arith.constant 0 : i32
        %add3A_141 = arith.addi %mul3A_69, %add3A_140 : i32
        %mul3A_142 = arith.constant 128 : i32
        %mul3A_143 = arith.muli %add3A_141, %mul3A_142 : i32
        %add3A_144 = arith.addi %mul3A_4, %mul3A_143 : i32
        %dma_wait3A_145 = arith.constant 0 : i32
        %dma_wait3A_146 = tpu.memref_slice %arg4[%add3A_144, %dma_wait3A_145] : memref<327680x64xf32, #tpu.memory_space<hbm>> -> memref<128x64xf32, #tpu.memory_space<hbm>>
        %dma_wait3A_147 = arith.constant 0 : i32
        %dma_wait3A_148 = tpu.memref_slice %arg4[%add3A_144, %dma_wait3A_147] : memref<327680x64xf32, #tpu.memory_space<hbm>> -> memref<128x64xf32, #tpu.memory_space<hbm>>
        tpu.wait_dma2 semaphore(%arg14 : memref<!tpu.dma_semaphore, #tpu.memory_space<semaphore_mem>>) src(%arg6 : memref<128x64xf32, #tpu.memory_space<vmem>>) dst(%dma_wait3A_148 : memref<128x64xf32, #tpu.memory_space<hbm>>)
        %add3A_149 = arith.constant 4 : i32
        %add3A_150 = arith.addi %mul3A_69, %add3A_149 : i32
        %add3A_151 = arith.constant 0 : i32
        %add3A_152 = arith.addi %add3A_150, %add3A_151 : i32
        %dma_start3A_153 = arith.constant 0 : i32
        %dma_start3A_154 = tpu.memref_slice %arg5[%add3A_152, %dma_start3A_153] : memref<80x128xi32, #tpu.memory_space<vmem>> -> memref<1x128xi32, #tpu.memory_space<vmem>>
        %dma_start3A_155 = tpu.memref_squeeze %dma_start3A_154 : memref<1x128xi32, #tpu.memory_space<vmem>> -> memref<128xi32, #tpu.memory_space<vmem>>
        %dma_start3A_156 = arith.constant 0 : i32
        %dma_start3A_157 = arith.constant 0 : i32
        %dma_start3A_158 = tpu.memref_slice %arg2[%dma_start3A_156, %dma_start3A_157] : memref<10240x64xf32, #tpu.memory_space<hbm>> -> memref<10240x64xf32, #tpu.memory_space<hbm>>
        tpu.enqueue_indirect_dma source(%dma_start3A_158 : memref<10240x64xf32, #tpu.memory_space<hbm>>) target(%arg6 : memref<128x64xf32, #tpu.memory_space<vmem>>) offsets(%dma_start3A_155 : memref<128xi32, #tpu.memory_space<vmem>>) semaphore(%arg10 : memref<!tpu.dma_semaphore, #tpu.memory_space<semaphore_mem>>)
        %add3A_159 = arith.constant 1 : i32
        %add3A_160 = arith.addi %mul3A_69, %add3A_159 : i32
        %mul3A_161 = arith.constant 128 : i32
        %mul3A_162 = arith.muli %add3A_160, %mul3A_161 : i32
        %add3A_163 = arith.addi %mul3A_4, %mul3A_162 : i32
        %dma_wait3A_164 = arith.constant 0 : i32
        %dma_wait3A_165 = tpu.memref_slice %arg4[%add3A_163, %dma_wait3A_164] : memref<327680x64xf32, #tpu.memory_space<hbm>> -> memref<128x64xf32, #tpu.memory_space<hbm>>
        %dma_wait3A_166 = arith.constant 0 : i32
        %dma_wait3A_167 = tpu.memref_slice %arg4[%add3A_163, %dma_wait3A_166] : memref<327680x64xf32, #tpu.memory_space<hbm>> -> memref<128x64xf32, #tpu.memory_space<hbm>>
        tpu.wait_dma2 semaphore(%arg15 : memref<!tpu.dma_semaphore, #tpu.memory_space<semaphore_mem>>) src(%arg7 : memref<128x64xf32, #tpu.memory_space<vmem>>) dst(%dma_wait3A_167 : memref<128x64xf32, #tpu.memory_space<hbm>>)
        %add3A_168 = arith.constant 4 : i32
        %add3A_169 = arith.addi %mul3A_69, %add3A_168 : i32
        %add3A_170 = arith.constant 1 : i32
        %add3A_171 = arith.addi %add3A_169, %add3A_170 : i32
        %dma_start3A_172 = arith.constant 0 : i32
        %dma_start3A_173 = tpu.memref_slice %arg5[%add3A_171, %dma_start3A_172] : memref<80x128xi32, #tpu.memory_space<vmem>> -> memref<1x128xi32, #tpu.memory_space<vmem>>
        %dma_start3A_174 = tpu.memref_squeeze %dma_start3A_173 : memref<1x128xi32, #tpu.memory_space<vmem>> -> memref<128xi32, #tpu.memory_space<vmem>>
        %dma_start3A_175 = arith.constant 0 : i32
        %dma_start3A_176 = arith.constant 0 : i32
        %dma_start3A_177 = tpu.memref_slice %arg2[%dma_start3A_175, %dma_start3A_176] : memref<10240x64xf32, #tpu.memory_space<hbm>> -> memref<10240x64xf32, #tpu.memory_space<hbm>>
        tpu.enqueue_indirect_dma source(%dma_start3A_177 : memref<10240x64xf32, #tpu.memory_space<hbm>>) target(%arg7 : memref<128x64xf32, #tpu.memory_space<vmem>>) offsets(%dma_start3A_174 : memref<128xi32, #tpu.memory_space<vmem>>) semaphore(%arg11 : memref<!tpu.dma_semaphore, #tpu.memory_space<semaphore_mem>>)
        %add3A_178 = arith.constant 2 : i32
        %add3A_179 = arith.addi %mul3A_69, %add3A_178 : i32
        %mul3A_180 = arith.constant 128 : i32
        %mul3A_181 = arith.muli %add3A_179, %mul3A_180 : i32
        %add3A_182 = arith.addi %mul3A_4, %mul3A_181 : i32
        %dma_wait3A_183 = arith.constant 0 : i32
        %dma_wait3A_184 = tpu.memref_slice %arg4[%add3A_182, %dma_wait3A_183] : memref<327680x64xf32, #tpu.memory_space<hbm>> -> memref<128x64xf32, #tpu.memory_space<hbm>>
        %dma_wait3A_185 = arith.constant 0 : i32
        %dma_wait3A_186 = tpu.memref_slice %arg4[%add3A_182, %dma_wait3A_185] : memref<327680x64xf32, #tpu.memory_space<hbm>> -> memref<128x64xf32, #tpu.memory_space<hbm>>
        tpu.wait_dma2 semaphore(%arg16 : memref<!tpu.dma_semaphore, #tpu.memory_space<semaphore_mem>>) src(%arg8 : memref<128x64xf32, #tpu.memory_space<vmem>>) dst(%dma_wait3A_186 : memref<128x64xf32, #tpu.memory_space<hbm>>)
        %add3A_187 = arith.constant 4 : i32
        %add3A_188 = arith.addi %mul3A_69, %add3A_187 : i32
        %add3A_189 = arith.constant 2 : i32
        %add3A_190 = arith.addi %add3A_188, %add3A_189 : i32
        %dma_start3A_191 = arith.constant 0 : i32
        %dma_start3A_192 = tpu.memref_slice %arg5[%add3A_190, %dma_start3A_191] : memref<80x128xi32, #tpu.memory_space<vmem>> -> memref<1x128xi32, #tpu.memory_space<vmem>>
        %dma_start3A_193 = tpu.memref_squeeze %dma_start3A_192 : memref<1x128xi32, #tpu.memory_space<vmem>> -> memref<128xi32, #tpu.memory_space<vmem>>
        %dma_start3A_194 = arith.constant 0 : i32
        %dma_start3A_195 = arith.constant 0 : i32
        %dma_start3A_196 = tpu.memref_slice %arg2[%dma_start3A_194, %dma_start3A_195] : memref<10240x64xf32, #tpu.memory_space<hbm>> -> memref<10240x64xf32, #tpu.memory_space<hbm>>
        tpu.enqueue_indirect_dma source(%dma_start3A_196 : memref<10240x64xf32, #tpu.memory_space<hbm>>) target(%arg8 : memref<128x64xf32, #tpu.memory_space<vmem>>) offsets(%dma_start3A_193 : memref<128xi32, #tpu.memory_space<vmem>>) semaphore(%arg12 : memref<!tpu.dma_semaphore, #tpu.memory_space<semaphore_mem>>)
        %add3A_197 = arith.constant 3 : i32
        %add3A_198 = arith.addi %mul3A_69, %add3A_197 : i32
        %mul3A_199 = arith.constant 128 : i32
        %mul3A_200 = arith.muli %add3A_198, %mul3A_199 : i32
        %add3A_201 = arith.addi %mul3A_4, %mul3A_200 : i32
        %dma_wait3A_202 = arith.constant 0 : i32
        %dma_wait3A_203 = tpu.memref_slice %arg4[%add3A_201, %dma_wait3A_202] : memref<327680x64xf32, #tpu.memory_space<hbm>> -> memref<128x64xf32, #tpu.memory_space<hbm>>
        %dma_wait3A_204 = arith.constant 0 : i32
        %dma_wait3A_205 = tpu.memref_slice %arg4[%add3A_201, %dma_wait3A_204] : memref<327680x64xf32, #tpu.memory_space<hbm>> -> memref<128x64xf32, #tpu.memory_space<hbm>>
        tpu.wait_dma2 semaphore(%arg17 : memref<!tpu.dma_semaphore, #tpu.memory_space<semaphore_mem>>) src(%arg9 : memref<128x64xf32, #tpu.memory_space<vmem>>) dst(%dma_wait3A_205 : memref<128x64xf32, #tpu.memory_space<hbm>>)
        %add3A_206 = arith.constant 4 : i32
        %add3A_207 = arith.addi %mul3A_69, %add3A_206 : i32
        %add3A_208 = arith.constant 3 : i32
        %add3A_209 = arith.addi %add3A_207, %add3A_208 : i32
        %dma_start3A_210 = arith.constant 0 : i32
        %dma_start3A_211 = tpu.memref_slice %arg5[%add3A_209, %dma_start3A_210] : memref<80x128xi32, #tpu.memory_space<vmem>> -> memref<1x128xi32, #tpu.memory_space<vmem>>
        %dma_start3A_212 = tpu.memref_squeeze %dma_start3A_211 : memref<1x128xi32, #tpu.memory_space<vmem>> -> memref<128xi32, #tpu.memory_space<vmem>>
        %dma_start3A_213 = arith.constant 0 : i32
        %dma_start3A_214 = arith.constant 0 : i32
        %dma_start3A_215 = tpu.memref_slice %arg2[%dma_start3A_213, %dma_start3A_214] : memref<10240x64xf32, #tpu.memory_space<hbm>> -> memref<10240x64xf32, #tpu.memory_space<hbm>>
        tpu.enqueue_indirect_dma source(%dma_start3A_215 : memref<10240x64xf32, #tpu.memory_space<hbm>>) target(%arg9 : memref<128x64xf32, #tpu.memory_space<vmem>>) offsets(%dma_start3A_212 : memref<128xi32, #tpu.memory_space<vmem>>) semaphore(%arg13 : memref<!tpu.dma_semaphore, #tpu.memory_space<semaphore_mem>>)
      } else {
      }
    }
    %scan3A_36 = arith.constant 20 : i32
    %add3A_37 = arith.constant 10240 : i32
    %add3A_38 = arith.addi %mul3A_4, %add3A_37 : i32
    %sub3A = arith.constant 512 : i32
    %sub3A_39 = arith.subi %add3A_38, %sub3A : i32
    %dma_wait3A = arith.constant 0 : i32
    %dma_wait3A_40 = tpu.memref_slice %arg4[%sub3A_39, %dma_wait3A] : memref<327680x64xf32, #tpu.memory_space<hbm>> -> memref<128x64xf32, #tpu.memory_space<hbm>>
    %dma_wait3A_41 = arith.constant 0 : i32
    %dma_wait3A_42 = tpu.memref_slice %arg4[%sub3A_39, %dma_wait3A_41] : memref<327680x64xf32, #tpu.memory_space<hbm>> -> memref<128x64xf32, #tpu.memory_space<hbm>>
    tpu.wait_dma2 semaphore(%arg14 : memref<!tpu.dma_semaphore, #tpu.memory_space<semaphore_mem>>) src(%arg6 : memref<128x64xf32, #tpu.memory_space<vmem>>) dst(%dma_wait3A_42 : memref<128x64xf32, #tpu.memory_space<hbm>>)
    %add3A_43 = arith.constant 10240 : i32
    %add3A_44 = arith.addi %mul3A_4, %add3A_43 : i32
    %sub3A_45 = arith.constant 384 : i32
    %sub3A_46 = arith.subi %add3A_44, %sub3A_45 : i32
    %dma_wait3A_47 = arith.constant 0 : i32
    %dma_wait3A_48 = tpu.memref_slice %arg4[%sub3A_46, %dma_wait3A_47] : memref<327680x64xf32, #tpu.memory_space<hbm>> -> memref<128x64xf32, #tpu.memory_space<hbm>>
    %dma_wait3A_49 = arith.constant 0 : i32
    %dma_wait3A_50 = tpu.memref_slice %arg4[%sub3A_46, %dma_wait3A_49] : memref<327680x64xf32, #tpu.memory_space<hbm>> -> memref<128x64xf32, #tpu.memory_space<hbm>>
    tpu.wait_dma2 semaphore(%arg15 : memref<!tpu.dma_semaphore, #tpu.memory_space<semaphore_mem>>) src(%arg7 : memref<128x64xf32, #tpu.memory_space<vmem>>) dst(%dma_wait3A_50 : memref<128x64xf32, #tpu.memory_space<hbm>>)
    %add3A_51 = arith.constant 10240 : i32
    %add3A_52 = arith.addi %mul3A_4, %add3A_51 : i32
    %sub3A_53 = arith.constant 256 : i32
    %sub3A_54 = arith.subi %add3A_52, %sub3A_53 : i32
    %dma_wait3A_55 = arith.constant 0 : i32
    %dma_wait3A_56 = tpu.memref_slice %arg4[%sub3A_54, %dma_wait3A_55] : memref<327680x64xf32, #tpu.memory_space<hbm>> -> memref<128x64xf32, #tpu.memory_space<hbm>>
    %dma_wait3A_57 = arith.constant 0 : i32
    %dma_wait3A_58 = tpu.memref_slice %arg4[%sub3A_54, %dma_wait3A_57] : memref<327680x64xf32, #tpu.memory_space<hbm>> -> memref<128x64xf32, #tpu.memory_space<hbm>>
    tpu.wait_dma2 semaphore(%arg16 : memref<!tpu.dma_semaphore, #tpu.memory_space<semaphore_mem>>) src(%arg8 : memref<128x64xf32, #tpu.memory_space<vmem>>) dst(%dma_wait3A_58 : memref<128x64xf32, #tpu.memory_space<hbm>>)
    %add3A_59 = arith.constant 10240 : i32
    %add3A_60 = arith.addi %mul3A_4, %add3A_59 : i32
    %sub3A_61 = arith.constant 128 : i32
    %sub3A_62 = arith.subi %add3A_60, %sub3A_61 : i32
    %dma_wait3A_63 = arith.constant 0 : i32
    %dma_wait3A_64 = tpu.memref_slice %arg4[%sub3A_62, %dma_wait3A_63] : memref<327680x64xf32, #tpu.memory_space<hbm>> -> memref<128x64xf32, #tpu.memory_space<hbm>>
    %dma_wait3A_65 = arith.constant 0 : i32
    %dma_wait3A_66 = tpu.memref_slice %arg4[%sub3A_62, %dma_wait3A_65] : memref<327680x64xf32, #tpu.memory_space<hbm>> -> memref<128x64xf32, #tpu.memory_space<hbm>>
    tpu.wait_dma2 semaphore(%arg17 : memref<!tpu.dma_semaphore, #tpu.memory_space<semaphore_mem>>) src(%arg9 : memref<128x64xf32, #tpu.memory_space<vmem>>) dst(%dma_wait3A_66 : memref<128x64xf32, #tpu.memory_space<hbm>>)
    return
  }
}

#map = affine_map<(d0, d1) -> (0)>
#map1 = affine_map<(d0, d1) -> (0, 0)>
module attributes {stable_mosaic.version = 14 : i64} {
  func.func @k(%arg0: i32, %arg1: i32, %arg2: memref<320000xi32, #tpu.memory_space<hbm>>, %arg3: memref<32x10240xf32, #tpu.memory_space<hbm>>, %arg4: memref<10000xi32, #tpu.memory_space<vmem>>, %arg5: memref<10240xf32, #tpu.memory_space<vmem>>) attributes {dimension_semantics = [#tpu.dimension_semantics<core_parallel>, #tpu.dimension_semantics<subcore_parallel>], iteration_bounds = array<i64: 2, 16>, scalar_prefetch = 0 : i64, scratch_operands = 2 : i64, tpu.core_type = #tpu.core_type<sc_vector_subcore>, window_params = [{transform_indices = #map}, {transform_indices = #map1}]} {
    %mul3A = arith.constant 2 : i32
    %mul3A_0 = arith.muli %arg1, %mul3A : i32
    %add3A = arith.addi %mul3A_0, %arg0 : i32
    %mul3A_1 = arith.constant 10000 : i32
    %mul3A_2 = arith.muli %add3A, %mul3A_1 : i32
    "tpu.region"() ({
      %run_scoped3A = tpu.sem_alloc : memref<!tpu.dma_semaphore, #tpu.memory_space<semaphore_mem>>
      %dma_start3A = tpu.memref_slice %arg2[%mul3A_2] : memref<320000xi32, #tpu.memory_space<hbm>> -> memref<10000xi32, #tpu.memory_space<hbm>>
      %dma_start3A_17 = tpu.memref_slice %arg2[%mul3A_2] : memref<320000xi32, #tpu.memory_space<hbm>> -> memref<10000xi32, #tpu.memory_space<hbm>>
      tpu.enqueue_dma source(%dma_start3A_17 : memref<10000xi32, #tpu.memory_space<hbm>>) target(%arg4 : memref<10000xi32, #tpu.memory_space<vmem>>) target_semaphore(%run_scoped3A : memref<!tpu.dma_semaphore, #tpu.memory_space<semaphore_mem>>)
      %dma_wait3A = tpu.memref_slice %arg2[%mul3A_2] : memref<320000xi32, #tpu.memory_space<hbm>> -> memref<10000xi32, #tpu.memory_space<hbm>>
      %dma_wait3A_18 = tpu.memref_slice %arg2[%mul3A_2] : memref<320000xi32, #tpu.memory_space<hbm>> -> memref<10000xi32, #tpu.memory_space<hbm>>
      tpu.wait_dma2 semaphore(%run_scoped3A : memref<!tpu.dma_semaphore, #tpu.memory_space<semaphore_mem>>) src(%dma_wait3A_18 : memref<10000xi32, #tpu.memory_space<hbm>>) dst(%arg4 : memref<10000xi32, #tpu.memory_space<vmem>>)
      tpu.yield
    }) : () -> ()
    %broadcast_in_dim3A = arith.constant 0.000000e+00 : f32
    %broadcast_in_dim3A_3 = vector.broadcast %broadcast_in_dim3A : f32 to vector<16xf32>
    %scan3A = arith.constant 0 : i32
    %scan3A_4 = arith.constant 0 : i32
    %scan3A_5 = arith.constant 640 : i32
    %scan3A_6 = arith.addi %scan3A_4, %scan3A_5 : i32
    %scan3A_7 = arith.constant 1 : i32
    scf.for %scan3A_17 = %scan3A_4 to %scan3A_6 step %scan3A_7  : i32 {
      %mul3A_18 = arith.constant 16 : i32
      %mul3A_19 = arith.muli %scan3A_17, %mul3A_18 : i32
      %swap3A = arith.index_cast %mul3A_19 : i32 to index
      %swap3A_20 = tpu.vector_load %arg5[%swap3A] {strides = array<i32>} : memref<10240xf32, #tpu.memory_space<vmem>>, vector<16xf32>,
      tpu.vector_store %arg5[%swap3A], %broadcast_in_dim3A_3 {strides = array<i32>} : memref<10240xf32, #tpu.memory_space<vmem>>, vector<16xf32>,
    }
    %scan3A_8 = arith.constant 640 : i32
    %broadcast_in_dim3A_9 = arith.constant 1.000000e+00 : f32
    %broadcast_in_dim3A_10 = vector.broadcast %broadcast_in_dim3A_9 : f32 to vector<16xf32>
    %scan3A_11 = arith.constant 0 : i32
    %scan3A_12 = arith.constant 0 : i32
    %scan3A_13 = arith.constant 625 : i32
    %scan3A_14 = arith.addi %scan3A_12, %scan3A_13 : i32
    %scan3A_15 = arith.constant 1 : i32
    scf.for %scan3A_17 = %scan3A_12 to %scan3A_14 step %scan3A_15  : i32 {
      %mul3A_18 = arith.constant 16 : i32
      %mul3A_19 = arith.muli %scan3A_17, %mul3A_18 : i32
      %get3A = arith.index_cast %mul3A_19 : i32 to index
      %get3A_20 = tpu.vector_load %arg4[%get3A] {strides = array<i32>} : memref<10000xi32, #tpu.memory_space<vmem>>, vector<16xi32>,
      tpu.vector_store_idx %arg5[%get3A_20], %broadcast_in_dim3A_10 {add = true} : memref<10240xf32, #tpu.memory_space<vmem>>[vector<16xi32>], vector<16xf32>,
    }
    %scan3A_16 = arith.constant 625 : i32
    "tpu.region"() ({
      %run_scoped3A = tpu.sem_alloc : memref<!tpu.dma_semaphore, #tpu.memory_space<semaphore_mem>>
      %dma_start3A = arith.constant 0 : i32
      %dma_start3A_17 = tpu.memref_slice %arg3[%add3A, %dma_start3A] : memref<32x10240xf32, #tpu.memory_space<hbm>> -> memref<1x10240xf32, #tpu.memory_space<hbm>>
      %dma_start3A_18 = tpu.memref_squeeze %dma_start3A_17 : memref<1x10240xf32, #tpu.memory_space<hbm>> -> memref<10240xf32, #tpu.memory_space<hbm>>
      %dma_start3A_19 = arith.constant 0 : i32
      %dma_start3A_20 = tpu.memref_slice %arg3[%add3A, %dma_start3A_19] : memref<32x10240xf32, #tpu.memory_space<hbm>> -> memref<1x10240xf32, #tpu.memory_space<hbm>>
      %dma_start3A_21 = tpu.memref_squeeze %dma_start3A_20 : memref<1x10240xf32, #tpu.memory_space<hbm>> -> memref<10240xf32, #tpu.memory_space<hbm>>
      tpu.enqueue_dma source(%arg5 : memref<10240xf32, #tpu.memory_space<vmem>>) target(%dma_start3A_21 : memref<10240xf32, #tpu.memory_space<hbm>>) target_semaphore(%run_scoped3A : memref<!tpu.dma_semaphore, #tpu.memory_space<semaphore_mem>>)
      %dma_wait3A = arith.constant 0 : i32
      %dma_wait3A_22 = tpu.memref_slice %arg3[%add3A, %dma_wait3A] : memref<32x10240xf32, #tpu.memory_space<hbm>> -> memref<1x10240xf32, #tpu.memory_space<hbm>>
      %dma_wait3A_23 = tpu.memref_squeeze %dma_wait3A_22 : memref<1x10240xf32, #tpu.memory_space<hbm>> -> memref<10240xf32, #tpu.memory_space<hbm>>
      %dma_wait3A_24 = arith.constant 0 : i32
      %dma_wait3A_25 = tpu.memref_slice %arg3[%add3A, %dma_wait3A_24] : memref<32x10240xf32, #tpu.memory_space<hbm>> -> memref<1x10240xf32, #tpu.memory_space<hbm>>
      %dma_wait3A_26 = tpu.memref_squeeze %dma_wait3A_25 : memref<1x10240xf32, #tpu.memory_space<hbm>> -> memref<10240xf32, #tpu.memory_space<hbm>>
      tpu.wait_dma2 semaphore(%run_scoped3A : memref<!tpu.dma_semaphore, #tpu.memory_space<semaphore_mem>>) src(%arg5 : memref<10240xf32, #tpu.memory_space<vmem>>) dst(%dma_wait3A_26 : memref<10240xf32, #tpu.memory_space<hbm>>)
      tpu.yield
    }) : () -> ()
    return
  }
}

#map = affine_map<(d0, d1) -> (0, 0)>
module attributes {stable_mosaic.version = 14 : i64} {
  func.func @k(%arg0: i32, %arg1: i32, %arg2: memref<10240x64xf32, #tpu.memory_space<hbm>>, %arg3: memref<2560x128xi32, #tpu.memory_space<hbm>>, %arg4: memref<327680x64xf32, #tpu.memory_space<hbm>>, %arg5: memref<80x128xi32, #tpu.memory_space<vmem>>, %arg6: memref<128x64xf32, #tpu.memory_space<vmem>>, %arg7: memref<128x64xf32, #tpu.memory_space<vmem>>, %arg8: memref<128x64xf32, #tpu.memory_space<vmem>>, %arg9: memref<128x64xf32, #tpu.memory_space<vmem>>, %arg10: memref<!tpu.dma_semaphore, #tpu.memory_space<semaphore_mem>>, %arg11: memref<!tpu.dma_semaphore, #tpu.memory_space<semaphore_mem>>, %arg12: memref<!tpu.dma_semaphore, #tpu.memory_space<semaphore_mem>>, %arg13: memref<!tpu.dma_semaphore, #tpu.memory_space<semaphore_mem>>, %arg14: memref<!tpu.dma_semaphore, #tpu.memory_space<semaphore_mem>>, %arg15: memref<!tpu.dma_semaphore, #tpu.memory_space<semaphore_mem>>, %arg16: memref<!tpu.dma_semaphore, #tpu.memory_space<semaphore_mem>>, %arg17: memref<!tpu.dma_semaphore, #tpu.memory_space<semaphore_mem>>) attributes {dimension_semantics = [#tpu.dimension_semantics<core_parallel>, #tpu.dimension_semantics<subcore_parallel>], iteration_bounds = array<i64: 2, 16>, scalar_prefetch = 0 : i64, scratch_operands = 13 : i64, tpu.core_type = #tpu.core_type<sc_vector_subcore>, window_params = [{transform_indices = #map}, {transform_indices = #map}, {transform_indices = #map}]} {
    %mul3A = arith.constant 2 : i32
    %mul3A_0 = arith.muli %arg1, %mul3A : i32
    %add3A = arith.addi %mul3A_0, %arg0 : i32
    %mul3A_1 = arith.constant 80 : i32
    %mul3A_2 = arith.muli %add3A, %mul3A_1 : i32
    "tpu.region"() ({
      %run_scoped3A = tpu.sem_alloc : memref<!tpu.dma_semaphore, #tpu.memory_space<semaphore_mem>>
      %dma_start3A_67 = arith.constant 0 : i32
      %dma_start3A_68 = tpu.memref_slice %arg3[%mul3A_2, %dma_start3A_67] : memref<2560x128xi32, #tpu.memory_space<hbm>> -> memref<80x128xi32, #tpu.memory_space<hbm>>
      %dma_start3A_69 = arith.constant 0 : i32
      %dma_start3A_70 = tpu.memref_slice %arg3[%mul3A_2, %dma_start3A_69] : memref<2560x128xi32, #tpu.memory_space<hbm>> -> memref<80x128xi32, #tpu.memory_space<hbm>>
      tpu.enqueue_dma source(%dma_start3A_70 : memref<80x128xi32, #tpu.memory_space<hbm>>) target(%arg5 : memref<80x128xi32, #tpu.memory_space<vmem>>) target_semaphore(%run_scoped3A : memref<!tpu.dma_semaphore, #tpu.memory_space<semaphore_mem>>)
      %dma_wait3A_71 = arith.constant 0 : i32
      %dma_wait3A_72 = tpu.memref_slice %arg3[%mul3A_2, %dma_wait3A_71] : memref<2560x128xi32, #tpu.memory_space<hbm>> -> memref<80x128xi32, #tpu.memory_space<hbm>>
      %dma_wait3A_73 = arith.constant 0 : i32
      %dma_wait3A_74 = tpu.memref_slice %arg3[%mul3A_2, %dma_wait3A_73] : memref<2560x128xi32, #tpu.memory_space<hbm>> -> memref<80x128xi32, #tpu.memory_space<hbm>>
      tpu.wait_dma2 semaphore(%run_scoped3A : memref<!tpu.dma_semaphore, #tpu.memory_space<semaphore_mem>>) src(%dma_wait3A_74 : memref<80x128xi32, #tpu.memory_space<hbm>>) dst(%arg5 : memref<80x128xi32, #tpu.memory_space<vmem>>)
      tpu.yield
    }) : () -> ()
    %mul3A_3 = arith.constant 10240 : i32
    %mul3A_4 = arith.muli %add3A, %mul3A_3 : i32
    %dma_start3A = arith.constant 0 : i32
    %dma_start3A_5 = arith.constant 0 : i32
    %dma_start3A_6 = tpu.memref_slice %arg5[%dma_start3A, %dma_start3A_5] : memref<80x128xi32, #tpu.memory_space<vmem>> -> memref<1x128xi32, #tpu.memory_space<vmem>>
    %dma_start3A_7 = tpu.memref_squeeze %dma_start3A_6 : memref<1x128xi32, #tpu.memory_space<vmem>> -> memref<128xi32, #tpu.memory_space<vmem>>
    %dma_start3A_8 = arith.constant 0 : i32
    %dma_start3A_9 = arith.constant 0 : i32
    %dma_start3A_10 = tpu.memref_slice %arg2[%dma_start3A_8, %dma_start3A_9] : memref<10240x64xf32, #tpu.memory_space<hbm>> -> memref<10240x64xf32, #tpu.memory_space<hbm>>
    tpu.enqueue_indirect_dma source(%dma_start3A_10 : memref<10240x64xf32, #tpu.memory_space<hbm>>) target(%arg6 : memref<128x64xf32, #tpu.memory_space<vmem>>) offsets(%dma_start3A_7 : memref<128xi32, #tpu.memory_space<vmem>>) semaphore(%arg10 : memref<!tpu.dma_semaphore, #tpu.memory_space<semaphore_mem>>)
    %dma_start3A_11 = arith.constant 1 : i32
    %dma_start3A_12 = arith.constant 0 : i32
    %dma_start3A_13 = tpu.memref_slice %arg5[%dma_start3A_11, %dma_start3A_12] : memref<80x128xi32, #tpu.memory_space<vmem>> -> memref<1x128xi32, #tpu.memory_space<vmem>>
    %dma_start3A_14 = tpu.memref_squeeze %dma_start3A_13 : memref<1x128xi32, #tpu.memory_space<vmem>> -> memref<128xi32, #tpu.memory_space<vmem>>
    %dma_start3A_15 = arith.constant 0 : i32
    %dma_start3A_16 = arith.constant 0 : i32
    %dma_start3A_17 = tpu.memref_slice %arg2[%dma_start3A_15, %dma_start3A_16] : memref<10240x64xf32, #tpu.memory_space<hbm>> -> memref<10240x64xf32, #tpu.memory_space<hbm>>
    tpu.enqueue_indirect_dma source(%dma_start3A_17 : memref<10240x64xf32, #tpu.memory_space<hbm>>) target(%arg7 : memref<128x64xf32, #tpu.memory_space<vmem>>) offsets(%dma_start3A_14 : memref<128xi32, #tpu.memory_space<vmem>>) semaphore(%arg11 : memref<!tpu.dma_semaphore, #tpu.memory_space<semaphore_mem>>)
    %dma_start3A_18 = arith.constant 2 : i32
    %dma_start3A_19 = arith.constant 0 : i32
    %dma_start3A_20 = tpu.memref_slice %arg5[%dma_start3A_18, %dma_start3A_19] : memref<80x128xi32, #tpu.memory_space<vmem>> -> memref<1x128xi32, #tpu.memory_space<vmem>>
    %dma_start3A_21 = tpu.memref_squeeze %dma_start3A_20 : memref<1x128xi32, #tpu.memory_space<vmem>> -> memref<128xi32, #tpu.memory_space<vmem>>
    %dma_start3A_22 = arith.constant 0 : i32
    %dma_start3A_23 = arith.constant 0 : i32
    %dma_start3A_24 = tpu.memref_slice %arg2[%dma_start3A_22, %dma_start3A_23] : memref<10240x64xf32, #tpu.memory_space<hbm>> -> memref<10240x64xf32, #tpu.memory_space<hbm>>
    tpu.enqueue_indirect_dma source(%dma_start3A_24 : memref<10240x64xf32, #tpu.memory_space<hbm>>) target(%arg8 : memref<128x64xf32, #tpu.memory_space<vmem>>) offsets(%dma_start3A_21 : memref<128xi32, #tpu.memory_space<vmem>>) semaphore(%arg12 : memref<!tpu.dma_semaphore, #tpu.memory_space<semaphore_mem>>)
    %dma_start3A_25 = arith.constant 3 : i32
    %dma_start3A_26 = arith.constant 0 : i32
    %dma_start3A_27 = tpu.memref_slice %arg5[%dma_start3A_25, %dma_start3A_26] : memref<80x128xi32, #tpu.memory_space<vmem>> -> memref<1x128xi32, #tpu.memory_space<vmem>>
    %dma_start3A_28 = tpu.memref_squeeze %dma_start3A_27 : memref<1x128xi32, #tpu.memory_space<vmem>> -> memref<128xi32, #tpu.memory_space<vmem>>
    %dma_start3A_29 = arith.constant 0 : i32
    %dma_start3A_30 = arith.constant 0 : i32
    %dma_start3A_31 = tpu.memref_slice %arg2[%dma_start3A_29, %dma_start3A_30] : memref<10240x64xf32, #tpu.memory_space<hbm>> -> memref<10240x64xf32, #tpu.memory_space<hbm>>
    tpu.enqueue_indirect_dma source(%dma_start3A_31 : memref<10240x64xf32, #tpu.memory_space<hbm>>) target(%arg9 : memref<128x64xf32, #tpu.memory_space<vmem>>) offsets(%dma_start3A_28 : memref<128xi32, #tpu.memory_space<vmem>>) semaphore(%arg13 : memref<!tpu.dma_semaphore, #tpu.memory_space<semaphore_mem>>)
    %scan3A = arith.constant 0 : i32
    %scan3A_32 = arith.constant 0 : i32
    %scan3A_33 = arith.constant 20 : i32
    %scan3A_34 = arith.addi %scan3A_32, %scan3A_33 : i32
    %scan3A_35 = arith.constant 1 : i32
    scf.for %scan3A_67 = %scan3A_32 to %scan3A_34 step %scan3A_35  : i32 {
      %mul3A_68 = arith.constant 4 : i32
      %mul3A_69 = arith.muli %scan3A_67, %mul3A_68 : i32
      %add3A_70 = arith.constant 0 : i32
      %add3A_71 = arith.addi %mul3A_69, %add3A_70 : i32
      %mul3A_72 = arith.constant 128 : i32
      %mul3A_73 = arith.muli %add3A_71, %mul3A_72 : i32
      %add3A_74 = arith.addi %mul3A_4, %mul3A_73 : i32
      %add3A_75 = arith.constant 0 : i32
      %add3A_76 = arith.addi %mul3A_69, %add3A_75 : i32
      %dma_wait3A_77 = arith.constant 0 : i32
      %dma_wait3A_78 = tpu.memref_slice %arg5[%add3A_76, %dma_wait3A_77] : memref<80x128xi32, #tpu.memory_space<vmem>> -> memref<1x128xi32, #tpu.memory_space<vmem>>
      %dma_wait3A_79 = tpu.memref_squeeze %dma_wait3A_78 : memref<1x128xi32, #tpu.memory_space<vmem>> -> memref<128xi32, #tpu.memory_space<vmem>>
      %dma_wait3A_80 = arith.constant 0 : i32
      %dma_wait3A_81 = arith.constant 0 : i32
      %dma_wait3A_82 = tpu.memref_slice %arg2[%dma_wait3A_80, %dma_wait3A_81] : memref<10240x64xf32, #tpu.memory_space<hbm>> -> memref<10240x64xf32, #tpu.memory_space<hbm>>
      tpu.wait_indirect_dma semaphore(%arg10 : memref<!tpu.dma_semaphore, #tpu.memory_space<semaphore_mem>>) src(%dma_wait3A_82 : memref<10240x64xf32, #tpu.memory_space<hbm>>) dst(%arg6 : memref<128x64xf32, #tpu.memory_space<vmem>>)
      %dma_start3A_83 = arith.constant 0 : i32
      %dma_start3A_84 = tpu.memref_slice %arg4[%add3A_74, %dma_start3A_83] : memref<327680x64xf32, #tpu.memory_space<hbm>> -> memref<128x64xf32, #tpu.memory_space<hbm>>
      %dma_start3A_85 = arith.constant 0 : i32
      %dma_start3A_86 = tpu.memref_slice %arg4[%add3A_74, %dma_start3A_85] : memref<327680x64xf32, #tpu.memory_space<hbm>> -> memref<128x64xf32, #tpu.memory_space<hbm>>
      tpu.enqueue_dma source(%arg6 : memref<128x64xf32, #tpu.memory_space<vmem>>) target(%dma_start3A_86 : memref<128x64xf32, #tpu.memory_space<hbm>>) target_semaphore(%arg14 : memref<!tpu.dma_semaphore, #tpu.memory_space<semaphore_mem>>)
      %add3A_87 = arith.constant 1 : i32
      %add3A_88 = arith.addi %mul3A_69, %add3A_87 : i32
      %mul3A_89 = arith.constant 128 : i32
      %mul3A_90 = arith.muli %add3A_88, %mul3A_89 : i32
      %add3A_91 = arith.addi %mul3A_4, %mul3A_90 : i32
      %add3A_92 = arith.constant 1 : i32
      %add3A_93 = arith.addi %mul3A_69, %add3A_92 : i32
      %dma_wait3A_94 = arith.constant 0 : i32
      %dma_wait3A_95 = tpu.memref_slice %arg5[%add3A_93, %dma_wait3A_94] : memref<80x128xi32, #tpu.memory_space<vmem>> -> memref<1x128xi32, #tpu.memory_space<vmem>>
      %dma_wait3A_96 = tpu.memref_squeeze %dma_wait3A_95 : memref<1x128xi32, #tpu.memory_space<vmem>> -> memref<128xi32, #tpu.memory_space<vmem>>
      %dma_wait3A_97 = arith.constant 0 : i32
      %dma_wait3A_98 = arith.constant 0 : i32
      %dma_wait3A_99 = tpu.memref_slice %arg2[%dma_wait3A_97, %dma_wait3A_98] : memref<10240x64xf32, #tpu.memory_space<hbm>> -> memref<10240x64xf32, #tpu.memory_space<hbm>>
      tpu.wait_indirect_dma semaphore(%arg11 : memref<!tpu.dma_semaphore, #tpu.memory_space<semaphore_mem>>) src(%dma_wait3A_99 : memref<10240x64xf32, #tpu.memory_space<hbm>>) dst(%arg7 : memref<128x64xf32, #tpu.memory_space<vmem>>)
      %dma_start3A_100 = arith.constant 0 : i32
      %dma_start3A_101 = tpu.memref_slice %arg4[%add3A_91, %dma_start3A_100] : memref<327680x64xf32, #tpu.memory_space<hbm>> -> memref<128x64xf32, #tpu.memory_space<hbm>>
      %dma_start3A_102 = arith.constant 0 : i32
      %dma_start3A_103 = tpu.memref_slice %arg4[%add3A_91, %dma_start3A_102] : memref<327680x64xf32, #tpu.memory_space<hbm>> -> memref<128x64xf32, #tpu.memory_space<hbm>>
      tpu.enqueue_dma source(%arg7 : memref<128x64xf32, #tpu.memory_space<vmem>>) target(%dma_start3A_103 : memref<128x64xf32, #tpu.memory_space<hbm>>) target_semaphore(%arg15 : memref<!tpu.dma_semaphore, #tpu.memory_space<semaphore_mem>>)
      %add3A_104 = arith.constant 2 : i32
      %add3A_105 = arith.addi %mul3A_69, %add3A_104 : i32
      %mul3A_106 = arith.constant 128 : i32
      %mul3A_107 = arith.muli %add3A_105, %mul3A_106 : i32
      %add3A_108 = arith.addi %mul3A_4, %mul3A_107 : i32
      %add3A_109 = arith.constant 2 : i32
      %add3A_110 = arith.addi %mul3A_69, %add3A_109 : i32
      %dma_wait3A_111 = arith.constant 0 : i32
      %dma_wait3A_112 = tpu.memref_slice %arg5[%add3A_110, %dma_wait3A_111] : memref<80x128xi32, #tpu.memory_space<vmem>> -> memref<1x128xi32, #tpu.memory_space<vmem>>
      %dma_wait3A_113 = tpu.memref_squeeze %dma_wait3A_112 : memref<1x128xi32, #tpu.memory_space<vmem>> -> memref<128xi32, #tpu.memory_space<vmem>>
      %dma_wait3A_114 = arith.constant 0 : i32
      %dma_wait3A_115 = arith.constant 0 : i32
      %dma_wait3A_116 = tpu.memref_slice %arg2[%dma_wait3A_114, %dma_wait3A_115] : memref<10240x64xf32, #tpu.memory_space<hbm>> -> memref<10240x64xf32, #tpu.memory_space<hbm>>
      tpu.wait_indirect_dma semaphore(%arg12 : memref<!tpu.dma_semaphore, #tpu.memory_space<semaphore_mem>>) src(%dma_wait3A_116 : memref<10240x64xf32, #tpu.memory_space<hbm>>) dst(%arg8 : memref<128x64xf32, #tpu.memory_space<vmem>>)
      %dma_start3A_117 = arith.constant 0 : i32
      %dma_start3A_118 = tpu.memref_slice %arg4[%add3A_108, %dma_start3A_117] : memref<327680x64xf32, #tpu.memory_space<hbm>> -> memref<128x64xf32, #tpu.memory_space<hbm>>
      %dma_start3A_119 = arith.constant 0 : i32
      %dma_start3A_120 = tpu.memref_slice %arg4[%add3A_108, %dma_start3A_119] : memref<327680x64xf32, #tpu.memory_space<hbm>> -> memref<128x64xf32, #tpu.memory_space<hbm>>
      tpu.enqueue_dma source(%arg8 : memref<128x64xf32, #tpu.memory_space<vmem>>) target(%dma_start3A_120 : memref<128x64xf32, #tpu.memory_space<hbm>>) target_semaphore(%arg16 : memref<!tpu.dma_semaphore, #tpu.memory_space<semaphore_mem>>)
      %add3A_121 = arith.constant 3 : i32
      %add3A_122 = arith.addi %mul3A_69, %add3A_121 : i32
      %mul3A_123 = arith.constant 128 : i32
      %mul3A_124 = arith.muli %add3A_122, %mul3A_123 : i32
      %add3A_125 = arith.addi %mul3A_4, %mul3A_124 : i32
      %add3A_126 = arith.constant 3 : i32
      %add3A_127 = arith.addi %mul3A_69, %add3A_126 : i32
      %dma_wait3A_128 = arith.constant 0 : i32
      %dma_wait3A_129 = tpu.memref_slice %arg5[%add3A_127, %dma_wait3A_128] : memref<80x128xi32, #tpu.memory_space<vmem>> -> memref<1x128xi32, #tpu.memory_space<vmem>>
      %dma_wait3A_130 = tpu.memref_squeeze %dma_wait3A_129 : memref<1x128xi32, #tpu.memory_space<vmem>> -> memref<128xi32, #tpu.memory_space<vmem>>
      %dma_wait3A_131 = arith.constant 0 : i32
      %dma_wait3A_132 = arith.constant 0 : i32
      %dma_wait3A_133 = tpu.memref_slice %arg2[%dma_wait3A_131, %dma_wait3A_132] : memref<10240x64xf32, #tpu.memory_space<hbm>> -> memref<10240x64xf32, #tpu.memory_space<hbm>>
      tpu.wait_indirect_dma semaphore(%arg13 : memref<!tpu.dma_semaphore, #tpu.memory_space<semaphore_mem>>) src(%dma_wait3A_133 : memref<10240x64xf32, #tpu.memory_space<hbm>>) dst(%arg9 : memref<128x64xf32, #tpu.memory_space<vmem>>)
      %dma_start3A_134 = arith.constant 0 : i32
      %dma_start3A_135 = tpu.memref_slice %arg4[%add3A_125, %dma_start3A_134] : memref<327680x64xf32, #tpu.memory_space<hbm>> -> memref<128x64xf32, #tpu.memory_space<hbm>>
      %dma_start3A_136 = arith.constant 0 : i32
      %dma_start3A_137 = tpu.memref_slice %arg4[%add3A_125, %dma_start3A_136] : memref<327680x64xf32, #tpu.memory_space<hbm>> -> memref<128x64xf32, #tpu.memory_space<hbm>>
      tpu.enqueue_dma source(%arg9 : memref<128x64xf32, #tpu.memory_space<vmem>>) target(%dma_start3A_137 : memref<128x64xf32, #tpu.memory_space<hbm>>) target_semaphore(%arg17 : memref<!tpu.dma_semaphore, #tpu.memory_space<semaphore_mem>>)
      %lt3A = arith.constant 19 : i32
      %lt3A_138 = arith.cmpi slt, %scan3A_67, %lt3A : i32
      %convert_element_type3A = arith.extui %lt3A_138 : i1 to i32
      %cond3A = arith.constant 0 : i32
      %cond3A_139 = arith.cmpi ne, %convert_element_type3A, %cond3A : i32
      scf.if %cond3A_139 {
        %add3A_140 = arith.constant 0 : i32
        %add3A_141 = arith.addi %mul3A_69, %add3A_140 : i32
        %mul3A_142 = arith.constant 128 : i32
        %mul3A_143 = arith.muli %add3A_141, %mul3A_142 : i32
        %add3A_144 = arith.addi %mul3A_4, %mul3A_143 : i32
        %dma_wait3A_145 = arith.constant 0 : i32
        %dma_wait3A_146 = tpu.memref_slice %arg4[%add3A_144, %dma_wait3A_145] : memref<327680x64xf32, #tpu.memory_space<hbm>> -> memref<128x64xf32, #tpu.memory_space<hbm>>
        %dma_wait3A_147 = arith.constant 0 : i32
        %dma_wait3A_148 = tpu.memref_slice %arg4[%add3A_144, %dma_wait3A_147] : memref<327680x64xf32, #tpu.memory_space<hbm>> -> memref<128x64xf32, #tpu.memory_space<hbm>>
        tpu.wait_dma2 semaphore(%arg14 : memref<!tpu.dma_semaphore, #tpu.memory_space<semaphore_mem>>) src(%arg6 : memref<128x64xf32, #tpu.memory_space<vmem>>) dst(%dma_wait3A_148 : memref<128x64xf32, #tpu.memory_space<hbm>>)
        %add3A_149 = arith.constant 4 : i32
        %add3A_150 = arith.addi %mul3A_69, %add3A_149 : i32
        %add3A_151 = arith.constant 0 : i32
        %add3A_152 = arith.addi %add3A_150, %add3A_151 : i32
        %dma_start3A_153 = arith.constant 0 : i32
        %dma_start3A_154 = tpu.memref_slice %arg5[%add3A_152, %dma_start3A_153] : memref<80x128xi32, #tpu.memory_space<vmem>> -> memref<1x128xi32, #tpu.memory_space<vmem>>
        %dma_start3A_155 = tpu.memref_squeeze %dma_start3A_154 : memref<1x128xi32, #tpu.memory_space<vmem>> -> memref<128xi32, #tpu.memory_space<vmem>>
        %dma_start3A_156 = arith.constant 0 : i32
        %dma_start3A_157 = arith.constant 0 : i32
        %dma_start3A_158 = tpu.memref_slice %arg2[%dma_start3A_156, %dma_start3A_157] : memref<10240x64xf32, #tpu.memory_space<hbm>> -> memref<10240x64xf32, #tpu.memory_space<hbm>>
        tpu.enqueue_indirect_dma source(%dma_start3A_158 : memref<10240x64xf32, #tpu.memory_space<hbm>>) target(%arg6 : memref<128x64xf32, #tpu.memory_space<vmem>>) offsets(%dma_start3A_155 : memref<128xi32, #tpu.memory_space<vmem>>) semaphore(%arg10 : memref<!tpu.dma_semaphore, #tpu.memory_space<semaphore_mem>>)
        %add3A_159 = arith.constant 1 : i32
        %add3A_160 = arith.addi %mul3A_69, %add3A_159 : i32
        %mul3A_161 = arith.constant 128 : i32
        %mul3A_162 = arith.muli %add3A_160, %mul3A_161 : i32
        %add3A_163 = arith.addi %mul3A_4, %mul3A_162 : i32
        %dma_wait3A_164 = arith.constant 0 : i32
        %dma_wait3A_165 = tpu.memref_slice %arg4[%add3A_163, %dma_wait3A_164] : memref<327680x64xf32, #tpu.memory_space<hbm>> -> memref<128x64xf32, #tpu.memory_space<hbm>>
        %dma_wait3A_166 = arith.constant 0 : i32
        %dma_wait3A_167 = tpu.memref_slice %arg4[%add3A_163, %dma_wait3A_166] : memref<327680x64xf32, #tpu.memory_space<hbm>> -> memref<128x64xf32, #tpu.memory_space<hbm>>
        tpu.wait_dma2 semaphore(%arg15 : memref<!tpu.dma_semaphore, #tpu.memory_space<semaphore_mem>>) src(%arg7 : memref<128x64xf32, #tpu.memory_space<vmem>>) dst(%dma_wait3A_167 : memref<128x64xf32, #tpu.memory_space<hbm>>)
        %add3A_168 = arith.constant 4 : i32
        %add3A_169 = arith.addi %mul3A_69, %add3A_168 : i32
        %add3A_170 = arith.constant 1 : i32
        %add3A_171 = arith.addi %add3A_169, %add3A_170 : i32
        %dma_start3A_172 = arith.constant 0 : i32
        %dma_start3A_173 = tpu.memref_slice %arg5[%add3A_171, %dma_start3A_172] : memref<80x128xi32, #tpu.memory_space<vmem>> -> memref<1x128xi32, #tpu.memory_space<vmem>>
        %dma_start3A_174 = tpu.memref_squeeze %dma_start3A_173 : memref<1x128xi32, #tpu.memory_space<vmem>> -> memref<128xi32, #tpu.memory_space<vmem>>
        %dma_start3A_175 = arith.constant 0 : i32
        %dma_start3A_176 = arith.constant 0 : i32
        %dma_start3A_177 = tpu.memref_slice %arg2[%dma_start3A_175, %dma_start3A_176] : memref<10240x64xf32, #tpu.memory_space<hbm>> -> memref<10240x64xf32, #tpu.memory_space<hbm>>
        tpu.enqueue_indirect_dma source(%dma_start3A_177 : memref<10240x64xf32, #tpu.memory_space<hbm>>) target(%arg7 : memref<128x64xf32, #tpu.memory_space<vmem>>) offsets(%dma_start3A_174 : memref<128xi32, #tpu.memory_space<vmem>>) semaphore(%arg11 : memref<!tpu.dma_semaphore, #tpu.memory_space<semaphore_mem>>)
        %add3A_178 = arith.constant 2 : i32
        %add3A_179 = arith.addi %mul3A_69, %add3A_178 : i32
        %mul3A_180 = arith.constant 128 : i32
        %mul3A_181 = arith.muli %add3A_179, %mul3A_180 : i32
        %add3A_182 = arith.addi %mul3A_4, %mul3A_181 : i32
        %dma_wait3A_183 = arith.constant 0 : i32
        %dma_wait3A_184 = tpu.memref_slice %arg4[%add3A_182, %dma_wait3A_183] : memref<327680x64xf32, #tpu.memory_space<hbm>> -> memref<128x64xf32, #tpu.memory_space<hbm>>
        %dma_wait3A_185 = arith.constant 0 : i32
        %dma_wait3A_186 = tpu.memref_slice %arg4[%add3A_182, %dma_wait3A_185] : memref<327680x64xf32, #tpu.memory_space<hbm>> -> memref<128x64xf32, #tpu.memory_space<hbm>>
        tpu.wait_dma2 semaphore(%arg16 : memref<!tpu.dma_semaphore, #tpu.memory_space<semaphore_mem>>) src(%arg8 : memref<128x64xf32, #tpu.memory_space<vmem>>) dst(%dma_wait3A_186 : memref<128x64xf32, #tpu.memory_space<hbm>>)
        %add3A_187 = arith.constant 4 : i32
        %add3A_188 = arith.addi %mul3A_69, %add3A_187 : i32
        %add3A_189 = arith.constant 2 : i32
        %add3A_190 = arith.addi %add3A_188, %add3A_189 : i32
        %dma_start3A_191 = arith.constant 0 : i32
        %dma_start3A_192 = tpu.memref_slice %arg5[%add3A_190, %dma_start3A_191] : memref<80x128xi32, #tpu.memory_space<vmem>> -> memref<1x128xi32, #tpu.memory_space<vmem>>
        %dma_start3A_193 = tpu.memref_squeeze %dma_start3A_192 : memref<1x128xi32, #tpu.memory_space<vmem>> -> memref<128xi32, #tpu.memory_space<vmem>>
        %dma_start3A_194 = arith.constant 0 : i32
        %dma_start3A_195 = arith.constant 0 : i32
        %dma_start3A_196 = tpu.memref_slice %arg2[%dma_start3A_194, %dma_start3A_195] : memref<10240x64xf32, #tpu.memory_space<hbm>> -> memref<10240x64xf32, #tpu.memory_space<hbm>>
        tpu.enqueue_indirect_dma source(%dma_start3A_196 : memref<10240x64xf32, #tpu.memory_space<hbm>>) target(%arg8 : memref<128x64xf32, #tpu.memory_space<vmem>>) offsets(%dma_start3A_193 : memref<128xi32, #tpu.memory_space<vmem>>) semaphore(%arg12 : memref<!tpu.dma_semaphore, #tpu.memory_space<semaphore_mem>>)
        %add3A_197 = arith.constant 3 : i32
        %add3A_198 = arith.addi %mul3A_69, %add3A_197 : i32
        %mul3A_199 = arith.constant 128 : i32
        %mul3A_200 = arith.muli %add3A_198, %mul3A_199 : i32
        %add3A_201 = arith.addi %mul3A_4, %mul3A_200 : i32
        %dma_wait3A_202 = arith.constant 0 : i32
        %dma_wait3A_203 = tpu.memref_slice %arg4[%add3A_201, %dma_wait3A_202] : memref<327680x64xf32, #tpu.memory_space<hbm>> -> memref<128x64xf32, #tpu.memory_space<hbm>>
        %dma_wait3A_204 = arith.constant 0 : i32
        %dma_wait3A_205 = tpu.memref_slice %arg4[%add3A_201, %dma_wait3A_204] : memref<327680x64xf32, #tpu.memory_space<hbm>> -> memref<128x64xf32, #tpu.memory_space<hbm>>
        tpu.wait_dma2 semaphore(%arg17 : memref<!tpu.dma_semaphore, #tpu.memory_space<semaphore_mem>>) src(%arg9 : memref<128x64xf32, #tpu.memory_space<vmem>>) dst(%dma_wait3A_205 : memref<128x64xf32, #tpu.memory_space<hbm>>)
        %add3A_206 = arith.constant 4 : i32
        %add3A_207 = arith.addi %mul3A_69, %add3A_206 : i32
        %add3A_208 = arith.constant 3 : i32
        %add3A_209 = arith.addi %add3A_207, %add3A_208 : i32
        %dma_start3A_210 = arith.constant 0 : i32
        %dma_start3A_211 = tpu.memref_slice %arg5[%add3A_209, %dma_start3A_210] : memref<80x128xi32, #tpu.memory_space<vmem>> -> memref<1x128xi32, #tpu.memory_space<vmem>>
        %dma_start3A_212 = tpu.memref_squeeze %dma_start3A_211 : memref<1x128xi32, #tpu.memory_space<vmem>> -> memref<128xi32, #tpu.memory_space<vmem>>
        %dma_start3A_213 = arith.constant 0 : i32
        %dma_start3A_214 = arith.constant 0 : i32
        %dma_start3A_215 = tpu.memref_slice %arg2[%dma_start3A_213, %dma_start3A_214] : memref<10240x64xf32, #tpu.memory_space<hbm>> -> memref<10240x64xf32, #tpu.memory_space<hbm>>
        tpu.enqueue_indirect_dma source(%dma_start3A_215 : memref<10240x64xf32, #tpu.memory_space<hbm>>) target(%arg9 : memref<128x64xf32, #tpu.memory_space<vmem>>) offsets(%dma_start3A_212 : memref<128xi32, #tpu.memory_space<vmem>>) semaphore(%arg13 : memref<!tpu.dma_semaphore, #tpu.memory_space<semaphore_mem>>)
      } else {
      }
    }
    %scan3A_36 = arith.constant 20 : i32
    %add3A_37 = arith.constant 10240 : i32
    %add3A_38 = arith.addi %mul3A_4, %add3A_37 : i32
    %sub3A = arith.constant 512 : i32
    %sub3A_39 = arith.subi %add3A_38, %sub3A : i32
    %dma_wait3A = arith.constant 0 : i32
    %dma_wait3A_40 = tpu.memref_slice %arg4[%sub3A_39, %dma_wait3A] : memref<327680x64xf32, #tpu.memory_space<hbm>> -> memref<128x64xf32, #tpu.memory_space<hbm>>
    %dma_wait3A_41 = arith.constant 0 : i32
    %dma_wait3A_42 = tpu.memref_slice %arg4[%sub3A_39, %dma_wait3A_41] : memref<327680x64xf32, #tpu.memory_space<hbm>> -> memref<128x64xf32, #tpu.memory_space<hbm>>
    tpu.wait_dma2 semaphore(%arg14 : memref<!tpu.dma_semaphore, #tpu.memory_space<semaphore_mem>>) src(%arg6 : memref<128x64xf32, #tpu.memory_space<vmem>>) dst(%dma_wait3A_42 : memref<128x64xf32, #tpu.memory_space<hbm>>)
    %add3A_43 = arith.constant 10240 : i32
    %add3A_44 = arith.addi %mul3A_4, %add3A_43 : i32
    %sub3A_45 = arith.constant 384 : i32
    %sub3A_46 = arith.subi %add3A_44, %sub3A_45 : i32
    %dma_wait3A_47 = arith.constant 0 : i32
    %dma_wait3A_48 = tpu.memref_slice %arg4[%sub3A_46, %dma_wait3A_47] : memref<327680x64xf32, #tpu.memory_space<hbm>> -> memref<128x64xf32, #tpu.memory_space<hbm>>
    %dma_wait3A_49 = arith.constant 0 : i32
    %dma_wait3A_50 = tpu.memref_slice %arg4[%sub3A_46, %dma_wait3A_49] : memref<327680x64xf32, #tpu.memory_space<hbm>> -> memref<128x64xf32, #tpu.memory_space<hbm>>
    tpu.wait_dma2 semaphore(%arg15 : memref<!tpu.dma_semaphore, #tpu.memory_space<semaphore_mem>>) src(%arg7 : memref<128x64xf32, #tpu.memory_space<vmem>>) dst(%dma_wait3A_50 : memref<128x64xf32, #tpu.memory_space<hbm>>)
    %add3A_51 = arith.constant 10240 : i32
    %add3A_52 = arith.addi %mul3A_4, %add3A_51 : i32
    %sub3A_53 = arith.constant 256 : i32
    %sub3A_54 = arith.subi %add3A_52, %sub3A_53 : i32
    %dma_wait3A_55 = arith.constant 0 : i32
    %dma_wait3A_56 = tpu.memref_slice %arg4[%sub3A_54, %dma_wait3A_55] : memref<327680x64xf32, #tpu.memory_space<hbm>> -> memref<128x64xf32, #tpu.memory_space<hbm>>
    %dma_wait3A_57 = arith.constant 0 : i32
    %dma_wait3A_58 = tpu.memref_slice %arg4[%sub3A_54, %dma_wait3A_57] : memref<327680x64xf32, #tpu.memory_space<hbm>> -> memref<128x64xf32, #tpu.memory_space<hbm>>
    tpu.wait_dma2 semaphore(%arg16 : memref<!tpu.dma_semaphore, #tpu.memory_space<semaphore_mem>>) src(%arg8 : memref<128x64xf32, #tpu.memory_space<vmem>>) dst(%dma_wait3A_58 : memref<128x64xf32, #tpu.memory_space<hbm>>)
    %add3A_59 = arith.constant 10240 : i32
    %add3A_60 = arith.addi %mul3A_4, %add3A_59 : i32
    %sub3A_61 = arith.constant 128 : i32
    %sub3A_62 = arith.subi %add3A_60, %sub3A_61 : i32
    %dma_wait3A_63 = arith.constant 0 : i32
    %dma_wait3A_64 = tpu.memref_slice %arg4[%sub3A_62, %dma_wait3A_63] : memref<327680x64xf32, #tpu.memory_space<hbm>> -> memref<128x64xf32, #tpu.memory_space<hbm>>
    %dma_wait3A_65 = arith.constant 0 : i32
    %dma_wait3A_66 = tpu.memref_slice %arg4[%sub3A_62, %dma_wait3A_65] : memref<327680x64xf32, #tpu.memory_space<hbm>> -> memref<128x64xf32, #tpu.memory_space<hbm>>
    tpu.wait_dma2 semaphore(%arg17 : memref<!tpu.dma_semaphore, #tpu.memory_space<semaphore_mem>>) src(%arg9 : memref<128x64xf32, #tpu.memory_space<vmem>>) dst(%dma_wait3A_66 : memref<128x64xf32, #tpu.memory_space<hbm>>)
    return
  }
}

#map = affine_map<(d0, d1) -> (0, 0)>
module attributes {stable_mosaic.version = 14 : i64} {
  func.func @k(%arg0: i32, %arg1: i32, %arg2: memref<10240x16xf32, #tpu.memory_space<hbm>>, %arg3: memref<2560x128xi32, #tpu.memory_space<hbm>>, %arg4: memref<327680x16xf32, #tpu.memory_space<hbm>>, %arg5: memref<80x128xi32, #tpu.memory_space<vmem>>, %arg6: memref<128x16xf32, #tpu.memory_space<vmem>>, %arg7: memref<128x16xf32, #tpu.memory_space<vmem>>, %arg8: memref<128x16xf32, #tpu.memory_space<vmem>>, %arg9: memref<128x16xf32, #tpu.memory_space<vmem>>, %arg10: memref<!tpu.dma_semaphore, #tpu.memory_space<semaphore_mem>>, %arg11: memref<!tpu.dma_semaphore, #tpu.memory_space<semaphore_mem>>, %arg12: memref<!tpu.dma_semaphore, #tpu.memory_space<semaphore_mem>>, %arg13: memref<!tpu.dma_semaphore, #tpu.memory_space<semaphore_mem>>, %arg14: memref<!tpu.dma_semaphore, #tpu.memory_space<semaphore_mem>>, %arg15: memref<!tpu.dma_semaphore, #tpu.memory_space<semaphore_mem>>, %arg16: memref<!tpu.dma_semaphore, #tpu.memory_space<semaphore_mem>>, %arg17: memref<!tpu.dma_semaphore, #tpu.memory_space<semaphore_mem>>) attributes {dimension_semantics = [#tpu.dimension_semantics<core_parallel>, #tpu.dimension_semantics<subcore_parallel>], iteration_bounds = array<i64: 2, 16>, scalar_prefetch = 0 : i64, scratch_operands = 13 : i64, tpu.core_type = #tpu.core_type<sc_vector_subcore>, window_params = [{transform_indices = #map}, {transform_indices = #map}, {transform_indices = #map}]} {
    %mul3A = arith.constant 2 : i32
    %mul3A_0 = arith.muli %arg1, %mul3A : i32
    %add3A = arith.addi %mul3A_0, %arg0 : i32
    %mul3A_1 = arith.constant 80 : i32
    %mul3A_2 = arith.muli %add3A, %mul3A_1 : i32
    "tpu.region"() ({
      %run_scoped3A = tpu.sem_alloc : memref<!tpu.dma_semaphore, #tpu.memory_space<semaphore_mem>>
      %dma_start3A_67 = arith.constant 0 : i32
      %dma_start3A_68 = tpu.memref_slice %arg3[%mul3A_2, %dma_start3A_67] : memref<2560x128xi32, #tpu.memory_space<hbm>> -> memref<80x128xi32, #tpu.memory_space<hbm>>
      %dma_start3A_69 = arith.constant 0 : i32
      %dma_start3A_70 = tpu.memref_slice %arg3[%mul3A_2, %dma_start3A_69] : memref<2560x128xi32, #tpu.memory_space<hbm>> -> memref<80x128xi32, #tpu.memory_space<hbm>>
      tpu.enqueue_dma source(%dma_start3A_70 : memref<80x128xi32, #tpu.memory_space<hbm>>) target(%arg5 : memref<80x128xi32, #tpu.memory_space<vmem>>) target_semaphore(%run_scoped3A : memref<!tpu.dma_semaphore, #tpu.memory_space<semaphore_mem>>)
      %dma_wait3A_71 = arith.constant 0 : i32
      %dma_wait3A_72 = tpu.memref_slice %arg3[%mul3A_2, %dma_wait3A_71] : memref<2560x128xi32, #tpu.memory_space<hbm>> -> memref<80x128xi32, #tpu.memory_space<hbm>>
      %dma_wait3A_73 = arith.constant 0 : i32
      %dma_wait3A_74 = tpu.memref_slice %arg3[%mul3A_2, %dma_wait3A_73] : memref<2560x128xi32, #tpu.memory_space<hbm>> -> memref<80x128xi32, #tpu.memory_space<hbm>>
      tpu.wait_dma2 semaphore(%run_scoped3A : memref<!tpu.dma_semaphore, #tpu.memory_space<semaphore_mem>>) src(%dma_wait3A_74 : memref<80x128xi32, #tpu.memory_space<hbm>>) dst(%arg5 : memref<80x128xi32, #tpu.memory_space<vmem>>)
      tpu.yield
    }) : () -> ()
    %mul3A_3 = arith.constant 10240 : i32
    %mul3A_4 = arith.muli %add3A, %mul3A_3 : i32
    %dma_start3A = arith.constant 0 : i32
    %dma_start3A_5 = arith.constant 0 : i32
    %dma_start3A_6 = tpu.memref_slice %arg5[%dma_start3A, %dma_start3A_5] : memref<80x128xi32, #tpu.memory_space<vmem>> -> memref<1x128xi32, #tpu.memory_space<vmem>>
    %dma_start3A_7 = tpu.memref_squeeze %dma_start3A_6 : memref<1x128xi32, #tpu.memory_space<vmem>> -> memref<128xi32, #tpu.memory_space<vmem>>
    %dma_start3A_8 = arith.constant 0 : i32
    %dma_start3A_9 = arith.constant 0 : i32
    %dma_start3A_10 = tpu.memref_slice %arg2[%dma_start3A_8, %dma_start3A_9] : memref<10240x16xf32, #tpu.memory_space<hbm>> -> memref<10240x16xf32, #tpu.memory_space<hbm>>
    tpu.enqueue_indirect_dma source(%dma_start3A_10 : memref<10240x16xf32, #tpu.memory_space<hbm>>) target(%arg6 : memref<128x16xf32, #tpu.memory_space<vmem>>) offsets(%dma_start3A_7 : memref<128xi32, #tpu.memory_space<vmem>>) semaphore(%arg10 : memref<!tpu.dma_semaphore, #tpu.memory_space<semaphore_mem>>)
    %dma_start3A_11 = arith.constant 1 : i32
    %dma_start3A_12 = arith.constant 0 : i32
    %dma_start3A_13 = tpu.memref_slice %arg5[%dma_start3A_11, %dma_start3A_12] : memref<80x128xi32, #tpu.memory_space<vmem>> -> memref<1x128xi32, #tpu.memory_space<vmem>>
    %dma_start3A_14 = tpu.memref_squeeze %dma_start3A_13 : memref<1x128xi32, #tpu.memory_space<vmem>> -> memref<128xi32, #tpu.memory_space<vmem>>
    %dma_start3A_15 = arith.constant 0 : i32
    %dma_start3A_16 = arith.constant 0 : i32
    %dma_start3A_17 = tpu.memref_slice %arg2[%dma_start3A_15, %dma_start3A_16] : memref<10240x16xf32, #tpu.memory_space<hbm>> -> memref<10240x16xf32, #tpu.memory_space<hbm>>
    tpu.enqueue_indirect_dma source(%dma_start3A_17 : memref<10240x16xf32, #tpu.memory_space<hbm>>) target(%arg7 : memref<128x16xf32, #tpu.memory_space<vmem>>) offsets(%dma_start3A_14 : memref<128xi32, #tpu.memory_space<vmem>>) semaphore(%arg11 : memref<!tpu.dma_semaphore, #tpu.memory_space<semaphore_mem>>)
    %dma_start3A_18 = arith.constant 2 : i32
    %dma_start3A_19 = arith.constant 0 : i32
    %dma_start3A_20 = tpu.memref_slice %arg5[%dma_start3A_18, %dma_start3A_19] : memref<80x128xi32, #tpu.memory_space<vmem>> -> memref<1x128xi32, #tpu.memory_space<vmem>>
    %dma_start3A_21 = tpu.memref_squeeze %dma_start3A_20 : memref<1x128xi32, #tpu.memory_space<vmem>> -> memref<128xi32, #tpu.memory_space<vmem>>
    %dma_start3A_22 = arith.constant 0 : i32
    %dma_start3A_23 = arith.constant 0 : i32
    %dma_start3A_24 = tpu.memref_slice %arg2[%dma_start3A_22, %dma_start3A_23] : memref<10240x16xf32, #tpu.memory_space<hbm>> -> memref<10240x16xf32, #tpu.memory_space<hbm>>
    tpu.enqueue_indirect_dma source(%dma_start3A_24 : memref<10240x16xf32, #tpu.memory_space<hbm>>) target(%arg8 : memref<128x16xf32, #tpu.memory_space<vmem>>) offsets(%dma_start3A_21 : memref<128xi32, #tpu.memory_space<vmem>>) semaphore(%arg12 : memref<!tpu.dma_semaphore, #tpu.memory_space<semaphore_mem>>)
    %dma_start3A_25 = arith.constant 3 : i32
    %dma_start3A_26 = arith.constant 0 : i32
    %dma_start3A_27 = tpu.memref_slice %arg5[%dma_start3A_25, %dma_start3A_26] : memref<80x128xi32, #tpu.memory_space<vmem>> -> memref<1x128xi32, #tpu.memory_space<vmem>>
    %dma_start3A_28 = tpu.memref_squeeze %dma_start3A_27 : memref<1x128xi32, #tpu.memory_space<vmem>> -> memref<128xi32, #tpu.memory_space<vmem>>
    %dma_start3A_29 = arith.constant 0 : i32
    %dma_start3A_30 = arith.constant 0 : i32
    %dma_start3A_31 = tpu.memref_slice %arg2[%dma_start3A_29, %dma_start3A_30] : memref<10240x16xf32, #tpu.memory_space<hbm>> -> memref<10240x16xf32, #tpu.memory_space<hbm>>
    tpu.enqueue_indirect_dma source(%dma_start3A_31 : memref<10240x16xf32, #tpu.memory_space<hbm>>) target(%arg9 : memref<128x16xf32, #tpu.memory_space<vmem>>) offsets(%dma_start3A_28 : memref<128xi32, #tpu.memory_space<vmem>>) semaphore(%arg13 : memref<!tpu.dma_semaphore, #tpu.memory_space<semaphore_mem>>)
    %scan3A = arith.constant 0 : i32
    %scan3A_32 = arith.constant 0 : i32
    %scan3A_33 = arith.constant 20 : i32
    %scan3A_34 = arith.addi %scan3A_32, %scan3A_33 : i32
    %scan3A_35 = arith.constant 1 : i32
    scf.for %scan3A_67 = %scan3A_32 to %scan3A_34 step %scan3A_35  : i32 {
      %mul3A_68 = arith.constant 4 : i32
      %mul3A_69 = arith.muli %scan3A_67, %mul3A_68 : i32
      %add3A_70 = arith.constant 0 : i32
      %add3A_71 = arith.addi %mul3A_69, %add3A_70 : i32
      %mul3A_72 = arith.constant 128 : i32
      %mul3A_73 = arith.muli %add3A_71, %mul3A_72 : i32
      %add3A_74 = arith.addi %mul3A_4, %mul3A_73 : i32
      %add3A_75 = arith.constant 0 : i32
      %add3A_76 = arith.addi %mul3A_69, %add3A_75 : i32
      %dma_wait3A_77 = arith.constant 0 : i32
      %dma_wait3A_78 = tpu.memref_slice %arg5[%add3A_76, %dma_wait3A_77] : memref<80x128xi32, #tpu.memory_space<vmem>> -> memref<1x128xi32, #tpu.memory_space<vmem>>
      %dma_wait3A_79 = tpu.memref_squeeze %dma_wait3A_78 : memref<1x128xi32, #tpu.memory_space<vmem>> -> memref<128xi32, #tpu.memory_space<vmem>>
      %dma_wait3A_80 = arith.constant 0 : i32
      %dma_wait3A_81 = arith.constant 0 : i32
      %dma_wait3A_82 = tpu.memref_slice %arg2[%dma_wait3A_80, %dma_wait3A_81] : memref<10240x16xf32, #tpu.memory_space<hbm>> -> memref<10240x16xf32, #tpu.memory_space<hbm>>
      tpu.wait_indirect_dma semaphore(%arg10 : memref<!tpu.dma_semaphore, #tpu.memory_space<semaphore_mem>>) src(%dma_wait3A_82 : memref<10240x16xf32, #tpu.memory_space<hbm>>) dst(%arg6 : memref<128x16xf32, #tpu.memory_space<vmem>>)
      %dma_start3A_83 = arith.constant 0 : i32
      %dma_start3A_84 = tpu.memref_slice %arg4[%add3A_74, %dma_start3A_83] : memref<327680x16xf32, #tpu.memory_space<hbm>> -> memref<128x16xf32, #tpu.memory_space<hbm>>
      %dma_start3A_85 = arith.constant 0 : i32
      %dma_start3A_86 = tpu.memref_slice %arg4[%add3A_74, %dma_start3A_85] : memref<327680x16xf32, #tpu.memory_space<hbm>> -> memref<128x16xf32, #tpu.memory_space<hbm>>
      tpu.enqueue_dma source(%arg6 : memref<128x16xf32, #tpu.memory_space<vmem>>) target(%dma_start3A_86 : memref<128x16xf32, #tpu.memory_space<hbm>>) target_semaphore(%arg14 : memref<!tpu.dma_semaphore, #tpu.memory_space<semaphore_mem>>)
      %add3A_87 = arith.constant 1 : i32
      %add3A_88 = arith.addi %mul3A_69, %add3A_87 : i32
      %mul3A_89 = arith.constant 128 : i32
      %mul3A_90 = arith.muli %add3A_88, %mul3A_89 : i32
      %add3A_91 = arith.addi %mul3A_4, %mul3A_90 : i32
      %add3A_92 = arith.constant 1 : i32
      %add3A_93 = arith.addi %mul3A_69, %add3A_92 : i32
      %dma_wait3A_94 = arith.constant 0 : i32
      %dma_wait3A_95 = tpu.memref_slice %arg5[%add3A_93, %dma_wait3A_94] : memref<80x128xi32, #tpu.memory_space<vmem>> -> memref<1x128xi32, #tpu.memory_space<vmem>>
      %dma_wait3A_96 = tpu.memref_squeeze %dma_wait3A_95 : memref<1x128xi32, #tpu.memory_space<vmem>> -> memref<128xi32, #tpu.memory_space<vmem>>
      %dma_wait3A_97 = arith.constant 0 : i32
      %dma_wait3A_98 = arith.constant 0 : i32
      %dma_wait3A_99 = tpu.memref_slice %arg2[%dma_wait3A_97, %dma_wait3A_98] : memref<10240x16xf32, #tpu.memory_space<hbm>> -> memref<10240x16xf32, #tpu.memory_space<hbm>>
      tpu.wait_indirect_dma semaphore(%arg11 : memref<!tpu.dma_semaphore, #tpu.memory_space<semaphore_mem>>) src(%dma_wait3A_99 : memref<10240x16xf32, #tpu.memory_space<hbm>>) dst(%arg7 : memref<128x16xf32, #tpu.memory_space<vmem>>)
      %dma_start3A_100 = arith.constant 0 : i32
      %dma_start3A_101 = tpu.memref_slice %arg4[%add3A_91, %dma_start3A_100] : memref<327680x16xf32, #tpu.memory_space<hbm>> -> memref<128x16xf32, #tpu.memory_space<hbm>>
      %dma_start3A_102 = arith.constant 0 : i32
      %dma_start3A_103 = tpu.memref_slice %arg4[%add3A_91, %dma_start3A_102] : memref<327680x16xf32, #tpu.memory_space<hbm>> -> memref<128x16xf32, #tpu.memory_space<hbm>>
      tpu.enqueue_dma source(%arg7 : memref<128x16xf32, #tpu.memory_space<vmem>>) target(%dma_start3A_103 : memref<128x16xf32, #tpu.memory_space<hbm>>) target_semaphore(%arg15 : memref<!tpu.dma_semaphore, #tpu.memory_space<semaphore_mem>>)
      %add3A_104 = arith.constant 2 : i32
      %add3A_105 = arith.addi %mul3A_69, %add3A_104 : i32
      %mul3A_106 = arith.constant 128 : i32
      %mul3A_107 = arith.muli %add3A_105, %mul3A_106 : i32
      %add3A_108 = arith.addi %mul3A_4, %mul3A_107 : i32
      %add3A_109 = arith.constant 2 : i32
      %add3A_110 = arith.addi %mul3A_69, %add3A_109 : i32
      %dma_wait3A_111 = arith.constant 0 : i32
      %dma_wait3A_112 = tpu.memref_slice %arg5[%add3A_110, %dma_wait3A_111] : memref<80x128xi32, #tpu.memory_space<vmem>> -> memref<1x128xi32, #tpu.memory_space<vmem>>
      %dma_wait3A_113 = tpu.memref_squeeze %dma_wait3A_112 : memref<1x128xi32, #tpu.memory_space<vmem>> -> memref<128xi32, #tpu.memory_space<vmem>>
      %dma_wait3A_114 = arith.constant 0 : i32
      %dma_wait3A_115 = arith.constant 0 : i32
      %dma_wait3A_116 = tpu.memref_slice %arg2[%dma_wait3A_114, %dma_wait3A_115] : memref<10240x16xf32, #tpu.memory_space<hbm>> -> memref<10240x16xf32, #tpu.memory_space<hbm>>
      tpu.wait_indirect_dma semaphore(%arg12 : memref<!tpu.dma_semaphore, #tpu.memory_space<semaphore_mem>>) src(%dma_wait3A_116 : memref<10240x16xf32, #tpu.memory_space<hbm>>) dst(%arg8 : memref<128x16xf32, #tpu.memory_space<vmem>>)
      %dma_start3A_117 = arith.constant 0 : i32
      %dma_start3A_118 = tpu.memref_slice %arg4[%add3A_108, %dma_start3A_117] : memref<327680x16xf32, #tpu.memory_space<hbm>> -> memref<128x16xf32, #tpu.memory_space<hbm>>
      %dma_start3A_119 = arith.constant 0 : i32
      %dma_start3A_120 = tpu.memref_slice %arg4[%add3A_108, %dma_start3A_119] : memref<327680x16xf32, #tpu.memory_space<hbm>> -> memref<128x16xf32, #tpu.memory_space<hbm>>
      tpu.enqueue_dma source(%arg8 : memref<128x16xf32, #tpu.memory_space<vmem>>) target(%dma_start3A_120 : memref<128x16xf32, #tpu.memory_space<hbm>>) target_semaphore(%arg16 : memref<!tpu.dma_semaphore, #tpu.memory_space<semaphore_mem>>)
      %add3A_121 = arith.constant 3 : i32
      %add3A_122 = arith.addi %mul3A_69, %add3A_121 : i32
      %mul3A_123 = arith.constant 128 : i32
      %mul3A_124 = arith.muli %add3A_122, %mul3A_123 : i32
      %add3A_125 = arith.addi %mul3A_4, %mul3A_124 : i32
      %add3A_126 = arith.constant 3 : i32
      %add3A_127 = arith.addi %mul3A_69, %add3A_126 : i32
      %dma_wait3A_128 = arith.constant 0 : i32
      %dma_wait3A_129 = tpu.memref_slice %arg5[%add3A_127, %dma_wait3A_128] : memref<80x128xi32, #tpu.memory_space<vmem>> -> memref<1x128xi32, #tpu.memory_space<vmem>>
      %dma_wait3A_130 = tpu.memref_squeeze %dma_wait3A_129 : memref<1x128xi32, #tpu.memory_space<vmem>> -> memref<128xi32, #tpu.memory_space<vmem>>
      %dma_wait3A_131 = arith.constant 0 : i32
      %dma_wait3A_132 = arith.constant 0 : i32
      %dma_wait3A_133 = tpu.memref_slice %arg2[%dma_wait3A_131, %dma_wait3A_132] : memref<10240x16xf32, #tpu.memory_space<hbm>> -> memref<10240x16xf32, #tpu.memory_space<hbm>>
      tpu.wait_indirect_dma semaphore(%arg13 : memref<!tpu.dma_semaphore, #tpu.memory_space<semaphore_mem>>) src(%dma_wait3A_133 : memref<10240x16xf32, #tpu.memory_space<hbm>>) dst(%arg9 : memref<128x16xf32, #tpu.memory_space<vmem>>)
      %dma_start3A_134 = arith.constant 0 : i32
      %dma_start3A_135 = tpu.memref_slice %arg4[%add3A_125, %dma_start3A_134] : memref<327680x16xf32, #tpu.memory_space<hbm>> -> memref<128x16xf32, #tpu.memory_space<hbm>>
      %dma_start3A_136 = arith.constant 0 : i32
      %dma_start3A_137 = tpu.memref_slice %arg4[%add3A_125, %dma_start3A_136] : memref<327680x16xf32, #tpu.memory_space<hbm>> -> memref<128x16xf32, #tpu.memory_space<hbm>>
      tpu.enqueue_dma source(%arg9 : memref<128x16xf32, #tpu.memory_space<vmem>>) target(%dma_start3A_137 : memref<128x16xf32, #tpu.memory_space<hbm>>) target_semaphore(%arg17 : memref<!tpu.dma_semaphore, #tpu.memory_space<semaphore_mem>>)
      %lt3A = arith.constant 19 : i32
      %lt3A_138 = arith.cmpi slt, %scan3A_67, %lt3A : i32
      %convert_element_type3A = arith.extui %lt3A_138 : i1 to i32
      %cond3A = arith.constant 0 : i32
      %cond3A_139 = arith.cmpi ne, %convert_element_type3A, %cond3A : i32
      scf.if %cond3A_139 {
        %add3A_140 = arith.constant 0 : i32
        %add3A_141 = arith.addi %mul3A_69, %add3A_140 : i32
        %mul3A_142 = arith.constant 128 : i32
        %mul3A_143 = arith.muli %add3A_141, %mul3A_142 : i32
        %add3A_144 = arith.addi %mul3A_4, %mul3A_143 : i32
        %dma_wait3A_145 = arith.constant 0 : i32
        %dma_wait3A_146 = tpu.memref_slice %arg4[%add3A_144, %dma_wait3A_145] : memref<327680x16xf32, #tpu.memory_space<hbm>> -> memref<128x16xf32, #tpu.memory_space<hbm>>
        %dma_wait3A_147 = arith.constant 0 : i32
        %dma_wait3A_148 = tpu.memref_slice %arg4[%add3A_144, %dma_wait3A_147] : memref<327680x16xf32, #tpu.memory_space<hbm>> -> memref<128x16xf32, #tpu.memory_space<hbm>>
        tpu.wait_dma2 semaphore(%arg14 : memref<!tpu.dma_semaphore, #tpu.memory_space<semaphore_mem>>) src(%arg6 : memref<128x16xf32, #tpu.memory_space<vmem>>) dst(%dma_wait3A_148 : memref<128x16xf32, #tpu.memory_space<hbm>>)
        %add3A_149 = arith.constant 4 : i32
        %add3A_150 = arith.addi %mul3A_69, %add3A_149 : i32
        %add3A_151 = arith.constant 0 : i32
        %add3A_152 = arith.addi %add3A_150, %add3A_151 : i32
        %dma_start3A_153 = arith.constant 0 : i32
        %dma_start3A_154 = tpu.memref_slice %arg5[%add3A_152, %dma_start3A_153] : memref<80x128xi32, #tpu.memory_space<vmem>> -> memref<1x128xi32, #tpu.memory_space<vmem>>
        %dma_start3A_155 = tpu.memref_squeeze %dma_start3A_154 : memref<1x128xi32, #tpu.memory_space<vmem>> -> memref<128xi32, #tpu.memory_space<vmem>>
        %dma_start3A_156 = arith.constant 0 : i32
        %dma_start3A_157 = arith.constant 0 : i32
        %dma_start3A_158 = tpu.memref_slice %arg2[%dma_start3A_156, %dma_start3A_157] : memref<10240x16xf32, #tpu.memory_space<hbm>> -> memref<10240x16xf32, #tpu.memory_space<hbm>>
        tpu.enqueue_indirect_dma source(%dma_start3A_158 : memref<10240x16xf32, #tpu.memory_space<hbm>>) target(%arg6 : memref<128x16xf32, #tpu.memory_space<vmem>>) offsets(%dma_start3A_155 : memref<128xi32, #tpu.memory_space<vmem>>) semaphore(%arg10 : memref<!tpu.dma_semaphore, #tpu.memory_space<semaphore_mem>>)
        %add3A_159 = arith.constant 1 : i32
        %add3A_160 = arith.addi %mul3A_69, %add3A_159 : i32
        %mul3A_161 = arith.constant 128 : i32
        %mul3A_162 = arith.muli %add3A_160, %mul3A_161 : i32
        %add3A_163 = arith.addi %mul3A_4, %mul3A_162 : i32
        %dma_wait3A_164 = arith.constant 0 : i32
        %dma_wait3A_165 = tpu.memref_slice %arg4[%add3A_163, %dma_wait3A_164] : memref<327680x16xf32, #tpu.memory_space<hbm>> -> memref<128x16xf32, #tpu.memory_space<hbm>>
        %dma_wait3A_166 = arith.constant 0 : i32
        %dma_wait3A_167 = tpu.memref_slice %arg4[%add3A_163, %dma_wait3A_166] : memref<327680x16xf32, #tpu.memory_space<hbm>> -> memref<128x16xf32, #tpu.memory_space<hbm>>
        tpu.wait_dma2 semaphore(%arg15 : memref<!tpu.dma_semaphore, #tpu.memory_space<semaphore_mem>>) src(%arg7 : memref<128x16xf32, #tpu.memory_space<vmem>>) dst(%dma_wait3A_167 : memref<128x16xf32, #tpu.memory_space<hbm>>)
        %add3A_168 = arith.constant 4 : i32
        %add3A_169 = arith.addi %mul3A_69, %add3A_168 : i32
        %add3A_170 = arith.constant 1 : i32
        %add3A_171 = arith.addi %add3A_169, %add3A_170 : i32
        %dma_start3A_172 = arith.constant 0 : i32
        %dma_start3A_173 = tpu.memref_slice %arg5[%add3A_171, %dma_start3A_172] : memref<80x128xi32, #tpu.memory_space<vmem>> -> memref<1x128xi32, #tpu.memory_space<vmem>>
        %dma_start3A_174 = tpu.memref_squeeze %dma_start3A_173 : memref<1x128xi32, #tpu.memory_space<vmem>> -> memref<128xi32, #tpu.memory_space<vmem>>
        %dma_start3A_175 = arith.constant 0 : i32
        %dma_start3A_176 = arith.constant 0 : i32
        %dma_start3A_177 = tpu.memref_slice %arg2[%dma_start3A_175, %dma_start3A_176] : memref<10240x16xf32, #tpu.memory_space<hbm>> -> memref<10240x16xf32, #tpu.memory_space<hbm>>
        tpu.enqueue_indirect_dma source(%dma_start3A_177 : memref<10240x16xf32, #tpu.memory_space<hbm>>) target(%arg7 : memref<128x16xf32, #tpu.memory_space<vmem>>) offsets(%dma_start3A_174 : memref<128xi32, #tpu.memory_space<vmem>>) semaphore(%arg11 : memref<!tpu.dma_semaphore, #tpu.memory_space<semaphore_mem>>)
        %add3A_178 = arith.constant 2 : i32
        %add3A_179 = arith.addi %mul3A_69, %add3A_178 : i32
        %mul3A_180 = arith.constant 128 : i32
        %mul3A_181 = arith.muli %add3A_179, %mul3A_180 : i32
        %add3A_182 = arith.addi %mul3A_4, %mul3A_181 : i32
        %dma_wait3A_183 = arith.constant 0 : i32
        %dma_wait3A_184 = tpu.memref_slice %arg4[%add3A_182, %dma_wait3A_183] : memref<327680x16xf32, #tpu.memory_space<hbm>> -> memref<128x16xf32, #tpu.memory_space<hbm>>
        %dma_wait3A_185 = arith.constant 0 : i32
        %dma_wait3A_186 = tpu.memref_slice %arg4[%add3A_182, %dma_wait3A_185] : memref<327680x16xf32, #tpu.memory_space<hbm>> -> memref<128x16xf32, #tpu.memory_space<hbm>>
        tpu.wait_dma2 semaphore(%arg16 : memref<!tpu.dma_semaphore, #tpu.memory_space<semaphore_mem>>) src(%arg8 : memref<128x16xf32, #tpu.memory_space<vmem>>) dst(%dma_wait3A_186 : memref<128x16xf32, #tpu.memory_space<hbm>>)
        %add3A_187 = arith.constant 4 : i32
        %add3A_188 = arith.addi %mul3A_69, %add3A_187 : i32
        %add3A_189 = arith.constant 2 : i32
        %add3A_190 = arith.addi %add3A_188, %add3A_189 : i32
        %dma_start3A_191 = arith.constant 0 : i32
        %dma_start3A_192 = tpu.memref_slice %arg5[%add3A_190, %dma_start3A_191] : memref<80x128xi32, #tpu.memory_space<vmem>> -> memref<1x128xi32, #tpu.memory_space<vmem>>
        %dma_start3A_193 = tpu.memref_squeeze %dma_start3A_192 : memref<1x128xi32, #tpu.memory_space<vmem>> -> memref<128xi32, #tpu.memory_space<vmem>>
        %dma_start3A_194 = arith.constant 0 : i32
        %dma_start3A_195 = arith.constant 0 : i32
        %dma_start3A_196 = tpu.memref_slice %arg2[%dma_start3A_194, %dma_start3A_195] : memref<10240x16xf32, #tpu.memory_space<hbm>> -> memref<10240x16xf32, #tpu.memory_space<hbm>>
        tpu.enqueue_indirect_dma source(%dma_start3A_196 : memref<10240x16xf32, #tpu.memory_space<hbm>>) target(%arg8 : memref<128x16xf32, #tpu.memory_space<vmem>>) offsets(%dma_start3A_193 : memref<128xi32, #tpu.memory_space<vmem>>) semaphore(%arg12 : memref<!tpu.dma_semaphore, #tpu.memory_space<semaphore_mem>>)
        %add3A_197 = arith.constant 3 : i32
        %add3A_198 = arith.addi %mul3A_69, %add3A_197 : i32
        %mul3A_199 = arith.constant 128 : i32
        %mul3A_200 = arith.muli %add3A_198, %mul3A_199 : i32
        %add3A_201 = arith.addi %mul3A_4, %mul3A_200 : i32
        %dma_wait3A_202 = arith.constant 0 : i32
        %dma_wait3A_203 = tpu.memref_slice %arg4[%add3A_201, %dma_wait3A_202] : memref<327680x16xf32, #tpu.memory_space<hbm>> -> memref<128x16xf32, #tpu.memory_space<hbm>>
        %dma_wait3A_204 = arith.constant 0 : i32
        %dma_wait3A_205 = tpu.memref_slice %arg4[%add3A_201, %dma_wait3A_204] : memref<327680x16xf32, #tpu.memory_space<hbm>> -> memref<128x16xf32, #tpu.memory_space<hbm>>
        tpu.wait_dma2 semaphore(%arg17 : memref<!tpu.dma_semaphore, #tpu.memory_space<semaphore_mem>>) src(%arg9 : memref<128x16xf32, #tpu.memory_space<vmem>>) dst(%dma_wait3A_205 : memref<128x16xf32, #tpu.memory_space<hbm>>)
        %add3A_206 = arith.constant 4 : i32
        %add3A_207 = arith.addi %mul3A_69, %add3A_206 : i32
        %add3A_208 = arith.constant 3 : i32
        %add3A_209 = arith.addi %add3A_207, %add3A_208 : i32
        %dma_start3A_210 = arith.constant 0 : i32
        %dma_start3A_211 = tpu.memref_slice %arg5[%add3A_209, %dma_start3A_210] : memref<80x128xi32, #tpu.memory_space<vmem>> -> memref<1x128xi32, #tpu.memory_space<vmem>>
        %dma_start3A_212 = tpu.memref_squeeze %dma_start3A_211 : memref<1x128xi32, #tpu.memory_space<vmem>> -> memref<128xi32, #tpu.memory_space<vmem>>
        %dma_start3A_213 = arith.constant 0 : i32
        %dma_start3A_214 = arith.constant 0 : i32
        %dma_start3A_215 = tpu.memref_slice %arg2[%dma_start3A_213, %dma_start3A_214] : memref<10240x16xf32, #tpu.memory_space<hbm>> -> memref<10240x16xf32, #tpu.memory_space<hbm>>
        tpu.enqueue_indirect_dma source(%dma_start3A_215 : memref<10240x16xf32, #tpu.memory_space<hbm>>) target(%arg9 : memref<128x16xf32, #tpu.memory_space<vmem>>) offsets(%dma_start3A_212 : memref<128xi32, #tpu.memory_space<vmem>>) semaphore(%arg13 : memref<!tpu.dma_semaphore, #tpu.memory_space<semaphore_mem>>)
      } else {
      }
    }
    %scan3A_36 = arith.constant 20 : i32
    %add3A_37 = arith.constant 10240 : i32
    %add3A_38 = arith.addi %mul3A_4, %add3A_37 : i32
    %sub3A = arith.constant 512 : i32
    %sub3A_39 = arith.subi %add3A_38, %sub3A : i32
    %dma_wait3A = arith.constant 0 : i32
    %dma_wait3A_40 = tpu.memref_slice %arg4[%sub3A_39, %dma_wait3A] : memref<327680x16xf32, #tpu.memory_space<hbm>> -> memref<128x16xf32, #tpu.memory_space<hbm>>
    %dma_wait3A_41 = arith.constant 0 : i32
    %dma_wait3A_42 = tpu.memref_slice %arg4[%sub3A_39, %dma_wait3A_41] : memref<327680x16xf32, #tpu.memory_space<hbm>> -> memref<128x16xf32, #tpu.memory_space<hbm>>
    tpu.wait_dma2 semaphore(%arg14 : memref<!tpu.dma_semaphore, #tpu.memory_space<semaphore_mem>>) src(%arg6 : memref<128x16xf32, #tpu.memory_space<vmem>>) dst(%dma_wait3A_42 : memref<128x16xf32, #tpu.memory_space<hbm>>)
    %add3A_43 = arith.constant 10240 : i32
    %add3A_44 = arith.addi %mul3A_4, %add3A_43 : i32
    %sub3A_45 = arith.constant 384 : i32
    %sub3A_46 = arith.subi %add3A_44, %sub3A_45 : i32
    %dma_wait3A_47 = arith.constant 0 : i32
    %dma_wait3A_48 = tpu.memref_slice %arg4[%sub3A_46, %dma_wait3A_47] : memref<327680x16xf32, #tpu.memory_space<hbm>> -> memref<128x16xf32, #tpu.memory_space<hbm>>
    %dma_wait3A_49 = arith.constant 0 : i32
    %dma_wait3A_50 = tpu.memref_slice %arg4[%sub3A_46, %dma_wait3A_49] : memref<327680x16xf32, #tpu.memory_space<hbm>> -> memref<128x16xf32, #tpu.memory_space<hbm>>
    tpu.wait_dma2 semaphore(%arg15 : memref<!tpu.dma_semaphore, #tpu.memory_space<semaphore_mem>>) src(%arg7 : memref<128x16xf32, #tpu.memory_space<vmem>>) dst(%dma_wait3A_50 : memref<128x16xf32, #tpu.memory_space<hbm>>)
    %add3A_51 = arith.constant 10240 : i32
    %add3A_52 = arith.addi %mul3A_4, %add3A_51 : i32
    %sub3A_53 = arith.constant 256 : i32
    %sub3A_54 = arith.subi %add3A_52, %sub3A_53 : i32
    %dma_wait3A_55 = arith.constant 0 : i32
    %dma_wait3A_56 = tpu.memref_slice %arg4[%sub3A_54, %dma_wait3A_55] : memref<327680x16xf32, #tpu.memory_space<hbm>> -> memref<128x16xf32, #tpu.memory_space<hbm>>
    %dma_wait3A_57 = arith.constant 0 : i32
    %dma_wait3A_58 = tpu.memref_slice %arg4[%sub3A_54, %dma_wait3A_57] : memref<327680x16xf32, #tpu.memory_space<hbm>> -> memref<128x16xf32, #tpu.memory_space<hbm>>
    tpu.wait_dma2 semaphore(%arg16 : memref<!tpu.dma_semaphore, #tpu.memory_space<semaphore_mem>>) src(%arg8 : memref<128x16xf32, #tpu.memory_space<vmem>>) dst(%dma_wait3A_58 : memref<128x16xf32, #tpu.memory_space<hbm>>)
    %add3A_59 = arith.constant 10240 : i32
    %add3A_60 = arith.addi %mul3A_4, %add3A_59 : i32
    %sub3A_61 = arith.constant 128 : i32
    %sub3A_62 = arith.subi %add3A_60, %sub3A_61 : i32
    %dma_wait3A_63 = arith.constant 0 : i32
    %dma_wait3A_64 = tpu.memref_slice %arg4[%sub3A_62, %dma_wait3A_63] : memref<327680x16xf32, #tpu.memory_space<hbm>> -> memref<128x16xf32, #tpu.memory_space<hbm>>
    %dma_wait3A_65 = arith.constant 0 : i32
    %dma_wait3A_66 = tpu.memref_slice %arg4[%sub3A_62, %dma_wait3A_65] : memref<327680x16xf32, #tpu.memory_space<hbm>> -> memref<128x16xf32, #tpu.memory_space<hbm>>
    tpu.wait_dma2 semaphore(%arg17 : memref<!tpu.dma_semaphore, #tpu.memory_space<semaphore_mem>>) src(%arg9 : memref<128x16xf32, #tpu.memory_space<vmem>>) dst(%dma_wait3A_66 : memref<128x16xf32, #tpu.memory_space<hbm>>)
    return
  }
}

module attributes {stable_mosaic.version = 14 : i64} {
  func.func @body(%arg0: i32, %arg1: memref<32x512x128xf32, #tpu.memory_space<vmem>>, %arg2: memref<512x128xf32, #tpu.memory_space<vmem>>, %arg3: memref<1x64xf32, #tpu.memory_space<vmem>>, %arg4: memref<128x512xf32, #tpu.memory_space<vmem>>, %arg5: memref<64x512xf32, #tpu.memory_space<vmem>>, %arg6: memref<128x512xf32, #tpu.memory_space<vmem>>, %arg7: memref<128x64xf32, #tpu.memory_space<vmem>>, %arg8: memref<64x64xf32, #tpu.memory_space<vmem>>, %arg9: memref<128x64xf32, #tpu.memory_space<vmem>>, %arg10: memref<1x512xf32, #tpu.memory_space<vmem>>, %arg11: memref<1x64xf32, #tpu.memory_space<vmem>>, %arg12: memref<64x1xf32, #tpu.memory_space<vmem>>, %arg13: memref<512x64xf32, #tpu.memory_space<vmem>>, %arg14: memref<1x64xf32, #tpu.memory_space<vmem>>, %arg15: memref<2xf32, #tpu.memory_space<smem>>, %arg16: memref<1x64xf32, #tpu.memory_space<vmem>>) attributes {dimension_semantics = [#tpu.dimension_semantics<arbitrary>], iteration_bounds = array<i64: 20>, scalar_prefetch = 0 : i64, scratch_operands = 2 : i64, tpu.core_type = #tpu.core_type<tc>, window_params = [{transform_indices = @transform_0, window_bounds = array<i64: 32, 512, 128>}, {transform_indices = @transform_1, window_bounds = array<i64: 512, 128>}, {pipeline_mode = #tpu.pipeline_mode<synchronous>, transform_indices = @transform_2, window_bounds = array<i64: 1, 64>}, {pipeline_mode = #tpu.pipeline_mode<synchronous>, transform_indices = @transform_3, window_bounds = array<i64: 128, 512>}, {pipeline_mode = #tpu.pipeline_mode<synchronous>, transform_indices = @transform_4, window_bounds = array<i64: 64, 512>}, {pipeline_mode = #tpu.pipeline_mode<synchronous>, transform_indices = @transform_5, window_bounds = array<i64: 128, 512>}, {pipeline_mode = #tpu.pipeline_mode<synchronous>, transform_indices = @transform_6, window_bounds = array<i64: 128, 64>}, {pipeline_mode = #tpu.pipeline_mode<synchronous>, transform_indices = @transform_7, window_bounds = array<i64: 64, 64>}, {pipeline_mode = #tpu.pipeline_mode<synchronous>, transform_indices = @transform_8, window_bounds = array<i64: 128, 64>}, {pipeline_mode = #tpu.pipeline_mode<synchronous>, transform_indices = @transform_9, window_bounds = array<i64: 1, 512>}, {pipeline_mode = #tpu.pipeline_mode<synchronous>, transform_indices = @transform_10, window_bounds = array<i64: 1, 64>}, {pipeline_mode = #tpu.pipeline_mode<synchronous>, transform_indices = @transform_11, window_bounds = array<i64: 64, 1>}, {transform_indices = @transform_12, window_bounds = array<i64: 512, 64>}, {pipeline_mode = #tpu.pipeline_mode<synchronous>, transform_indices = @transform_13, window_bounds = array<i64: 1, 64>}]} {
    %get3A = arith.constant 0 : index
    %get3A_0 = arith.constant 0 : index
    %get3A_1 = vector.load %arg3[%get3A, %get3A_0] : memref<1x64xf32, #tpu.memory_space<vmem>>, vector<1x64xf32>
    %get3A_2 = arith.constant 0 : index
    %get3A_3 = arith.constant 0 : index
    %get3A_4 = vector.load %arg10[%get3A_2, %get3A_3] : memref<1x512xf32, #tpu.memory_space<vmem>>, vector<1x512xf32>
    %get3A_5 = arith.constant 0 : index
    %get3A_6 = arith.constant 0 : index
    %get3A_7 = vector.load %arg5[%get3A_5, %get3A_6] : memref<64x512xf32, #tpu.memory_space<vmem>>, vector<64x512xf32>
    %dot_general3A = arith.constant dense<0.000000e+00> : vector<1x512xf32>
    %dot_general3A_8 = tpu.matmul %get3A_1, %get3A_7, %dot_general3A {dimension_numbers = #tpu.dot_dimension_numbers<[1], [0], [0], [1], [0, 0, 1, 1], [], []>, transpose_lhs_hint = false} : vector<1x64xf32>, vector<64x512xf32>, vector<1x512xf32> -> vector<1x512xf32>
    %add3A = arith.addf %get3A_4, %dot_general3A_8 : vector<1x512xf32>
    %get3A_9 = arith.constant 0 : index
    %get3A_10 = arith.constant 0 : index
    %get3A_11 = vector.load %arg4[%get3A_9, %get3A_10] : memref<128x512xf32, #tpu.memory_space<vmem>>, vector<128x512xf32>
    %convert_element_type3A = arith.truncf %get3A_11 : vector<128x512xf32> to vector<128x512xbf16>
    %get3A_12 = arith.constant 0 : index
    %get3A_13 = arith.constant 0 : index
    %get3A_14 = vector.load %arg6[%get3A_12, %get3A_13] : memref<128x512xf32, #tpu.memory_space<vmem>>, vector<128x512xf32>
    %convert_element_type3A_15 = arith.truncf %get3A_14 : vector<128x512xf32> to vector<128x512xbf16>
    %broadcast_in_dim3A = arith.constant 0.000000e+00 : f32
    %broadcast_in_dim3A_16 = vector.broadcast %broadcast_in_dim3A : f32 to vector<512x128xf32>
    %scan3A = arith.constant 0 : i32
    %scan3A_17 = arith.constant 32 : i32
    %scan3A_18 = arith.addi %scan3A, %scan3A_17 : i32
    %scan3A_19 = arith.constant 1 : i32
    %scan3A_20:2 = scf.for %scan3A_115 = %scan3A to %scan3A_18 step %scan3A_19 iter_args(%scan3A_116 = %broadcast_in_dim3A_16, %scan3A_117 = %broadcast_in_dim3A_16) -> (vector<512x128xf32>, vector<512x128xf32>)  : i32 {
      %get3A_118 = arith.index_cast %scan3A_115 : i32 to index
      %get3A_119 = arith.constant 0 : index
      %get3A_120 = arith.constant 0 : index
      %get3A_121 = vector.load %arg1[%get3A_118, %get3A_119, %get3A_120] : memref<32x512x128xf32, #tpu.memory_space<vmem>>, vector<1x512x128xf32>
      %get3A_122 = vector.shape_cast %get3A_121 : vector<1x512x128xf32> to vector<512x128xf32>
      %mul3A_123 = arith.constant 0.0883883461 : f32
      %mul3A_124 = vector.broadcast %mul3A_123 : f32 to vector<512x128xf32>
      %mul3A_125 = arith.mulf %get3A_122, %mul3A_124 : vector<512x128xf32>
      %convert_element_type3A_126 = arith.truncf %mul3A_125 : vector<512x128xf32> to vector<512x128xbf16>
      %dot_general3A_127 = arith.constant dense<0.000000e+00> : vector<512x512xf32>
      %dot_general3A_128 = tpu.matmul %convert_element_type3A_126, %convert_element_type3A, %dot_general3A_127 {dimension_numbers = #tpu.dot_dimension_numbers<[1], [0], [0], [1], [0, 0, 1, 1], [], []>, transpose_lhs_hint = false} : vector<512x128xbf16>, vector<128x512xbf16>, vector<512x512xf32> -> vector<512x512xf32>
      %convert_element_type3A_129 = arith.truncf %scan3A_116 : vector<512x128xf32> to vector<512x128xbf16>
      %dot_general3A_130 = arith.constant dense<0.000000e+00> : vector<512x512xf32>
      %dot_general3A_131 = tpu.matmul %convert_element_type3A_129, %convert_element_type3A_15, %dot_general3A_130 {dimension_numbers = #tpu.dot_dimension_numbers<[1], [0], [0], [1], [0, 0, 1, 1], [], []>, transpose_lhs_hint = false} : vector<512x128xbf16>, vector<128x512xbf16>, vector<512x512xf32> -> vector<512x512xf32>
      %add3A_132 = arith.addf %dot_general3A_128, %dot_general3A_131 : vector<512x512xf32>
      %add3A_133 = vector.broadcast %add3A : vector<1x512xf32> to vector<512x512xf32>
      %add3A_134 = arith.addf %add3A_132, %add3A_133 : vector<512x512xf32>
      %slice3A = vector.extract_strided_slice %add3A_134 {offsets = [0, 0], sizes = [512, 128], strides = [1, 1]} : vector<512x512xf32> to vector<512x128xf32>
      %logistic3A = arith.negf %slice3A : vector<512x128xf32>
      %logistic3A_135 = math.exp %logistic3A : vector<512x128xf32>
      %logistic3A_136 = arith.constant 1.000000e+00 : f32
      %logistic3A_137 = vector.broadcast %logistic3A_136 : f32 to vector<512x128xf32>
      %logistic3A_138 = arith.addf %logistic3A_137, %logistic3A_135 : vector<512x128xf32>
      %logistic3A_139 = arith.divf %logistic3A_137, %logistic3A_138 : vector<512x128xf32>
      %slice3A_140 = vector.extract_strided_slice %add3A_134 {offsets = [0, 128], sizes = [512, 128], strides = [1, 1]} : vector<512x512xf32> to vector<512x128xf32>
      %logistic3A_141 = arith.negf %slice3A_140 : vector<512x128xf32>
      %logistic3A_142 = math.exp %logistic3A_141 : vector<512x128xf32>
      %logistic3A_143 = arith.constant 1.000000e+00 : f32
      %logistic3A_144 = vector.broadcast %logistic3A_143 : f32 to vector<512x128xf32>
      %logistic3A_145 = arith.addf %logistic3A_144, %logistic3A_142 : vector<512x128xf32>
      %logistic3A_146 = arith.divf %logistic3A_144, %logistic3A_145 : vector<512x128xf32>
      %slice3A_147 = vector.extract_strided_slice %add3A_134 {offsets = [0, 256], sizes = [512, 128], strides = [1, 1]} : vector<512x512xf32> to vector<512x128xf32>
      %tanh3A = math.tanh %slice3A_147 : vector<512x128xf32>
      %slice3A_148 = vector.extract_strided_slice %add3A_134 {offsets = [0, 384], sizes = [512, 128], strides = [1, 1]} : vector<512x512xf32> to vector<512x128xf32>
      %logistic3A_149 = arith.negf %slice3A_148 : vector<512x128xf32>
      %logistic3A_150 = math.exp %logistic3A_149 : vector<512x128xf32>
      %logistic3A_151 = arith.constant 1.000000e+00 : f32
      %logistic3A_152 = vector.broadcast %logistic3A_151 : f32 to vector<512x128xf32>
      %logistic3A_153 = arith.addf %logistic3A_152, %logistic3A_150 : vector<512x128xf32>
      %logistic3A_154 = arith.divf %logistic3A_152, %logistic3A_153 : vector<512x128xf32>
      %mul3A_155 = arith.mulf %logistic3A_146, %scan3A_117 : vector<512x128xf32>
      %mul3A_156 = arith.mulf %logistic3A_139, %tanh3A : vector<512x128xf32>
      %add3A_157 = arith.addf %mul3A_155, %mul3A_156 : vector<512x128xf32>
      %tanh3A_158 = math.tanh %add3A_157 : vector<512x128xf32>
      %mul3A_159 = arith.mulf %logistic3A_154, %tanh3A_158 : vector<512x128xf32>
      scf.yield %mul3A_159, %add3A_157 : vector<512x128xf32>, vector<512x128xf32>
    }
    %scan3A_21 = arith.constant 32 : i32
    %get3A_22 = arith.constant 0 : index
    %get3A_23 = arith.constant 0 : index
    %get3A_24 = vector.load %arg2[%get3A_22, %get3A_23] : memref<512x128xf32, #tpu.memory_space<vmem>>, vector<512x128xf32>
    %mul3A = arith.constant 0.0883883461 : f32
    %mul3A_25 = vector.broadcast %mul3A : f32 to vector<512x128xf32>
    %mul3A_26 = arith.mulf %get3A_24, %mul3A_25 : vector<512x128xf32>
    %get3A_27 = arith.constant 0 : index
    %get3A_28 = arith.constant 0 : index
    %get3A_29 = vector.load %arg7[%get3A_27, %get3A_28] : memref<128x64xf32, #tpu.memory_space<vmem>>, vector<128x64xf32>
    %dot_general3A_30 = arith.constant dense<0.000000e+00> : vector<512x64xf32>
    %dot_general3A_31 = tpu.matmul %mul3A_26, %get3A_29, %dot_general3A_30 {dimension_numbers = #tpu.dot_dimension_numbers<[1], [0], [0], [1], [0, 0, 1, 1], [], []>, transpose_lhs_hint = false} : vector<512x128xf32>, vector<128x64xf32>, vector<512x64xf32> -> vector<512x64xf32>
    %get3A_32 = arith.constant 0 : index
    %get3A_33 = arith.constant 0 : index
    %get3A_34 = vector.load %arg8[%get3A_32, %get3A_33] : memref<64x64xf32, #tpu.memory_space<vmem>>, vector<64x64xf32>
    %dot_general3A_35 = arith.constant dense<0.000000e+00> : vector<1x64xf32>
    %dot_general3A_36 = tpu.matmul %get3A_1, %get3A_34, %dot_general3A_35 {dimension_numbers = #tpu.dot_dimension_numbers<[1], [0], [0], [1], [0, 0, 1, 1], [], []>, transpose_lhs_hint = false} : vector<1x64xf32>, vector<64x64xf32>, vector<1x64xf32> -> vector<1x64xf32>
    %add3A_37 = vector.broadcast %dot_general3A_36 : vector<1x64xf32> to vector<512x64xf32>
    %add3A_38 = arith.addf %dot_general3A_31, %add3A_37 : vector<512x64xf32>
    %get3A_39 = arith.constant 0 : index
    %get3A_40 = arith.constant 0 : index
    %get3A_41 = vector.load %arg9[%get3A_39, %get3A_40] : memref<128x64xf32, #tpu.memory_space<vmem>>, vector<128x64xf32>
    %dot_general3A_42 = arith.constant dense<0.000000e+00> : vector<512x64xf32>
    %dot_general3A_43 = tpu.matmul %scan3A_20#0, %get3A_41, %dot_general3A_42 {dimension_numbers = #tpu.dot_dimension_numbers<[1], [0], [0], [1], [0, 0, 1, 1], [], []>, transpose_lhs_hint = false} : vector<512x128xf32>, vector<128x64xf32>, vector<512x64xf32> -> vector<512x64xf32>
    %add3A_44 = arith.addf %add3A_38, %dot_general3A_43 : vector<512x64xf32>
    %get3A_45 = arith.constant 0 : index
    %get3A_46 = arith.constant 0 : index
    %get3A_47 = vector.load %arg11[%get3A_45, %get3A_46] : memref<1x64xf32, #tpu.memory_space<vmem>>, vector<1x64xf32>
    %add3A_48 = vector.broadcast %get3A_47 : vector<1x64xf32> to vector<512x64xf32>
    %add3A_49 = arith.addf %add3A_44, %add3A_48 : vector<512x64xf32>
    %gt3A = arith.constant 0.000000e+00 : f32
    %gt3A_50 = vector.broadcast %gt3A : f32 to vector<512x64xf32>
    %gt3A_51 = arith.cmpf ogt, %add3A_49, %gt3A_50 : vector<512x64xf32>
    %mul3A_52 = arith.constant 0.00999999977 : f32
    %mul3A_53 = vector.broadcast %mul3A_52 : f32 to vector<512x64xf32>
    %mul3A_54 = arith.mulf %mul3A_53, %add3A_49 : vector<512x64xf32>
    %select_n3A = arith.select %gt3A_51, %add3A_49, %mul3A_54 : vector<512x64xi1>, vector<512x64xf32>
    %swap3A = arith.constant 0 : index
    %swap3A_55 = arith.constant 0 : index
    %swap3A_56 = vector.load %arg13[%swap3A, %swap3A_55] : memref<512x64xf32, #tpu.memory_space<vmem>>, vector<512x64xf32>
    tpu.vector_store %arg13[%swap3A, %swap3A_55], %select_n3A {strides = array<i32>} : memref<512x64xf32, #tpu.memory_space<vmem>>, vector<512x64xf32>,
    %get3A_57 = arith.constant 0 : index
    %get3A_58 = arith.constant 0 : index
    %get3A_59 = vector.load %arg12[%get3A_57, %get3A_58] : memref<64x1xf32, #tpu.memory_space<vmem>>, vector<64x1xf32>
    %dot_general3A_60 = arith.constant dense<0.000000e+00> : vector<512x1xf32>
    %dot_general3A_61 = tpu.matmul %select_n3A, %get3A_59, %dot_general3A_60 {dimension_numbers = #tpu.dot_dimension_numbers<[1], [0], [0], [1], [0, 0, 1, 1], [], []>, transpose_lhs_hint = false} : vector<512x64xf32>, vector<64x1xf32>, vector<512x1xf32> -> vector<512x1xf32>
    %iota3A = tpu.iota {dimensions = array<i32: 0>} : vector<512x1xi32>
    %mul3A_62 = arith.constant 512 : i32
    %mul3A_63 = arith.muli %arg0, %mul3A_62 : i32
    %add3A_64 = vector.broadcast %mul3A_63 : i32 to vector<512x1xi32>
    %add3A_65 = arith.addi %iota3A, %add3A_64 : vector<512x1xi32>
    %lt3A = arith.constant 10000 : i32
    %lt3A_66 = vector.broadcast %lt3A : i32 to vector<512x1xi32>
    %lt3A_67 = arith.cmpi slt, %add3A_65, %lt3A_66 : vector<512x1xi32>
    %jit3A = arith.constant -1.000000e+30 : f32
    %broadcast_in_dim3A_68 = vector.broadcast %jit3A : f32 to vector<512x1xf32>
    %select_n3A_69 = arith.select %lt3A_67, %dot_general3A_61, %broadcast_in_dim3A_68 : vector<512x1xi1>, vector<512x1xf32>
    %eq3A = arith.constant 0 : i32
    %eq3A_70 = arith.cmpi eq, %arg0, %eq3A : i32
    %convert_element_type3A_71 = arith.extui %eq3A_70 : i1 to i32
    %cond3A = arith.constant 0 : i32
    %cond3A_72 = arith.cmpi ne, %convert_element_type3A_71, %cond3A : i32
    scf.if %cond3A_72 {
      %swap3A_115 = arith.constant -1.000000e+30 : f32
      %swap3A_116 = arith.constant 0 : index
      %swap3A_117 = memref.load %arg15[%swap3A_116] : memref<2xf32, #tpu.memory_space<smem>>
      memref.store %swap3A_115, %arg15[%swap3A_116] : memref<2xf32, #tpu.memory_space<smem>>
      %swap3A_118 = arith.constant 0.000000e+00 : f32
      %swap3A_119 = arith.constant 1 : index
      %swap3A_120 = memref.load %arg15[%swap3A_119] : memref<2xf32, #tpu.memory_space<smem>>
      memref.store %swap3A_118, %arg15[%swap3A_119] : memref<2xf32, #tpu.memory_space<smem>>
      %broadcast_in_dim3A_121 = arith.constant 0.000000e+00 : f32
      %broadcast_in_dim3A_122 = vector.broadcast %broadcast_in_dim3A_121 : f32 to vector<1x64xf32>
      %swap3A_123 = arith.constant 0 : index
      %swap3A_124 = arith.constant 0 : index
      %swap3A_125 = vector.load %arg16[%swap3A_123, %swap3A_124] : memref<1x64xf32, #tpu.memory_space<vmem>>, vector<1x64xf32>
      tpu.vector_store %arg16[%swap3A_123, %swap3A_124], %broadcast_in_dim3A_122 {strides = array<i32>} : memref<1x64xf32, #tpu.memory_space<vmem>>, vector<1x64xf32>,
    } else {
    }
    %get3A_73 = arith.constant 0 : index
    %get3A_74 = memref.load %arg15[%get3A_73] : memref<2xf32, #tpu.memory_space<smem>>
    %reduce_max3A = vector.shape_cast %select_n3A_69 : vector<512x1xf32> to vector<1x512x1xf32>
    %reduce_max3A_75 = arith.constant dense<0xFF800000> : vector<1xf32>
    %reduce_max3A_76 = vector.multi_reduction <maximumf>, %reduce_max3A, %reduce_max3A_75 [1, 2] : vector<1x512x1xf32> to vector<1xf32>
    %reduce_max3A_77 = vector.shape_cast %reduce_max3A_76 : vector<1xf32> to vector<1x1x1xf32>
    %reduce_max3A_78 = vector.extract %reduce_max3A_77[0, 0, 0] : f32 from vector<1x1x1xf32>
    %max3A = arith.maximumf %get3A_74, %reduce_max3A_78 : f32
    %sub3A = arith.subf %get3A_74, %max3A : f32
    %exp3A = math.exp %sub3A : f32
    %lt3A_79 = arith.constant 10000 : i32
    %lt3A_80 = vector.broadcast %lt3A_79 : i32 to vector<512x1xi32>
    %lt3A_81 = arith.cmpi slt, %add3A_65, %lt3A_80 : vector<512x1xi32>
    %sub3A_82 = vector.broadcast %max3A : f32 to vector<512x1xf32>
    %sub3A_83 = arith.subf %select_n3A_69, %sub3A_82 : vector<512x1xf32>
    %exp3A_84 = math.exp %sub3A_83 : vector<512x1xf32>
    %jit3A_85 = arith.constant 0.000000e+00 : f32
    %broadcast_in_dim3A_86 = vector.broadcast %jit3A_85 : f32 to vector<512x1xf32>
    %select_n3A_87 = arith.select %lt3A_81, %exp3A_84, %broadcast_in_dim3A_86 : vector<512x1xi1>, vector<512x1xf32>
    %get3A_88 = arith.constant 1 : index
    %get3A_89 = memref.load %arg15[%get3A_88] : memref<2xf32, #tpu.memory_space<smem>>
    %mul3A_90 = arith.mulf %get3A_89, %exp3A : f32
    %reduce_sum3A = vector.shape_cast %select_n3A_87 : vector<512x1xf32> to vector<1x512x1xf32>
    %reduce_sum3A_91 = arith.constant dense<0.000000e+00> : vector<1xf32>
    %reduce_sum3A_92 = vector.multi_reduction <add>, %reduce_sum3A, %reduce_sum3A_91 [1, 2] : vector<1x512x1xf32> to vector<1xf32>
    %reduce_sum3A_93 = vector.shape_cast %reduce_sum3A_92 : vector<1xf32> to vector<1x1x1xf32>
    %reduce_sum3A_94 = vector.extract %reduce_sum3A_93[0, 0, 0] : f32 from vector<1x1x1xf32>
    %add3A_95 = arith.addf %mul3A_90, %reduce_sum3A_94 : f32
    %get3A_96 = arith.constant 0 : index
    %get3A_97 = arith.constant 0 : index
    %get3A_98 = vector.load %arg16[%get3A_96, %get3A_97] : memref<1x64xf32, #tpu.memory_space<vmem>>, vector<1x64xf32>
    %mul3A_99 = vector.broadcast %exp3A : f32 to vector<1x64xf32>
    %mul3A_100 = arith.mulf %get3A_98, %mul3A_99 : vector<1x64xf32>
    %dot_general3A_101 = arith.constant dense<0.000000e+00> : vector<1x64xf32>
    %dot_general3A_102 = tpu.matmul %select_n3A_87, %select_n3A, %dot_general3A_101 {dimension_numbers = #tpu.dot_dimension_numbers<[0], [0], [1], [1], [0, 1, 1, 1], [], []>, transpose_lhs_hint = false} : vector<512x1xf32>, vector<512x64xf32>, vector<1x64xf32> -> vector<1x64xf32>
    %add3A_103 = arith.addf %mul3A_100, %dot_general3A_102 : vector<1x64xf32>
    %swap3A_104 = arith.constant 0 : index
    %swap3A_105 = memref.load %arg15[%swap3A_104] : memref<2xf32, #tpu.memory_space<smem>>
    memref.store %max3A, %arg15[%swap3A_104] : memref<2xf32, #tpu.memory_space<smem>>
    %swap3A_106 = arith.constant 1 : index
    %swap3A_107 = memref.load %arg15[%swap3A_106] : memref<2xf32, #tpu.memory_space<smem>>
    memref.store %add3A_95, %arg15[%swap3A_106] : memref<2xf32, #tpu.memory_space<smem>>
    %swap3A_108 = arith.constant 0 : index
    %swap3A_109 = arith.constant 0 : index
    %swap3A_110 = vector.load %arg16[%swap3A_108, %swap3A_109] : memref<1x64xf32, #tpu.memory_space<vmem>>, vector<1x64xf32>
    tpu.vector_store %arg16[%swap3A_108, %swap3A_109], %add3A_103 {strides = array<i32>} : memref<1x64xf32, #tpu.memory_space<vmem>>, vector<1x64xf32>,
    %div3A = vector.broadcast %add3A_95 : f32 to vector<1x64xf32>
    %div3A_111 = arith.divf %add3A_103, %div3A : vector<1x64xf32>
    %swap3A_112 = arith.constant 0 : index
    %swap3A_113 = arith.constant 0 : index
    %swap3A_114 = vector.load %arg14[%swap3A_112, %swap3A_113] : memref<1x64xf32, #tpu.memory_space<vmem>>, vector<1x64xf32>
    tpu.vector_store %arg14[%swap3A_112, %swap3A_113], %div3A_111 {strides = array<i32>} : memref<1x64xf32, #tpu.memory_space<vmem>>, vector<1x64xf32>,
    return
  }
  func.func @transform_0(%arg0: i32) -> (i32, i32, i32) {
    %c0_i32 = arith.constant 0 : i32
    %c0_i32_0 = arith.constant 0 : i32
    %c0_i32_1 = arith.constant 0 : i32
    return %c0_i32, %arg0, %c0_i32_0 : i32, i32, i32
  }
  func.func @transform_1(%arg0: i32) -> (i32, i32) {
    %c0_i32 = arith.constant 0 : i32
    %c0_i32_0 = arith.constant 0 : i32
    return %arg0, %c0_i32 : i32, i32
  }
  func.func @transform_2(%arg0: i32) -> (i32, i32) {
    %c0_i32 = arith.constant 0 : i32
    %c0_i32_0 = arith.constant 0 : i32
    %c0_i32_1 = arith.constant 0 : i32
    return %c0_i32, %c0_i32_0 : i32, i32
  }
  func.func @transform_3(%arg0: i32) -> (i32, i32) {
    %c0_i32 = arith.constant 0 : i32
    %c0_i32_0 = arith.constant 0 : i32
    %c0_i32_1 = arith.constant 0 : i32
    return %c0_i32, %c0_i32_0 : i32, i32
  }
  func.func @transform_4(%arg0: i32) -> (i32, i32) {
    %c0_i32 = arith.constant 0 : i32
    %c0_i32_0 = arith.constant 0 : i32
    %c0_i32_1 = arith.constant 0 : i32
    return %c0_i32, %c0_i32_0 : i32, i32
  }
  func.func @transform_5(%arg0: i32) -> (i32, i32) {
    %c0_i32 = arith.constant 0 : i32
    %c0_i32_0 = arith.constant 0 : i32
    %c0_i32_1 = arith.constant 0 : i32
    return %c0_i32, %c0_i32_0 : i32, i32
  }
  func.func @transform_6(%arg0: i32) -> (i32, i32) {
    %c0_i32 = arith.constant 0 : i32
    %c0_i32_0 = arith.constant 0 : i32
    %c0_i32_1 = arith.constant 0 : i32
    return %c0_i32, %c0_i32_0 : i32, i32
  }
  func.func @transform_7(%arg0: i32) -> (i32, i32) {
    %c0_i32 = arith.constant 0 : i32
    %c0_i32_0 = arith.constant 0 : i32
    %c0_i32_1 = arith.constant 0 : i32
    return %c0_i32, %c0_i32_0 : i32, i32
  }
  func.func @transform_8(%arg0: i32) -> (i32, i32) {
    %c0_i32 = arith.constant 0 : i32
    %c0_i32_0 = arith.constant 0 : i32
    %c0_i32_1 = arith.constant 0 : i32
    return %c0_i32, %c0_i32_0 : i32, i32
  }
  func.func @transform_9(%arg0: i32) -> (i32, i32) {
    %c0_i32 = arith.constant 0 : i32
    %c0_i32_0 = arith.constant 0 : i32
    %c0_i32_1 = arith.constant 0 : i32
    return %c0_i32, %c0_i32_0 : i32, i32
  }
  func.func @transform_10(%arg0: i32) -> (i32, i32) {
    %c0_i32 = arith.constant 0 : i32
    %c0_i32_0 = arith.constant 0 : i32
    %c0_i32_1 = arith.constant 0 : i32
    return %c0_i32, %c0_i32_0 : i32, i32
  }
  func.func @transform_11(%arg0: i32) -> (i32, i32) {
    %c0_i32 = arith.constant 0 : i32
    %c0_i32_0 = arith.constant 0 : i32
    %c0_i32_1 = arith.constant 0 : i32
    return %c0_i32, %c0_i32_0 : i32, i32
  }
  func.func @transform_12(%arg0: i32) -> (i32, i32) {
    %c0_i32 = arith.constant 0 : i32
    %c0_i32_0 = arith.constant 0 : i32
    return %arg0, %c0_i32 : i32, i32
  }
  func.func @transform_13(%arg0: i32) -> (i32, i32) {
    %c0_i32 = arith.constant 0 : i32
    %c0_i32_0 = arith.constant 0 : i32
    %c0_i32_1 = arith.constant 0 : i32
    return %c0_i32, %c0_i32_0 : i32, i32
  }
}

module attributes {stable_mosaic.version = 14 : i64} {
  func.func @body(%arg0: i32, %arg1: memref<32x512x64xf32, #tpu.memory_space<vmem>>, %arg2: memref<512x64xf32, #tpu.memory_space<vmem>>, %arg3: memref<1x64xf32, #tpu.memory_space<vmem>>, %arg4: memref<64x512xf32, #tpu.memory_space<vmem>>, %arg5: memref<64x512xf32, #tpu.memory_space<vmem>>, %arg6: memref<128x512xf32, #tpu.memory_space<vmem>>, %arg7: memref<64x64xf32, #tpu.memory_space<vmem>>, %arg8: memref<64x64xf32, #tpu.memory_space<vmem>>, %arg9: memref<128x64xf32, #tpu.memory_space<vmem>>, %arg10: memref<1x512xf32, #tpu.memory_space<vmem>>, %arg11: memref<1x64xf32, #tpu.memory_space<vmem>>, %arg12: memref<64x1xf32, #tpu.memory_space<vmem>>, %arg13: memref<512x64xf32, #tpu.memory_space<vmem>>, %arg14: memref<1x64xf32, #tpu.memory_space<vmem>>, %arg15: memref<2xf32, #tpu.memory_space<smem>>, %arg16: memref<1x64xf32, #tpu.memory_space<vmem>>) attributes {dimension_semantics = [#tpu.dimension_semantics<arbitrary>], iteration_bounds = array<i64: 20>, scalar_prefetch = 0 : i64, scratch_operands = 2 : i64, tpu.core_type = #tpu.core_type<tc>, window_params = [{transform_indices = @transform_0, window_bounds = array<i64: 32, 512, 64>}, {transform_indices = @transform_1, window_bounds = array<i64: 512, 64>}, {pipeline_mode = #tpu.pipeline_mode<synchronous>, transform_indices = @transform_2, window_bounds = array<i64: 1, 64>}, {pipeline_mode = #tpu.pipeline_mode<synchronous>, transform_indices = @transform_3, window_bounds = array<i64: 64, 512>}, {pipeline_mode = #tpu.pipeline_mode<synchronous>, transform_indices = @transform_4, window_bounds = array<i64: 64, 512>}, {pipeline_mode = #tpu.pipeline_mode<synchronous>, transform_indices = @transform_5, window_bounds = array<i64: 128, 512>}, {pipeline_mode = #tpu.pipeline_mode<synchronous>, transform_indices = @transform_6, window_bounds = array<i64: 64, 64>}, {pipeline_mode = #tpu.pipeline_mode<synchronous>, transform_indices = @transform_7, window_bounds = array<i64: 64, 64>}, {pipeline_mode = #tpu.pipeline_mode<synchronous>, transform_indices = @transform_8, window_bounds = array<i64: 128, 64>}, {pipeline_mode = #tpu.pipeline_mode<synchronous>, transform_indices = @transform_9, window_bounds = array<i64: 1, 512>}, {pipeline_mode = #tpu.pipeline_mode<synchronous>, transform_indices = @transform_10, window_bounds = array<i64: 1, 64>}, {pipeline_mode = #tpu.pipeline_mode<synchronous>, transform_indices = @transform_11, window_bounds = array<i64: 64, 1>}, {transform_indices = @transform_12, window_bounds = array<i64: 512, 64>}, {pipeline_mode = #tpu.pipeline_mode<synchronous>, transform_indices = @transform_13, window_bounds = array<i64: 1, 64>}]} {
    %get3A = arith.constant 0 : index
    %get3A_0 = arith.constant 0 : index
    %get3A_1 = vector.load %arg3[%get3A, %get3A_0] : memref<1x64xf32, #tpu.memory_space<vmem>>, vector<1x64xf32>
    %get3A_2 = arith.constant 0 : index
    %get3A_3 = arith.constant 0 : index
    %get3A_4 = vector.load %arg10[%get3A_2, %get3A_3] : memref<1x512xf32, #tpu.memory_space<vmem>>, vector<1x512xf32>
    %get3A_5 = arith.constant 0 : index
    %get3A_6 = arith.constant 0 : index
    %get3A_7 = vector.load %arg5[%get3A_5, %get3A_6] : memref<64x512xf32, #tpu.memory_space<vmem>>, vector<64x512xf32>
    %dot_general3A = arith.constant dense<0.000000e+00> : vector<1x512xf32>
    %dot_general3A_8 = tpu.matmul %get3A_1, %get3A_7, %dot_general3A {dimension_numbers = #tpu.dot_dimension_numbers<[1], [0], [0], [1], [0, 0, 1, 1], [], []>, transpose_lhs_hint = false} : vector<1x64xf32>, vector<64x512xf32>, vector<1x512xf32> -> vector<1x512xf32>
    %add3A = arith.addf %get3A_4, %dot_general3A_8 : vector<1x512xf32>
    %get3A_9 = arith.constant 0 : index
    %get3A_10 = arith.constant 0 : index
    %get3A_11 = vector.load %arg4[%get3A_9, %get3A_10] : memref<64x512xf32, #tpu.memory_space<vmem>>, vector<64x512xf32>
    %convert_element_type3A = arith.truncf %get3A_11 : vector<64x512xf32> to vector<64x512xbf16>
    %get3A_12 = arith.constant 0 : index
    %get3A_13 = arith.constant 0 : index
    %get3A_14 = vector.load %arg6[%get3A_12, %get3A_13] : memref<128x512xf32, #tpu.memory_space<vmem>>, vector<128x512xf32>
    %convert_element_type3A_15 = arith.truncf %get3A_14 : vector<128x512xf32> to vector<128x512xbf16>
    %broadcast_in_dim3A = arith.constant 0.000000e+00 : f32
    %broadcast_in_dim3A_16 = vector.broadcast %broadcast_in_dim3A : f32 to vector<512x128xf32>
    %scan3A = arith.constant 0 : i32
    %scan3A_17 = arith.constant 32 : i32
    %scan3A_18 = arith.addi %scan3A, %scan3A_17 : i32
    %scan3A_19 = arith.constant 1 : i32
    %scan3A_20:2 = scf.for %scan3A_115 = %scan3A to %scan3A_18 step %scan3A_19 iter_args(%scan3A_116 = %broadcast_in_dim3A_16, %scan3A_117 = %broadcast_in_dim3A_16) -> (vector<512x128xf32>, vector<512x128xf32>)  : i32 {
      %get3A_118 = arith.index_cast %scan3A_115 : i32 to index
      %get3A_119 = arith.constant 0 : index
      %get3A_120 = arith.constant 0 : index
      %get3A_121 = vector.load %arg1[%get3A_118, %get3A_119, %get3A_120] : memref<32x512x64xf32, #tpu.memory_space<vmem>>, vector<1x512x64xf32>
      %get3A_122 = vector.shape_cast %get3A_121 : vector<1x512x64xf32> to vector<512x64xf32>
      %mul3A_123 = arith.constant 1.000000e+00 : f32
      %mul3A_124 = vector.broadcast %mul3A_123 : f32 to vector<512x64xf32>
      %mul3A_125 = arith.mulf %get3A_122, %mul3A_124 : vector<512x64xf32>
      %convert_element_type3A_126 = arith.truncf %mul3A_125 : vector<512x64xf32> to vector<512x64xbf16>
      %dot_general3A_127 = arith.constant dense<0.000000e+00> : vector<512x512xf32>
      %dot_general3A_128 = tpu.matmul %convert_element_type3A_126, %convert_element_type3A, %dot_general3A_127 {dimension_numbers = #tpu.dot_dimension_numbers<[1], [0], [0], [1], [0, 0, 1, 1], [], []>, transpose_lhs_hint = false} : vector<512x64xbf16>, vector<64x512xbf16>, vector<512x512xf32> -> vector<512x512xf32>
      %convert_element_type3A_129 = arith.truncf %scan3A_116 : vector<512x128xf32> to vector<512x128xbf16>
      %dot_general3A_130 = arith.constant dense<0.000000e+00> : vector<512x512xf32>
      %dot_general3A_131 = tpu.matmul %convert_element_type3A_129, %convert_element_type3A_15, %dot_general3A_130 {dimension_numbers = #tpu.dot_dimension_numbers<[1], [0], [0], [1], [0, 0, 1, 1], [], []>, transpose_lhs_hint = false} : vector<512x128xbf16>, vector<128x512xbf16>, vector<512x512xf32> -> vector<512x512xf32>
      %add3A_132 = arith.addf %dot_general3A_128, %dot_general3A_131 : vector<512x512xf32>
      %add3A_133 = vector.broadcast %add3A : vector<1x512xf32> to vector<512x512xf32>
      %add3A_134 = arith.addf %add3A_132, %add3A_133 : vector<512x512xf32>
      %slice3A = vector.extract_strided_slice %add3A_134 {offsets = [0, 0], sizes = [512, 128], strides = [1, 1]} : vector<512x512xf32> to vector<512x128xf32>
      %logistic3A = arith.negf %slice3A : vector<512x128xf32>
      %logistic3A_135 = math.exp %logistic3A : vector<512x128xf32>
      %logistic3A_136 = arith.constant 1.000000e+00 : f32
      %logistic3A_137 = vector.broadcast %logistic3A_136 : f32 to vector<512x128xf32>
      %logistic3A_138 = arith.addf %logistic3A_137, %logistic3A_135 : vector<512x128xf32>
      %logistic3A_139 = arith.divf %logistic3A_137, %logistic3A_138 : vector<512x128xf32>
      %slice3A_140 = vector.extract_strided_slice %add3A_134 {offsets = [0, 128], sizes = [512, 128], strides = [1, 1]} : vector<512x512xf32> to vector<512x128xf32>
      %logistic3A_141 = arith.negf %slice3A_140 : vector<512x128xf32>
      %logistic3A_142 = math.exp %logistic3A_141 : vector<512x128xf32>
      %logistic3A_143 = arith.constant 1.000000e+00 : f32
      %logistic3A_144 = vector.broadcast %logistic3A_143 : f32 to vector<512x128xf32>
      %logistic3A_145 = arith.addf %logistic3A_144, %logistic3A_142 : vector<512x128xf32>
      %logistic3A_146 = arith.divf %logistic3A_144, %logistic3A_145 : vector<512x128xf32>
      %slice3A_147 = vector.extract_strided_slice %add3A_134 {offsets = [0, 256], sizes = [512, 128], strides = [1, 1]} : vector<512x512xf32> to vector<512x128xf32>
      %tanh3A = math.tanh %slice3A_147 : vector<512x128xf32>
      %slice3A_148 = vector.extract_strided_slice %add3A_134 {offsets = [0, 384], sizes = [512, 128], strides = [1, 1]} : vector<512x512xf32> to vector<512x128xf32>
      %logistic3A_149 = arith.negf %slice3A_148 : vector<512x128xf32>
      %logistic3A_150 = math.exp %logistic3A_149 : vector<512x128xf32>
      %logistic3A_151 = arith.constant 1.000000e+00 : f32
      %logistic3A_152 = vector.broadcast %logistic3A_151 : f32 to vector<512x128xf32>
      %logistic3A_153 = arith.addf %logistic3A_152, %logistic3A_150 : vector<512x128xf32>
      %logistic3A_154 = arith.divf %logistic3A_152, %logistic3A_153 : vector<512x128xf32>
      %mul3A_155 = arith.mulf %logistic3A_146, %scan3A_117 : vector<512x128xf32>
      %mul3A_156 = arith.mulf %logistic3A_139, %tanh3A : vector<512x128xf32>
      %add3A_157 = arith.addf %mul3A_155, %mul3A_156 : vector<512x128xf32>
      %tanh3A_158 = math.tanh %add3A_157 : vector<512x128xf32>
      %mul3A_159 = arith.mulf %logistic3A_154, %tanh3A_158 : vector<512x128xf32>
      scf.yield %mul3A_159, %add3A_157 : vector<512x128xf32>, vector<512x128xf32>
    }
    %scan3A_21 = arith.constant 32 : i32
    %get3A_22 = arith.constant 0 : index
    %get3A_23 = arith.constant 0 : index
    %get3A_24 = vector.load %arg2[%get3A_22, %get3A_23] : memref<512x64xf32, #tpu.memory_space<vmem>>, vector<512x64xf32>
    %mul3A = arith.constant 1.000000e+00 : f32
    %mul3A_25 = vector.broadcast %mul3A : f32 to vector<512x64xf32>
    %mul3A_26 = arith.mulf %get3A_24, %mul3A_25 : vector<512x64xf32>
    %get3A_27 = arith.constant 0 : index
    %get3A_28 = arith.constant 0 : index
    %get3A_29 = vector.load %arg7[%get3A_27, %get3A_28] : memref<64x64xf32, #tpu.memory_space<vmem>>, vector<64x64xf32>
    %dot_general3A_30 = arith.constant dense<0.000000e+00> : vector<512x64xf32>
    %dot_general3A_31 = tpu.matmul %mul3A_26, %get3A_29, %dot_general3A_30 {dimension_numbers = #tpu.dot_dimension_numbers<[1], [0], [0], [1], [0, 0, 1, 1], [], []>, transpose_lhs_hint = false} : vector<512x64xf32>, vector<64x64xf32>, vector<512x64xf32> -> vector<512x64xf32>
    %get3A_32 = arith.constant 0 : index
    %get3A_33 = arith.constant 0 : index
    %get3A_34 = vector.load %arg8[%get3A_32, %get3A_33] : memref<64x64xf32, #tpu.memory_space<vmem>>, vector<64x64xf32>
    %dot_general3A_35 = arith.constant dense<0.000000e+00> : vector<1x64xf32>
    %dot_general3A_36 = tpu.matmul %get3A_1, %get3A_34, %dot_general3A_35 {dimension_numbers = #tpu.dot_dimension_numbers<[1], [0], [0], [1], [0, 0, 1, 1], [], []>, transpose_lhs_hint = false} : vector<1x64xf32>, vector<64x64xf32>, vector<1x64xf32> -> vector<1x64xf32>
    %add3A_37 = vector.broadcast %dot_general3A_36 : vector<1x64xf32> to vector<512x64xf32>
    %add3A_38 = arith.addf %dot_general3A_31, %add3A_37 : vector<512x64xf32>
    %get3A_39 = arith.constant 0 : index
    %get3A_40 = arith.constant 0 : index
    %get3A_41 = vector.load %arg9[%get3A_39, %get3A_40] : memref<128x64xf32, #tpu.memory_space<vmem>>, vector<128x64xf32>
    %dot_general3A_42 = arith.constant dense<0.000000e+00> : vector<512x64xf32>
    %dot_general3A_43 = tpu.matmul %scan3A_20#0, %get3A_41, %dot_general3A_42 {dimension_numbers = #tpu.dot_dimension_numbers<[1], [0], [0], [1], [0, 0, 1, 1], [], []>, transpose_lhs_hint = false} : vector<512x128xf32>, vector<128x64xf32>, vector<512x64xf32> -> vector<512x64xf32>
    %add3A_44 = arith.addf %add3A_38, %dot_general3A_43 : vector<512x64xf32>
    %get3A_45 = arith.constant 0 : index
    %get3A_46 = arith.constant 0 : index
    %get3A_47 = vector.load %arg11[%get3A_45, %get3A_46] : memref<1x64xf32, #tpu.memory_space<vmem>>, vector<1x64xf32>
    %add3A_48 = vector.broadcast %get3A_47 : vector<1x64xf32> to vector<512x64xf32>
    %add3A_49 = arith.addf %add3A_44, %add3A_48 : vector<512x64xf32>
    %gt3A = arith.constant 0.000000e+00 : f32
    %gt3A_50 = vector.broadcast %gt3A : f32 to vector<512x64xf32>
    %gt3A_51 = arith.cmpf ogt, %add3A_49, %gt3A_50 : vector<512x64xf32>
    %mul3A_52 = arith.constant 0.00999999977 : f32
    %mul3A_53 = vector.broadcast %mul3A_52 : f32 to vector<512x64xf32>
    %mul3A_54 = arith.mulf %mul3A_53, %add3A_49 : vector<512x64xf32>
    %select_n3A = arith.select %gt3A_51, %add3A_49, %mul3A_54 : vector<512x64xi1>, vector<512x64xf32>
    %swap3A = arith.constant 0 : index
    %swap3A_55 = arith.constant 0 : index
    %swap3A_56 = vector.load %arg13[%swap3A, %swap3A_55] : memref<512x64xf32, #tpu.memory_space<vmem>>, vector<512x64xf32>
    tpu.vector_store %arg13[%swap3A, %swap3A_55], %select_n3A {strides = array<i32>} : memref<512x64xf32, #tpu.memory_space<vmem>>, vector<512x64xf32>,
    %get3A_57 = arith.constant 0 : index
    %get3A_58 = arith.constant 0 : index
    %get3A_59 = vector.load %arg12[%get3A_57, %get3A_58] : memref<64x1xf32, #tpu.memory_space<vmem>>, vector<64x1xf32>
    %dot_general3A_60 = arith.constant dense<0.000000e+00> : vector<512x1xf32>
    %dot_general3A_61 = tpu.matmul %select_n3A, %get3A_59, %dot_general3A_60 {dimension_numbers = #tpu.dot_dimension_numbers<[1], [0], [0], [1], [0, 0, 1, 1], [], []>, transpose_lhs_hint = false} : vector<512x64xf32>, vector<64x1xf32>, vector<512x1xf32> -> vector<512x1xf32>
    %iota3A = tpu.iota {dimensions = array<i32: 0>} : vector<512x1xi32>
    %mul3A_62 = arith.constant 512 : i32
    %mul3A_63 = arith.muli %arg0, %mul3A_62 : i32
    %add3A_64 = vector.broadcast %mul3A_63 : i32 to vector<512x1xi32>
    %add3A_65 = arith.addi %iota3A, %add3A_64 : vector<512x1xi32>
    %lt3A = arith.constant 10000 : i32
    %lt3A_66 = vector.broadcast %lt3A : i32 to vector<512x1xi32>
    %lt3A_67 = arith.cmpi slt, %add3A_65, %lt3A_66 : vector<512x1xi32>
    %jit3A = arith.constant -1.000000e+30 : f32
    %broadcast_in_dim3A_68 = vector.broadcast %jit3A : f32 to vector<512x1xf32>
    %select_n3A_69 = arith.select %lt3A_67, %dot_general3A_61, %broadcast_in_dim3A_68 : vector<512x1xi1>, vector<512x1xf32>
    %eq3A = arith.constant 0 : i32
    %eq3A_70 = arith.cmpi eq, %arg0, %eq3A : i32
    %convert_element_type3A_71 = arith.extui %eq3A_70 : i1 to i32
    %cond3A = arith.constant 0 : i32
    %cond3A_72 = arith.cmpi ne, %convert_element_type3A_71, %cond3A : i32
    scf.if %cond3A_72 {
      %swap3A_115 = arith.constant -1.000000e+30 : f32
      %swap3A_116 = arith.constant 0 : index
      %swap3A_117 = memref.load %arg15[%swap3A_116] : memref<2xf32, #tpu.memory_space<smem>>
      memref.store %swap3A_115, %arg15[%swap3A_116] : memref<2xf32, #tpu.memory_space<smem>>
      %swap3A_118 = arith.constant 0.000000e+00 : f32
      %swap3A_119 = arith.constant 1 : index
      %swap3A_120 = memref.load %arg15[%swap3A_119] : memref<2xf32, #tpu.memory_space<smem>>
      memref.store %swap3A_118, %arg15[%swap3A_119] : memref<2xf32, #tpu.memory_space<smem>>
      %broadcast_in_dim3A_121 = arith.constant 0.000000e+00 : f32
      %broadcast_in_dim3A_122 = vector.broadcast %broadcast_in_dim3A_121 : f32 to vector<1x64xf32>
      %swap3A_123 = arith.constant 0 : index
      %swap3A_124 = arith.constant 0 : index
      %swap3A_125 = vector.load %arg16[%swap3A_123, %swap3A_124] : memref<1x64xf32, #tpu.memory_space<vmem>>, vector<1x64xf32>
      tpu.vector_store %arg16[%swap3A_123, %swap3A_124], %broadcast_in_dim3A_122 {strides = array<i32>} : memref<1x64xf32, #tpu.memory_space<vmem>>, vector<1x64xf32>,
    } else {
    }
    %get3A_73 = arith.constant 0 : index
    %get3A_74 = memref.load %arg15[%get3A_73] : memref<2xf32, #tpu.memory_space<smem>>
    %reduce_max3A = vector.shape_cast %select_n3A_69 : vector<512x1xf32> to vector<1x512x1xf32>
    %reduce_max3A_75 = arith.constant dense<0xFF800000> : vector<1xf32>
    %reduce_max3A_76 = vector.multi_reduction <maximumf>, %reduce_max3A, %reduce_max3A_75 [1, 2] : vector<1x512x1xf32> to vector<1xf32>
    %reduce_max3A_77 = vector.shape_cast %reduce_max3A_76 : vector<1xf32> to vector<1x1x1xf32>
    %reduce_max3A_78 = vector.extract %reduce_max3A_77[0, 0, 0] : f32 from vector<1x1x1xf32>
    %max3A = arith.maximumf %get3A_74, %reduce_max3A_78 : f32
    %sub3A = arith.subf %get3A_74, %max3A : f32
    %exp3A = math.exp %sub3A : f32
    %lt3A_79 = arith.constant 10000 : i32
    %lt3A_80 = vector.broadcast %lt3A_79 : i32 to vector<512x1xi32>
    %lt3A_81 = arith.cmpi slt, %add3A_65, %lt3A_80 : vector<512x1xi32>
    %sub3A_82 = vector.broadcast %max3A : f32 to vector<512x1xf32>
    %sub3A_83 = arith.subf %select_n3A_69, %sub3A_82 : vector<512x1xf32>
    %exp3A_84 = math.exp %sub3A_83 : vector<512x1xf32>
    %jit3A_85 = arith.constant 0.000000e+00 : f32
    %broadcast_in_dim3A_86 = vector.broadcast %jit3A_85 : f32 to vector<512x1xf32>
    %select_n3A_87 = arith.select %lt3A_81, %exp3A_84, %broadcast_in_dim3A_86 : vector<512x1xi1>, vector<512x1xf32>
    %get3A_88 = arith.constant 1 : index
    %get3A_89 = memref.load %arg15[%get3A_88] : memref<2xf32, #tpu.memory_space<smem>>
    %mul3A_90 = arith.mulf %get3A_89, %exp3A : f32
    %reduce_sum3A = vector.shape_cast %select_n3A_87 : vector<512x1xf32> to vector<1x512x1xf32>
    %reduce_sum3A_91 = arith.constant dense<0.000000e+00> : vector<1xf32>
    %reduce_sum3A_92 = vector.multi_reduction <add>, %reduce_sum3A, %reduce_sum3A_91 [1, 2] : vector<1x512x1xf32> to vector<1xf32>
    %reduce_sum3A_93 = vector.shape_cast %reduce_sum3A_92 : vector<1xf32> to vector<1x1x1xf32>
    %reduce_sum3A_94 = vector.extract %reduce_sum3A_93[0, 0, 0] : f32 from vector<1x1x1xf32>
    %add3A_95 = arith.addf %mul3A_90, %reduce_sum3A_94 : f32
    %get3A_96 = arith.constant 0 : index
    %get3A_97 = arith.constant 0 : index
    %get3A_98 = vector.load %arg16[%get3A_96, %get3A_97] : memref<1x64xf32, #tpu.memory_space<vmem>>, vector<1x64xf32>
    %mul3A_99 = vector.broadcast %exp3A : f32 to vector<1x64xf32>
    %mul3A_100 = arith.mulf %get3A_98, %mul3A_99 : vector<1x64xf32>
    %dot_general3A_101 = arith.constant dense<0.000000e+00> : vector<1x64xf32>
    %dot_general3A_102 = tpu.matmul %select_n3A_87, %select_n3A, %dot_general3A_101 {dimension_numbers = #tpu.dot_dimension_numbers<[0], [0], [1], [1], [0, 1, 1, 1], [], []>, transpose_lhs_hint = false} : vector<512x1xf32>, vector<512x64xf32>, vector<1x64xf32> -> vector<1x64xf32>
    %add3A_103 = arith.addf %mul3A_100, %dot_general3A_102 : vector<1x64xf32>
    %swap3A_104 = arith.constant 0 : index
    %swap3A_105 = memref.load %arg15[%swap3A_104] : memref<2xf32, #tpu.memory_space<smem>>
    memref.store %max3A, %arg15[%swap3A_104] : memref<2xf32, #tpu.memory_space<smem>>
    %swap3A_106 = arith.constant 1 : index
    %swap3A_107 = memref.load %arg15[%swap3A_106] : memref<2xf32, #tpu.memory_space<smem>>
    memref.store %add3A_95, %arg15[%swap3A_106] : memref<2xf32, #tpu.memory_space<smem>>
    %swap3A_108 = arith.constant 0 : index
    %swap3A_109 = arith.constant 0 : index
    %swap3A_110 = vector.load %arg16[%swap3A_108, %swap3A_109] : memref<1x64xf32, #tpu.memory_space<vmem>>, vector<1x64xf32>
    tpu.vector_store %arg16[%swap3A_108, %swap3A_109], %add3A_103 {strides = array<i32>} : memref<1x64xf32, #tpu.memory_space<vmem>>, vector<1x64xf32>,
    %div3A = vector.broadcast %add3A_95 : f32 to vector<1x64xf32>
    %div3A_111 = arith.divf %add3A_103, %div3A : vector<1x64xf32>
    %swap3A_112 = arith.constant 0 : index
    %swap3A_113 = arith.constant 0 : index
    %swap3A_114 = vector.load %arg14[%swap3A_112, %swap3A_113] : memref<1x64xf32, #tpu.memory_space<vmem>>, vector<1x64xf32>
    tpu.vector_store %arg14[%swap3A_112, %swap3A_113], %div3A_111 {strides = array<i32>} : memref<1x64xf32, #tpu.memory_space<vmem>>, vector<1x64xf32>,
    return
  }
  func.func @transform_0(%arg0: i32) -> (i32, i32, i32) {
    %c0_i32 = arith.constant 0 : i32
    %c0_i32_0 = arith.constant 0 : i32
    %c0_i32_1 = arith.constant 0 : i32
    return %c0_i32, %arg0, %c0_i32_0 : i32, i32, i32
  }
  func.func @transform_1(%arg0: i32) -> (i32, i32) {
    %c0_i32 = arith.constant 0 : i32
    %c0_i32_0 = arith.constant 0 : i32
    return %arg0, %c0_i32 : i32, i32
  }
  func.func @transform_2(%arg0: i32) -> (i32, i32) {
    %c0_i32 = arith.constant 0 : i32
    %c0_i32_0 = arith.constant 0 : i32
    %c0_i32_1 = arith.constant 0 : i32
    return %c0_i32, %c0_i32_0 : i32, i32
  }
  func.func @transform_3(%arg0: i32) -> (i32, i32) {
    %c0_i32 = arith.constant 0 : i32
    %c0_i32_0 = arith.constant 0 : i32
    %c0_i32_1 = arith.constant 0 : i32
    return %c0_i32, %c0_i32_0 : i32, i32
  }
  func.func @transform_4(%arg0: i32) -> (i32, i32) {
    %c0_i32 = arith.constant 0 : i32
    %c0_i32_0 = arith.constant 0 : i32
    %c0_i32_1 = arith.constant 0 : i32
    return %c0_i32, %c0_i32_0 : i32, i32
  }
  func.func @transform_5(%arg0: i32) -> (i32, i32) {
    %c0_i32 = arith.constant 0 : i32
    %c0_i32_0 = arith.constant 0 : i32
    %c0_i32_1 = arith.constant 0 : i32
    return %c0_i32, %c0_i32_0 : i32, i32
  }
  func.func @transform_6(%arg0: i32) -> (i32, i32) {
    %c0_i32 = arith.constant 0 : i32
    %c0_i32_0 = arith.constant 0 : i32
    %c0_i32_1 = arith.constant 0 : i32
    return %c0_i32, %c0_i32_0 : i32, i32
  }
  func.func @transform_7(%arg0: i32) -> (i32, i32) {
    %c0_i32 = arith.constant 0 : i32
    %c0_i32_0 = arith.constant 0 : i32
    %c0_i32_1 = arith.constant 0 : i32
    return %c0_i32, %c0_i32_0 : i32, i32
  }
  func.func @transform_8(%arg0: i32) -> (i32, i32) {
    %c0_i32 = arith.constant 0 : i32
    %c0_i32_0 = arith.constant 0 : i32
    %c0_i32_1 = arith.constant 0 : i32
    return %c0_i32, %c0_i32_0 : i32, i32
  }
  func.func @transform_9(%arg0: i32) -> (i32, i32) {
    %c0_i32 = arith.constant 0 : i32
    %c0_i32_0 = arith.constant 0 : i32
    %c0_i32_1 = arith.constant 0 : i32
    return %c0_i32, %c0_i32_0 : i32, i32
  }
  func.func @transform_10(%arg0: i32) -> (i32, i32) {
    %c0_i32 = arith.constant 0 : i32
    %c0_i32_0 = arith.constant 0 : i32
    %c0_i32_1 = arith.constant 0 : i32
    return %c0_i32, %c0_i32_0 : i32, i32
  }
  func.func @transform_11(%arg0: i32) -> (i32, i32) {
    %c0_i32 = arith.constant 0 : i32
    %c0_i32_0 = arith.constant 0 : i32
    %c0_i32_1 = arith.constant 0 : i32
    return %c0_i32, %c0_i32_0 : i32, i32
  }
  func.func @transform_12(%arg0: i32) -> (i32, i32) {
    %c0_i32 = arith.constant 0 : i32
    %c0_i32_0 = arith.constant 0 : i32
    return %arg0, %c0_i32 : i32, i32
  }
  func.func @transform_13(%arg0: i32) -> (i32, i32) {
    %c0_i32 = arith.constant 0 : i32
    %c0_i32_0 = arith.constant 0 : i32
    %c0_i32_1 = arith.constant 0 : i32
    return %c0_i32, %c0_i32_0 : i32, i32
  }
}

module attributes {stable_mosaic.version = 14 : i64} {
  func.func @body(%arg0: i32, %arg1: memref<512x64xf32, #tpu.memory_space<vmem>>, %arg2: memref<1x64xf32, #tpu.memory_space<vmem>>, %arg3: memref<32x512xf32, #tpu.memory_space<vmem>>, %arg4: memref<64x16xf32, #tpu.memory_space<vmem>>, %arg5: memref<64x16xf32, #tpu.memory_space<vmem>>, %arg6: memref<512x16xf32, #tpu.memory_space<vmem>>) attributes {dimension_semantics = [#tpu.dimension_semantics<arbitrary>], iteration_bounds = array<i64: 20>, scalar_prefetch = 0 : i64, scratch_operands = 0 : i64, tpu.core_type = #tpu.core_type<tc>, window_params = [{transform_indices = @transform_0, window_bounds = array<i64: 512, 64>}, {pipeline_mode = #tpu.pipeline_mode<synchronous>, transform_indices = @transform_1, window_bounds = array<i64: 1, 64>}, {transform_indices = @transform_2, window_bounds = array<i64: 32, 512>}, {pipeline_mode = #tpu.pipeline_mode<synchronous>, transform_indices = @transform_3, window_bounds = array<i64: 64, 16>}, {pipeline_mode = #tpu.pipeline_mode<synchronous>, transform_indices = @transform_4, window_bounds = array<i64: 64, 16>}, {transform_indices = @transform_5, window_bounds = array<i64: 512, 16>}]} {
    %broadcast_in_dim3A = arith.constant 1.000000e+00 : f32
    %broadcast_in_dim3A_0 = vector.broadcast %broadcast_in_dim3A : f32 to vector<32x1xf32>
    %get3A = arith.constant 0 : index
    %get3A_1 = arith.constant 0 : index
    %get3A_2 = vector.load %arg3[%get3A, %get3A_1] : memref<32x512xf32, #tpu.memory_space<vmem>>, vector<32x512xf32>
    %dot_general3A = arith.constant dense<0.000000e+00> : vector<512x1xf32>
    %dot_general3A_3 = tpu.matmul %get3A_2, %broadcast_in_dim3A_0, %dot_general3A {dimension_numbers = #tpu.dot_dimension_numbers<[0], [0], [1], [1], [0, 1, 1, 1], [], []>, transpose_lhs_hint = false} : vector<32x512xf32>, vector<32x1xf32>, vector<512x1xf32> -> vector<512x1xf32>
    %get3A_4 = arith.constant 0 : index
    %get3A_5 = arith.constant 0 : index
    %get3A_6 = vector.load %arg1[%get3A_4, %get3A_5] : memref<512x64xf32, #tpu.memory_space<vmem>>, vector<512x64xf32>
    %get3A_7 = arith.constant 0 : index
    %get3A_8 = arith.constant 0 : index
    %get3A_9 = vector.load %arg4[%get3A_7, %get3A_8] : memref<64x16xf32, #tpu.memory_space<vmem>>, vector<64x16xf32>
    %dot_general3A_10 = arith.constant dense<0.000000e+00> : vector<512x16xf32>
    %dot_general3A_11 = tpu.matmul %get3A_6, %get3A_9, %dot_general3A_10 {dimension_numbers = #tpu.dot_dimension_numbers<[1], [0], [0], [1], [0, 0, 1, 1], [], []>, transpose_lhs_hint = false} : vector<512x64xf32>, vector<64x16xf32>, vector<512x16xf32> -> vector<512x16xf32>
    %get3A_12 = arith.constant 0 : index
    %get3A_13 = arith.constant 0 : index
    %get3A_14 = vector.load %arg2[%get3A_12, %get3A_13] : memref<1x64xf32, #tpu.memory_space<vmem>>, vector<1x64xf32>
    %get3A_15 = arith.constant 0 : index
    %get3A_16 = arith.constant 0 : index
    %get3A_17 = vector.load %arg5[%get3A_15, %get3A_16] : memref<64x16xf32, #tpu.memory_space<vmem>>, vector<64x16xf32>
    %dot_general3A_18 = arith.constant dense<0.000000e+00> : vector<1x16xf32>
    %dot_general3A_19 = tpu.matmul %get3A_14, %get3A_17, %dot_general3A_18 {dimension_numbers = #tpu.dot_dimension_numbers<[1], [0], [0], [1], [0, 0, 1, 1], [], []>, transpose_lhs_hint = false} : vector<1x64xf32>, vector<64x16xf32>, vector<1x16xf32> -> vector<1x16xf32>
    %add3A = vector.broadcast %dot_general3A_19 : vector<1x16xf32> to vector<512x16xf32>
    %add3A_20 = arith.addf %dot_general3A_11, %add3A : vector<512x16xf32>
    %max3A = arith.constant 1.000000e+00 : f32
    %max3A_21 = vector.broadcast %max3A : f32 to vector<512x1xf32>
    %max3A_22 = arith.maximumf %dot_general3A_3, %max3A_21 : vector<512x1xf32>
    %rsqrt3A = math.rsqrt %max3A_22 : vector<512x1xf32>
    %mul3A = vector.broadcast %rsqrt3A : vector<512x1xf32> to vector<512x16xf32>
    %mul3A_23 = arith.mulf %add3A_20, %mul3A : vector<512x16xf32>
    %swap3A = arith.constant 0 : index
    %swap3A_24 = arith.constant 0 : index
    %swap3A_25 = vector.load %arg6[%swap3A, %swap3A_24] : memref<512x16xf32, #tpu.memory_space<vmem>>, vector<512x16xf32>
    tpu.vector_store %arg6[%swap3A, %swap3A_24], %mul3A_23 {strides = array<i32>} : memref<512x16xf32, #tpu.memory_space<vmem>>, vector<512x16xf32>,
    return
  }
  func.func @transform_0(%arg0: i32) -> (i32, i32) {
    %c0_i32 = arith.constant 0 : i32
    %c0_i32_0 = arith.constant 0 : i32
    return %arg0, %c0_i32 : i32, i32
  }
  func.func @transform_1(%arg0: i32) -> (i32, i32) {
    %c0_i32 = arith.constant 0 : i32
    %c0_i32_0 = arith.constant 0 : i32
    %c0_i32_1 = arith.constant 0 : i32
    return %c0_i32, %c0_i32_0 : i32, i32
  }
  func.func @transform_2(%arg0: i32) -> (i32, i32) {
    %c0_i32 = arith.constant 0 : i32
    %c0_i32_0 = arith.constant 0 : i32
    return %c0_i32, %arg0 : i32, i32
  }
  func.func @transform_3(%arg0: i32) -> (i32, i32) {
    %c0_i32 = arith.constant 0 : i32
    %c0_i32_0 = arith.constant 0 : i32
    %c0_i32_1 = arith.constant 0 : i32
    return %c0_i32, %c0_i32_0 : i32, i32
  }
  func.func @transform_4(%arg0: i32) -> (i32, i32) {
    %c0_i32 = arith.constant 0 : i32
    %c0_i32_0 = arith.constant 0 : i32
    %c0_i32_1 = arith.constant 0 : i32
    return %c0_i32, %c0_i32_0 : i32, i32
  }
  func.func @transform_5(%arg0: i32) -> (i32, i32) {
    %c0_i32 = arith.constant 0 : i32
    %c0_i32_0 = arith.constant 0 : i32
    return %arg0, %c0_i32 : i32, i32
  }
}

module attributes {stable_mosaic.version = 14 : i64} {
  func.func @body(%arg0: i32, %arg1: memref<32x512x16xf32, #tpu.memory_space<vmem>>, %arg2: memref<1x16xf32, #tpu.memory_space<vmem>>, %arg3: memref<16x1xf32, #tpu.memory_space<vmem>>, %arg4: memref<16x1xf32, #tpu.memory_space<vmem>>, %arg5: memref<1x1xf32, #tpu.memory_space<vmem>>, %arg6: memref<512x16xf32, #tpu.memory_space<vmem>>, %arg7: memref<1x1xf32, #tpu.memory_space<vmem>>, %arg8: memref<2xf32, #tpu.memory_space<smem>>, %arg9: memref<1x16xf32, #tpu.memory_space<vmem>>) attributes {dimension_semantics = [#tpu.dimension_semantics<arbitrary>], iteration_bounds = array<i64: 20>, scalar_prefetch = 0 : i64, scratch_operands = 2 : i64, tpu.core_type = #tpu.core_type<tc>, window_params = [{transform_indices = @transform_0, window_bounds = array<i64: 32, 512, 16>}, {pipeline_mode = #tpu.pipeline_mode<synchronous>, transform_indices = @transform_1, window_bounds = array<i64: 1, 16>}, {pipeline_mode = #tpu.pipeline_mode<synchronous>, transform_indices = @transform_2, window_bounds = array<i64: 16, 1>}, {pipeline_mode = #tpu.pipeline_mode<synchronous>, transform_indices = @transform_3, window_bounds = array<i64: 16, 1>}, {pipeline_mode = #tpu.pipeline_mode<synchronous>, transform_indices = @transform_4, window_bounds = array<i64: 1, 1>}, {transform_indices = @transform_5, window_bounds = array<i64: 512, 16>}, {pipeline_mode = #tpu.pipeline_mode<synchronous>, transform_indices = @transform_6, window_bounds = array<i64: 1, 1>}]} {
    %get3A = arith.constant 0 : index
    %get3A_0 = arith.constant 0 : index
    %get3A_1 = arith.constant 0 : index
    %get3A_2 = vector.load %arg1[%get3A, %get3A_0, %get3A_1] : memref<32x512x16xf32, #tpu.memory_space<vmem>>, vector<32x512x16xf32>
    %reduce_sum3A = arith.constant dense<0.000000e+00> : vector<512x16xf32>
    %reduce_sum3A_3 = vector.multi_reduction <add>, %get3A_2, %reduce_sum3A [0] : vector<32x512x16xf32> to vector<512x16xf32>
    %mul3A = arith.constant 0.176776692 : f32
    %mul3A_4 = vector.broadcast %mul3A : f32 to vector<512x16xf32>
    %mul3A_5 = arith.mulf %reduce_sum3A_3, %mul3A_4 : vector<512x16xf32>
    %get3A_6 = arith.constant 0 : index
    %get3A_7 = arith.constant 0 : index
    %get3A_8 = vector.load %arg2[%get3A_6, %get3A_7] : memref<1x16xf32, #tpu.memory_space<vmem>>, vector<1x16xf32>
    %add3A = vector.broadcast %get3A_8 : vector<1x16xf32> to vector<512x16xf32>
    %add3A_9 = arith.addf %mul3A_5, %add3A : vector<512x16xf32>
    %iota3A = tpu.iota {dimensions = array<i32: 1>} : vector<512x16xi32>
    %lt3A = arith.constant 3 : i32
    %lt3A_10 = vector.broadcast %lt3A : i32 to vector<512x16xi32>
    %lt3A_11 = arith.cmpi slt, %iota3A, %lt3A_10 : vector<512x16xi32>
    %jit3A = arith.constant -1.000000e+30 : f32
    %broadcast_in_dim3A = vector.broadcast %jit3A : f32 to vector<512x16xf32>
    %select_n3A = arith.select %lt3A_11, %add3A_9, %broadcast_in_dim3A : vector<512x16xi1>, vector<512x16xf32>
    %reduce_max3A = arith.constant dense<0xFF800000> : vector<512xf32>
    %reduce_max3A_12 = vector.multi_reduction <maximumf>, %select_n3A, %reduce_max3A [1] : vector<512x16xf32> to vector<512xf32>
    %broadcast_in_dim3A_13 = vector.shape_cast %reduce_max3A_12 : vector<512xf32> to vector<512x1xf32>
    %sub3A = vector.broadcast %broadcast_in_dim3A_13 : vector<512x1xf32> to vector<512x16xf32>
    %sub3A_14 = arith.subf %select_n3A, %sub3A : vector<512x16xf32>
    %exp3A = math.exp %sub3A_14 : vector<512x16xf32>
    %jit3A_15 = arith.constant 0.000000e+00 : f32
    %broadcast_in_dim3A_16 = vector.broadcast %jit3A_15 : f32 to vector<512x16xf32>
    %select_n3A_17 = arith.select %lt3A_11, %exp3A, %broadcast_in_dim3A_16 : vector<512x16xi1>, vector<512x16xf32>
    %reduce_sum3A_18 = arith.constant dense<0.000000e+00> : vector<512xf32>
    %reduce_sum3A_19 = vector.multi_reduction <add>, %select_n3A_17, %reduce_sum3A_18 [1] : vector<512x16xf32> to vector<512xf32>
    %broadcast_in_dim3A_20 = vector.shape_cast %reduce_sum3A_19 : vector<512xf32> to vector<512x1xf32>
    %div3A = vector.broadcast %broadcast_in_dim3A_20 : vector<512x1xf32> to vector<512x16xf32>
    %div3A_21 = arith.divf %select_n3A_17, %div3A : vector<512x16xf32>
    %swap3A = arith.constant 0 : index
    %swap3A_22 = arith.constant 0 : index
    %swap3A_23 = vector.load %arg6[%swap3A, %swap3A_22] : memref<512x16xf32, #tpu.memory_space<vmem>>, vector<512x16xf32>
    tpu.vector_store %arg6[%swap3A, %swap3A_22], %div3A_21 {strides = array<i32>} : memref<512x16xf32, #tpu.memory_space<vmem>>, vector<512x16xf32>,
    %get3A_24 = arith.constant 0 : index
    %get3A_25 = arith.constant 0 : index
    %get3A_26 = vector.load %arg3[%get3A_24, %get3A_25] : memref<16x1xf32, #tpu.memory_space<vmem>>, vector<16x1xf32>
    %dot_general3A = arith.constant dense<0.000000e+00> : vector<512x1xf32>
    %dot_general3A_27 = tpu.matmul %div3A_21, %get3A_26, %dot_general3A {dimension_numbers = #tpu.dot_dimension_numbers<[1], [0], [0], [1], [0, 0, 1, 1], [], []>, transpose_lhs_hint = false} : vector<512x16xf32>, vector<16x1xf32>, vector<512x1xf32> -> vector<512x1xf32>
    %iota3A_28 = tpu.iota {dimensions = array<i32: 0>} : vector<512x1xi32>
    %mul3A_29 = arith.constant 512 : i32
    %mul3A_30 = arith.muli %arg0, %mul3A_29 : i32
    %add3A_31 = vector.broadcast %mul3A_30 : i32 to vector<512x1xi32>
    %add3A_32 = arith.addi %iota3A_28, %add3A_31 : vector<512x1xi32>
    %lt3A_33 = arith.constant 10000 : i32
    %lt3A_34 = vector.broadcast %lt3A_33 : i32 to vector<512x1xi32>
    %lt3A_35 = arith.cmpi slt, %add3A_32, %lt3A_34 : vector<512x1xi32>
    %jit3A_36 = arith.constant -1.000000e+30 : f32
    %broadcast_in_dim3A_37 = vector.broadcast %jit3A_36 : f32 to vector<512x1xf32>
    %select_n3A_38 = arith.select %lt3A_35, %dot_general3A_27, %broadcast_in_dim3A_37 : vector<512x1xi1>, vector<512x1xf32>
    %eq3A = arith.constant 0 : i32
    %eq3A_39 = arith.cmpi eq, %arg0, %eq3A : i32
    %convert_element_type3A = arith.extui %eq3A_39 : i1 to i32
    %cond3A = arith.constant 0 : i32
    %cond3A_40 = arith.cmpi ne, %convert_element_type3A, %cond3A : i32
    scf.if %cond3A_40 {
      %swap3A_102 = arith.constant -1.000000e+30 : f32
      %swap3A_103 = arith.constant 0 : index
      %swap3A_104 = memref.load %arg8[%swap3A_103] : memref<2xf32, #tpu.memory_space<smem>>
      memref.store %swap3A_102, %arg8[%swap3A_103] : memref<2xf32, #tpu.memory_space<smem>>
      %swap3A_105 = arith.constant 0.000000e+00 : f32
      %swap3A_106 = arith.constant 1 : index
      %swap3A_107 = memref.load %arg8[%swap3A_106] : memref<2xf32, #tpu.memory_space<smem>>
      memref.store %swap3A_105, %arg8[%swap3A_106] : memref<2xf32, #tpu.memory_space<smem>>
      %broadcast_in_dim3A_108 = arith.constant 0.000000e+00 : f32
      %broadcast_in_dim3A_109 = vector.broadcast %broadcast_in_dim3A_108 : f32 to vector<1x16xf32>
      %swap3A_110 = arith.constant 0 : index
      %swap3A_111 = arith.constant 0 : index
      %swap3A_112 = vector.load %arg9[%swap3A_110, %swap3A_111] : memref<1x16xf32, #tpu.memory_space<vmem>>, vector<1x16xf32>
      tpu.vector_store %arg9[%swap3A_110, %swap3A_111], %broadcast_in_dim3A_109 {strides = array<i32>} : memref<1x16xf32, #tpu.memory_space<vmem>>, vector<1x16xf32>,
    } else {
    }
    %get3A_41 = arith.constant 0 : index
    %get3A_42 = memref.load %arg8[%get3A_41] : memref<2xf32, #tpu.memory_space<smem>>
    %reduce_max3A_43 = vector.shape_cast %select_n3A_38 : vector<512x1xf32> to vector<1x512x1xf32>
    %reduce_max3A_44 = arith.constant dense<0xFF800000> : vector<1xf32>
    %reduce_max3A_45 = vector.multi_reduction <maximumf>, %reduce_max3A_43, %reduce_max3A_44 [1, 2] : vector<1x512x1xf32> to vector<1xf32>
    %reduce_max3A_46 = vector.shape_cast %reduce_max3A_45 : vector<1xf32> to vector<1x1x1xf32>
    %reduce_max3A_47 = vector.extract %reduce_max3A_46[0, 0, 0] : f32 from vector<1x1x1xf32>
    %max3A = arith.maximumf %get3A_42, %reduce_max3A_47 : f32
    %sub3A_48 = arith.subf %get3A_42, %max3A : f32
    %exp3A_49 = math.exp %sub3A_48 : f32
    %lt3A_50 = arith.constant 10000 : i32
    %lt3A_51 = vector.broadcast %lt3A_50 : i32 to vector<512x1xi32>
    %lt3A_52 = arith.cmpi slt, %add3A_32, %lt3A_51 : vector<512x1xi32>
    %sub3A_53 = vector.broadcast %max3A : f32 to vector<512x1xf32>
    %sub3A_54 = arith.subf %select_n3A_38, %sub3A_53 : vector<512x1xf32>
    %exp3A_55 = math.exp %sub3A_54 : vector<512x1xf32>
    %jit3A_56 = arith.constant 0.000000e+00 : f32
    %broadcast_in_dim3A_57 = vector.broadcast %jit3A_56 : f32 to vector<512x1xf32>
    %select_n3A_58 = arith.select %lt3A_52, %exp3A_55, %broadcast_in_dim3A_57 : vector<512x1xi1>, vector<512x1xf32>
    %get3A_59 = arith.constant 1 : index
    %get3A_60 = memref.load %arg8[%get3A_59] : memref<2xf32, #tpu.memory_space<smem>>
    %mul3A_61 = arith.mulf %get3A_60, %exp3A_49 : f32
    %reduce_sum3A_62 = vector.shape_cast %select_n3A_58 : vector<512x1xf32> to vector<1x512x1xf32>
    %reduce_sum3A_63 = arith.constant dense<0.000000e+00> : vector<1xf32>
    %reduce_sum3A_64 = vector.multi_reduction <add>, %reduce_sum3A_62, %reduce_sum3A_63 [1, 2] : vector<1x512x1xf32> to vector<1xf32>
    %reduce_sum3A_65 = vector.shape_cast %reduce_sum3A_64 : vector<1xf32> to vector<1x1x1xf32>
    %reduce_sum3A_66 = vector.extract %reduce_sum3A_65[0, 0, 0] : f32 from vector<1x1x1xf32>
    %add3A_67 = arith.addf %mul3A_61, %reduce_sum3A_66 : f32
    %get3A_68 = arith.constant 0 : index
    %get3A_69 = arith.constant 0 : index
    %get3A_70 = vector.load %arg9[%get3A_68, %get3A_69] : memref<1x16xf32, #tpu.memory_space<vmem>>, vector<1x16xf32>
    %mul3A_71 = vector.broadcast %exp3A_49 : f32 to vector<1x16xf32>
    %mul3A_72 = arith.mulf %get3A_70, %mul3A_71 : vector<1x16xf32>
    %dot_general3A_73 = arith.constant dense<0.000000e+00> : vector<1x16xf32>
    %dot_general3A_74 = tpu.matmul %select_n3A_58, %div3A_21, %dot_general3A_73 {dimension_numbers = #tpu.dot_dimension_numbers<[0], [0], [1], [1], [0, 1, 1, 1], [], []>, transpose_lhs_hint = false} : vector<512x1xf32>, vector<512x16xf32>, vector<1x16xf32> -> vector<1x16xf32>
    %add3A_75 = arith.addf %mul3A_72, %dot_general3A_74 : vector<1x16xf32>
    %swap3A_76 = arith.constant 0 : index
    %swap3A_77 = memref.load %arg8[%swap3A_76] : memref<2xf32, #tpu.memory_space<smem>>
    memref.store %max3A, %arg8[%swap3A_76] : memref<2xf32, #tpu.memory_space<smem>>
    %swap3A_78 = arith.constant 1 : index
    %swap3A_79 = memref.load %arg8[%swap3A_78] : memref<2xf32, #tpu.memory_space<smem>>
    memref.store %add3A_67, %arg8[%swap3A_78] : memref<2xf32, #tpu.memory_space<smem>>
    %swap3A_80 = arith.constant 0 : index
    %swap3A_81 = arith.constant 0 : index
    %swap3A_82 = vector.load %arg9[%swap3A_80, %swap3A_81] : memref<1x16xf32, #tpu.memory_space<vmem>>, vector<1x16xf32>
    tpu.vector_store %arg9[%swap3A_80, %swap3A_81], %add3A_75 {strides = array<i32>} : memref<1x16xf32, #tpu.memory_space<vmem>>, vector<1x16xf32>,
    %div3A_83 = vector.broadcast %add3A_67 : f32 to vector<1x16xf32>
    %div3A_84 = arith.divf %add3A_75, %div3A_83 : vector<1x16xf32>
    %get3A_85 = arith.constant 0 : index
    %get3A_86 = arith.constant 0 : index
    %get3A_87 = vector.load %arg4[%get3A_85, %get3A_86] : memref<16x1xf32, #tpu.memory_space<vmem>>, vector<16x1xf32>
    %dot_general3A_88 = arith.constant dense<0.000000e+00> : vector<1x1xf32>
    %dot_general3A_89 = tpu.matmul %div3A_84, %get3A_87, %dot_general3A_88 {dimension_numbers = #tpu.dot_dimension_numbers<[1], [0], [0], [1], [0, 0, 1, 1], [], []>, transpose_lhs_hint = false} : vector<1x16xf32>, vector<16x1xf32>, vector<1x1xf32> -> vector<1x1xf32>
    %get3A_90 = arith.constant 0 : index
    %get3A_91 = arith.constant 0 : index
    %get3A_92 = vector.load %arg5[%get3A_90, %get3A_91] : memref<1x1xf32, #tpu.memory_space<vmem>>, vector<1x1xf32>
    %add3A_93 = arith.addf %dot_general3A_89, %get3A_92 : vector<1x1xf32>
    %logistic3A = arith.negf %add3A_93 : vector<1x1xf32>
    %logistic3A_94 = math.exp %logistic3A : vector<1x1xf32>
    %logistic3A_95 = arith.constant 1.000000e+00 : f32
    %logistic3A_96 = vector.broadcast %logistic3A_95 : f32 to vector<1x1xf32>
    %logistic3A_97 = arith.addf %logistic3A_96, %logistic3A_94 : vector<1x1xf32>
    %logistic3A_98 = arith.divf %logistic3A_96, %logistic3A_97 : vector<1x1xf32>
    %swap3A_99 = arith.constant 0 : index
    %swap3A_100 = arith.constant 0 : index
    %swap3A_101 = vector.load %arg7[%swap3A_99, %swap3A_100] : memref<1x1xf32, #tpu.memory_space<vmem>>, vector<1x1xf32>
    tpu.vector_store %arg7[%swap3A_99, %swap3A_100], %logistic3A_98 {strides = array<i32>} : memref<1x1xf32, #tpu.memory_space<vmem>>, vector<1x1xf32>,
    return
  }
  func.func @transform_0(%arg0: i32) -> (i32, i32, i32) {
    %c0_i32 = arith.constant 0 : i32
    %c0_i32_0 = arith.constant 0 : i32
    %c0_i32_1 = arith.constant 0 : i32
    return %c0_i32, %arg0, %c0_i32_0 : i32, i32, i32
  }
  func.func @transform_1(%arg0: i32) -> (i32, i32) {
    %c0_i32 = arith.constant 0 : i32
    %c0_i32_0 = arith.constant 0 : i32
    %c0_i32_1 = arith.constant 0 : i32
    return %c0_i32, %c0_i32_0 : i32, i32
  }
  func.func @transform_2(%arg0: i32) -> (i32, i32) {
    %c0_i32 = arith.constant 0 : i32
    %c0_i32_0 = arith.constant 0 : i32
    %c0_i32_1 = arith.constant 0 : i32
    return %c0_i32, %c0_i32_0 : i32, i32
  }
  func.func @transform_3(%arg0: i32) -> (i32, i32) {
    %c0_i32 = arith.constant 0 : i32
    %c0_i32_0 = arith.constant 0 : i32
    %c0_i32_1 = arith.constant 0 : i32
    return %c0_i32, %c0_i32_0 : i32, i32
  }
  func.func @transform_4(%arg0: i32) -> (i32, i32) {
    %c0_i32 = arith.constant 0 : i32
    %c0_i32_0 = arith.constant 0 : i32
    %c0_i32_1 = arith.constant 0 : i32
    return %c0_i32, %c0_i32_0 : i32, i32
  }
  func.func @transform_5(%arg0: i32) -> (i32, i32) {
    %c0_i32 = arith.constant 0 : i32
    %c0_i32_0 = arith.constant 0 : i32
    return %arg0, %c0_i32 : i32, i32
  }
  func.func @transform_6(%arg0: i32) -> (i32, i32) {
    %c0_i32 = arith.constant 0 : i32
    %c0_i32_0 = arith.constant 0 : i32
    %c0_i32_1 = arith.constant 0 : i32
    return %c0_i32, %c0_i32_0 : i32, i32
  }
}

</mosaic_0001>

<sc_bundles>
// kernel: kernel.12.cloned.1.call-start
scs
__scs_entry_jumppad:
0x0: {  	(pc) =	sbr.rel $0x88, $3  }
0x1: {  	(tag) =	ssettag $0x0;
	lr =	simm.s32 $0x1  }
0x2: {  	[smem:$0x3F91] =	sst lr;
	_ =	strace $0xD0000000  }
0x3: {  	_ = 	snop  }
0x4: {  	_ = 	snop  }
0x5: {  	_ = 	snop  }
0x6: {  	_ = 	snop  }
0x7: {  	_ = 	snop  }
__scs_overlays_trampoline_lowered:
0x8: {  	[smem:$0x3FA0] =	sst s0  }
0x9: {  	[smem:$0x3FA1] =	sst s1  }
0xa: {  	[smem:$0x3FA2] =	sst s2  }
0xb: {  	[smem:$0x3FA3] =	sst s3  }
0xc: {  	[smem:$0x3FA4] =	sst s4  }
0xd: {  	[smem:$0x3FA5] =	sst s5  }
0xe: {  	[smem:$0x3FA6] =	sst s6  }
0xf: {  	[smem:$0x3FA7] =	sst s7  }
0x10: {  	[smem:$0x3FA8] =	sst s8  }
0x11: {  	[smem:$0x3FA9] =	sst s9;
	s0 =	simm.s32 @!p0 $0x0  }
0x12: {  	s1 =	sld [smem:$0x3F8F];
	s0 =	simm.s32 @p0 $0x1  }
0x13: {  	[smem:$0x3FAA] =	sst s0;
	s0 =	simm.s32 @!p1 $0x0  }
0x14: {  	s2 =	sld [smem:$0x3F8E];
	s0 =	simm.s32 @p1 $0x1  }
0x15: {  	[smem:$0x3FAB] =	sst s0;
	s0 =	simm.s32 @!p2 $0x0  }
0x16: {  	s3 =	sld [smem:$0x3FDB];
	s0 =	simm.s32 @p2 $0x1  }
0x17: {  	s4 =	simm.s32 $0x1BF5;
	[smem:$0x3FAD] =	sst s0  }
0x18: {  	s0 =	sld [smem:$0x3F90];
	_ =	swait.ge [sflag:s4], $0x0  }
0x19: {  	s7 =	sld [smem:$0x3F91]  }
0x1a: {  	s8 =	sadd.s32 $0xFFFFE003, lr  }
0x1b: {  	s9 =	sadd.s32 $0xFFFFFEF7, lr;
	s5 =	simm.s32 $0xFFFFFFFF;
	p2 =	slt.u32 s8, $0xFFFFF086  }
0x1c: {  	p1 =	slt.u32 s9, $0xF7A;
	s5 =	simm.s32 @!p2 $0x0  }
0x1d: {  	s5 =	simm.s32 @p1 $0x1;
	p0 =	seq.s32 s7, s2  }
0x1e: {  	s7 =	smul.u32 @!p0 $0xF7A, s2;
	p2 =	seq.s32 @!p0 s5, $0x0  }
0x1f: {  	s9 =	smul.u32 $0xF7A, s1;
	s8 =	simm.s32 @!p0 $0x1BF5;
	p2 =	por !p2, p0  }
0x20: {  	[sflag:s8] =	ssyncset.s32 @!p0 $0xFFFFF086;
	s6 =	sadd.s32 @!p0 s3, s7;
	s7 =	simm.s32 @!p0 $0x108  }
0x21: {  	s3 =	sadd.s32 s3, s9;
	s6 =	sadd.s32 @!p0 $0x88, s6;
	s7 =	simm.s32 @p2 $0x1082  }
0x22: {  	[simem:s7], [sflag:s8] =	dma.local @!p0 [hbm:s6], $0xF7A  }
0x23: {  	s9 =	sor.u32 $0xD0000000, s2;
	s6 =	simm.s32 $0x108;
	_ =	swait.ge @!p0 [sflag:s8], $0x0  }
0x24: {  	s3 =	sadd.s32 $0x88, s3;
	s6 =	simm.s32 @!p1 $0x1082;
	[sflag:s4] =	ssyncset.s32 $0xFFFFF086  }
0x25: {  	[simem:s6], [sflag:s4] =	dma.local [hbm:s3], $0xF7A  }
0x26: {  	[smem:$0x3F91] =	sst s1;
	(tag) =	ssettag s2;
	_ =	strace s9  }
0x27: {  	s1 =	sld [smem:$0x3FA1]  }
0x28: {  	s2 =	sld [smem:$0x3FA2]  }
0x29: {  	s4 =	sld [smem:$0x3FA4]  }
0x2a: {  	p0 =	seq.s32 s5, $0x0;
	s5 =	sld [smem:$0x3FA5]  }
0x2b: {  	s6 =	sld [smem:$0x3FA6]  }
0x2c: {  	s7 =	sld [smem:$0x3FA7]  }
0x2d: {  	s3 =	simm.s32 $0x108;
	s8 =	sld [smem:$0x3FA8]  }
0x2e: {  	s3 =	simm.s32 @!p0 $0x1082;
	s9 =	sld [smem:$0x3FA9]  }
0x2f: {  	lr =	sadd.s32 s0, s3;
	s0 =	sld [smem:$0x3FA0]  }
0x30: {  	s3 =	sld [smem:$0x3FA3]  }
0x31: {  	[smem:$0x3FAC] =	sst s10  }
0x32: {  	s10 =	sld [smem:$0x3FAA];
	_ =	sdelay $0x3  }
0x33: {  	p0 =	seq.s32 s10, $0x1;
	s10 =	sld [smem:$0x3FAC];
	_ =	sdelay $0x3  }
0x34: {  	[smem:$0x3FAC] =	sst s10  }
0x35: {  	s10 =	sld [smem:$0x3FAB];
	_ =	sdelay $0x3  }
0x36: {  	p1 =	seq.s32 s10, $0x1;
	s10 =	sld [smem:$0x3FAC];
	_ =	sdelay $0x3  }
0x37: {  	[smem:$0x3FAC] =	sst s10  }
0x38: {  	s10 =	sld [smem:$0x3FAD]  }
0x39: {  	_ = 	snop;
	(pc) =	sbr.ind lr, $3  }
0x3a: {  	_ = 	snop  }
0x3b: {  	_ = 	snop  }
0x3c: {  	p2 =	seq.s32 s10, $0x1;
	s10 =	sld [smem:$0x3FAC]  }
0x3d: {  	_ =	shalt  }
0x3e: {  	_ =	shalt  }
0x3f: {  	_ =	shalt  }
0x40: {  	_ =	shalt  }
0x41: {  	_ =	shalt  }
0x42: {  	_ =	shalt  }
0x43: {  	_ =	shalt  }
0x44: {  	_ =	shalt  }
0x45: {  	_ =	shalt  }
0x46: {  	_ =	shalt  }
0x47: {  	_ =	shalt  }
0x48: {  	_ =	shalt  }
0x49: {  	_ =	shalt  }
0x4a: {  	_ =	shalt  }
0x4b: {  	_ =	shalt  }
0x4c: {  	_ =	shalt  }
0x4d: {  	_ =	shalt  }
0x4e: {  	_ =	shalt  }
0x4f: {  	_ =	shalt  }
0x50: {  	_ =	shalt  }
0x51: {  	_ =	shalt  }
0x52: {  	_ =	shalt  }
0x53: {  	_ =	shalt  }
0x54: {  	_ =	shalt  }
0x55: {  	_ =	shalt  }
0x56: {  	_ =	shalt  }
0x57: {  	_ =	shalt  }
0x58: {  	_ =	shalt  }
0x59: {  	_ =	shalt  }
0x5a: {  	_ =	shalt  }
0x5b: {  	_ =	shalt  }
0x5c: {  	_ =	shalt  }
0x5d: {  	_ =	shalt  }
0x5e: {  	_ =	shalt  }
0x5f: {  	_ =	shalt  }
0x60: {  	_ =	shalt  }
0x61: {  	_ =	shalt  }
0x62: {  	_ =	shalt  }
0x63: {  	_ =	shalt  }
0x64: {  	_ =	shalt  }
0x65: {  	_ =	shalt  }
0x66: {  	_ =	shalt  }
0x67: {  	_ =	shalt  }
0x68: {  	_ =	shalt  }
0x69: {  	_ =	shalt  }
0x6a: {  	_ =	shalt  }
0x6b: {  	_ =	shalt  }
0x6c: {  	_ =	shalt  }
0x6d: {  	_ =	shalt  }
0x6e: {  	_ =	shalt  }
0x6f: {  	_ =	shalt  }
0x70: {  	_ =	shalt  }
0x71: {  	_ =	shalt  }
0x72: {  	_ =	shalt  }
0x73: {  	_ =	shalt  }
0x74: {  	_ =	shalt  }
0x75: {  	_ =	shalt  }
0x76: {  	_ =	shalt  }
0x77: {  	_ =	shalt  }
0x78: {  	_ =	shalt  }
0x79: {  	_ =	shalt  }
0x7a: {  	_ =	shalt  }
0x7b: {  	_ =	shalt  }
0x7c: {  	_ =	shalt  }
0x7d: {  	_ =	shalt  }
0x7e: {  	_ =	shalt  }
0x7f: {  	_ =	shalt  }
0x80: {  	_ =	shalt  }
0x81: {  	_ =	shalt  }
0x82: {  	_ =	shalt  }
0x83: {  	_ =	shalt  }
0x84: {  	_ =	shalt  }
0x85: {  	_ =	shalt  }
0x86: {  	_ =	shalt  }
0x87: {  	_ =	shalt  }
.Lfunc_end0:
.L_simem_size_0:
called_computation_lowered:
.L_overlay_start_0:
0x88: {  	s2 =	sld [smem:$0x3FD9]  }
0x89: {  	s3 =	sld [smem:$0x3FFE];
	_ =	sdelay $0x1  }
0x8a: {  	s1 =	srdreg.scid  }
0x8b: {  	s0 =	sand.u32 $0x1, s1  }
0x8c: {  	s17 =	sshll.u32 s0, $0xA;
	s2 =	sadd.s32 s3, s2  }
0x8d: {  	s2 =	sadd.s32 s2, s17  }
0x8e: {  	[smem:$0x3FB8] =	sst s2  }
0x8f: {  	_ = 	snop  }
0x90: {  	(tm) =	ssettm $0x1  }
0x91: {  	s18 =	sld [smem:$0x3FFB];
	_ =	sdelay $0x3  }
0x92: {  	_ =	strace s18  }
0x93: {  	s2 =	sld [smem:$0x3FFC];
	_ =	sdelay $0x3  }
0x94: {  	_ =	strace s2  }
0x95: {  	s2 =	sld [smem:$0x3FFD];
	_ =	sdelay $0x3  }
0x96: {  	_ =	strace s2  }
0x97: {  	_ =	strace $0x8FFFFFFF  }
0x98: {  	s19 =	sld [smem:$0x3FDB];
	_ =	sdelay $0x1  }
0x99: {  	s20 =	simm.s32 $_scs_section_size  }
0x9a: {  	s4 =	simm.s32 $_size__tile_overlayer_lowered;
	s5 =	simm.s32 $_tile_overlayer_lowered  }
0x9b: {  	s6 =	simm.s32 $0x1BFF;
	s21 =	sshll.u32 s5, $0x1;
	s3 =	sadd.s32 s20, s19  }
0x9c: {  	s22 =	simm.s32 $0x0;
	s4 =	sshll.u32 s4, $0x1;
	s5 =	sadd.s32 s21, s3  }
0x9d: {  	[timem:s22], [sflag:s6] =	dma.local [hbm:s5], s4  }
0x9e: {  	_ =	swait.ge [sflag:s6], s4  }
0x9f: {  	s4 =	ssub.s32 $0x0, s4;
	[sflag:s6] =	ssyncset.done $0x0  }
0xa0: {  	[sflag:s6] =	ssyncadd.s32 s4;
	_ =	sdelay $0x1  }
0xa1: {  	s23 =	simm.s32 $0x1B8B  }
0xa2: {  	_ =	swait.ge [sflag:s23], $0x1  }
0xa3: {  	[sflag:s23] =	ssyncset.done $0x0  }
0xa4: {  	[sflag:s23] =	ssyncadd.s32 $0xFFFFFFFF  }
0xa5: {  	s4 =	sld [smem:$0x0]  }
0xa6: {  	s5 =	sand.u32 $0xFFFFFFFE, s1  }
0xa7: {  	p0 =	sne.s32 s1, s5  }
0xa8: {  	s5 =	sshll.u32 @p0 s5, $0xE  }
0xa9: {  	s5 =	sadd.s32 @p0 $0x11B8D, s5;
	s6 =	sshll.u32 @p0 s4, $0x11  }
0xaa: {  	s5 =	sor.u32 @p0 s6, s5  }
0xab: {  	[sflag:s5] =	ssyncadd.remote.s32 @p0 $0x1;
	_ =	sdelay $0x1  }
0xac: {  	s5 =	simm.s32 @p0 $0x1B8D  }
0xad: {  	_ =	swait.eq @p0 [sflag:s5], $0x1  }
0xae: {  	[sflag:s5] =	ssyncadd.s32 @p0 $0xFFFFFFFF  }
0xaf: {  	s6 =	sshll.u32 @!p0 s1, $0xE  }
0xb0: {  	s6 =	sor.u32 @!p0 $0x4000, s6;
	s5 =	simm.s32 @!p0 $0x1B8D  }
0xb1: {  	s4 =	sshll.u32 @!p0 s4, $0x11;
	s6 =	sadd.s32 @!p0 $0x11B8D, s6;
	_ =	swait.eq @!p0 [sflag:s5], $0x1  }
0xb2: {  	s4 =	sor.u32 @!p0 s4, s6;
	[sflag:s5] =	ssyncadd.s32 @!p0 $0xFFFFFFFF  }
0xb3: {  	s25 =	simm.s32 $0x1B8E;
	s24 =	sld [smem:$0x3FFE];
	[sflag:s4] =	ssyncadd.remote.s32 @!p0 $0x1  }
0xb4: {  	s26 =	simm.s32 $execute0_lowered;
	[smem:$0x3FD2] =	sst s25  }
0xb5: {  	s5 =	sshll.u32 s26, $0x1;
	_ =	strace $0x8000004F;
	[dreg:$0x1] =	wrdreg $0xFFFFFFFF  }
0xb6: {  	s28 =	simm.s32 $_size_execute0_lowered;
	s3 =	sadd.s32 s3, s5;
	[dreg:$0x0] =	wrdreg $0x0  }
0xb7: {  	s5 =	sshll.u32 s28, $0x1;
	[dreg:$0x2] =	wrdreg s3  }
0xb8: {  	[dreg:$0x3] =	wrdreg s5  }
0xb9: {  	[dreg:$0x4] =	wrdreg $0xC0  }
0xba: {  	_ =	task [dreg:s22], $0x5FFFF  }
0xbb: {  	[dreg:$0x1] =	wrdreg $0xFFFFFFFF  }
0xbc: {  	[dreg:$0x0] =	wrdreg $0x60  }
0xbd: {  	[dreg:$0x2] =	wrdreg s24  }
0xbe: {  	[dreg:$0x3] =	wrdreg $0x9  }
0xbf: {  	_ =	task.clear_ibuf [dreg:s22], $0x4FFFF;
	_ =	strace $0x9000004F  }
0xc0: {  	s29 =	simm.s32 $0x9;
	_ =	strace $0x80000051  }
0xc1: {  	_ =	swait.ge [sflag:s29], $0x1  }
0xc2: {  	[sflag:s29] =	ssyncadd.s32 $0xFFFFFFFF  }
0xc3: {  	_ =	strace $0x90000051  }
0xc4: {  	_ =	sfence  }
0xc5: {  	s30 =	sld [smem:$0x0];
	_ =	sdelay $0x2  }
0xc6: {  	s31 =	sshll.u32 s1, $0xD;
	s1 =	sshrl.u32 s1, $0x2  }
0xc7: {  	s4 =	sand.u32 $0x4000, s31;
	s1 =	sadd.s32 s1, s30  }
0xc8: {  	s0 =	sor.u32 s4, s0;
	s1 =	sshll.u32 s1, $0x11  }
0xc9: {  	s0 =	sor.u32 s1, s0  }
0xca: {  	s0 =	sadd.s32 $0x8F2B, s0  }
0xcb: {  	[sflag:s0] =	ssyncadd.remote.s32 $0x1  }
0xcc: {  	_ =	sfence.sel $0xFFFF  }
0xcd: {  	[dreg:$0x0] =	wrdreg $0xFFFFFFFF;
	(pc) =	sbr.abs _section_cstart, $3  }
0xce: {  	[dreg:$0x1] =	wrdreg $0xFFFFFFFF  }
0xcf: {  	_ =	task.clear_ibuf [dreg:s22], $0x2FFFF;
	_ =	strace $0x9FFFFFFF  }
0xd0: {  	(tm) =	ssettm $0x7FFFFFFF  }
0xd1: {  	_ =	shalt  }
tec
execute0_lowered:
.L_overlay_start_1:
0x0: {  	(tag) =	ssettag $0x1  }
0x1: {  	s1 =	srdreg.scid  }
0x2: {  	s0 =	stileid.u32;
	s5 =	rddreg [dreg:$0x0]  }
0x3: {  	s2 =	simm.s32 $0x0;
	s8 =	simm.s32 $0x80;
	s9 =	simm.s32 $0x400  }
0x4: {  	s10 =	simm.s32 $0x0;
	s3 =	sand.u32 $0x1, s1;
	s29 =	sshll.u32 s0, $0x1  }
0x5: {  	s30 =	sshrl.u32 s0, $0x2;
	s1 =	rddreg [dreg:$0x1];
	s4 =	sor.u32 s3, s29  }
0x6: {  	[smem:$0x7FF] =	sst s2;
	s6 =	smul.u32 $0x14000, s30;
	s7 =	sshll.u32 s4, $0x7  }
0x7: {  	s3 =	ssub.s32 $0x2, s3;
	s4 =	smul.u32 $0x4E2, s4;
	s7 =	sand.u32 $0x380, s7  }
0x8: {  	_ =	strace $0x80000050;
	s31 =	sshrl.u32 s3, $0x1;
	s6 =	sor.u32 s6, s7  }
0x9: {  	s4 =	sadd.s32 s4, s5;
	s7 =	simm.s32 $0x2780;
	s6 =	sshrl.u32 s6, $0x3  }
0xa: {  	s5 =	sadd.s32 s6, s5;
	s6 =	ssub.s32 s3, s31;
	s3 =	sadd.s32 $0x292800, s4  }
0xb: {  	v0 =	vimm.f32 $0.0e+00;
	v1 =	vimm.f32 $1.000000000e+00;
	s4 =	sadd.s32 $0x29C600, s5;
	s5 =	smax.u32 s6, $0x1;
	s6 =	simm.s32 $0x1  }
.LBB2_1:
0xc: {  	[tilespmem:s2], [sflag:$0x1] =	stream.linear.gather [hbm4b:s3+s2], $0x2710, $0x38;
	[tilespmem:$0x4F80] =	vst v63  }
0xd: {  	_ =	swait.ge [sflag:s6], $0x2710  }
0xe: {  	[sflag:s6] =	ssyncset.done $0x0  }
0xf: {  	s11 =	simm.s32 $0x0;
	[sflag:s6] =	ssyncadd.s32 $0xFFFFD8F0  }
.LBB2_2:
0x10: {  	p0 =	sne.s32 s11, $0x9FC0  }
.Ltmp0:
0x11: {  	_ = 	snop;
	(pc) =	sbr.rel @p0 .LBB2_2-.Ltmp0, $3  }
0x12: {  	_ =	sdelay $0x1  }
0x13: {  	s12 =	sshra.s32 s11, $0x2  }
0x14: {  	s11 =	sadd.s32 $0x40, s11;
	[tilespmem:s12+$0x2780] =	vst v0  }
0x15: {  	s12 =	simm.s32 $0x0;
	s11 =	simm.s32 $0x40  }
.LBB2_4:
0x16: {  	p0 =	sne.s32 s11, $0x9C00;
	v2 =	vld [tilespmem:s12+$0x0];
	_ =	sdelay $0x3  }
.Ltmp1:
0x17: {  	(pc) =	sbr.rel @p0 .LBB2_4-.Ltmp1, $2  }
0x18: {  	_ =	sdelay $0x2  }
0x19: {  	s12 =	sshra.s32 s11, $0x2;
	s11 =	sadd.s32 $0x40, s11;
	[tilespmem:v2+s7+$0x0] =	vst.idx.add.f32.msk $0xffff, v1  }
0x1a: {  	v2 =	vld [tilespmem:s12+$0x0];
	_ =	sdelay $0x5  }
0x1b: {  	s10 =	sadd.s32 $0x1, s10  }
0x1c: {  	p0 =	sne.s32 s10, s5  }
.Ltmp2:
0x1d: {  	[tilespmem:v2+s7+$0x0] =	vst.idx.add.f32.msk $0xffff, v1;
	(pc) =	sbr.rel @p0 .LBB2_1-.Ltmp2, $4  }
0x1e: {  	[hbm4b:s4+s8] =	stream.strided.scatter [tilespmem:s7], [sflag:$0x1], $0x2800, s9, s8, $0x38;
	[tilespmem:$0x4F80] =	vst v63  }
0x1f: {  	_ =	swait.ge [sflag:s6], $0x2800  }
0x20: {  	[sflag:s6] =	ssyncset.done $0x0  }
0x21: {  	[sflag:s6] =	ssyncadd.s32 $0xFFFFD800  }
0x22: {  	_ =	sfence.sel $0x180000  }
0x23: {  	[bflag:$0x0] =	sbarrier.arrive $0xFFFF  }
0x24: {  	p0 =	sne.s32 s0, $0x0;
	_ =	strace $0x90000050  }
0x25: {  	s0 =	sadd.s32 @!p0 $0x100000, s1;
	[bflag:$0x2] =	sbarrier.arrive $0xFFFF  }
0x26: {  	[sflag:s0] =	ssyncadd.tile.s32 @!p0 $0x1;
	_ =	shalt  }
.Lfunc_end2:
_tile_overlayer_lowered:
.L_overlay_start_2:
0x27: {  	(tag) =	ssettag $0x2  }
0x28: {  	s0 =	rddreg [dreg:$0x0];
	s2 =	stileid.u32  }
0x29: {  	s1 =	rddreg [dreg:$0x1];
	p0 =	sne.s32 s2, $0x0  }
0x2a: {  	s3 =	rddreg [dreg:$0x2];
	[bflag:$0x3] =	sbarrier.arrive $0xFFFF;
	s2 =	simm.s32 @!p0 $0x1C01  }
0x2b: {  	[timem:s3], [sflag:s2] =	dma.local @!p0 [hbm:s0], s1  }
0x2c: {  	s0 =	simm.s32 @!p0 $0x1  }
0x2d: {  	_ =	swait.ge @!p0 [sflag:s0], s1  }
0x2e: {  	s1 =	ssub.s32 @!p0 $0x0, s1;
	[sflag:s0] =	ssyncset.done @!p0 $0x0  }
0x2f: {  	[sflag:s0] =	ssyncadd.s32 @!p0 s1  }
0x30: {  	[bflag:$0x3] =	sbarrier.arrive $0xFFFF  }
0x31: {  	_ =	shalt  }

// kernel: kernel.15.cloned.1.call-start
scs
__scs_entry_jumppad:
0x0: {  	(pc) =	sbr.rel $0x88, $3  }
0x1: {  	(tag) =	ssettag $0x0;
	lr =	simm.s32 $0x1  }
0x2: {  	[smem:$0x3F91] =	sst lr;
	_ =	strace $0xD0000000  }
0x3: {  	_ = 	snop  }
0x4: {  	_ = 	snop  }
0x5: {  	_ = 	snop  }
0x6: {  	_ = 	snop  }
0x7: {  	_ = 	snop  }
__scs_overlays_trampoline_lowered:
0x8: {  	[smem:$0x3FA0] =	sst s0  }
0x9: {  	[smem:$0x3FA1] =	sst s1  }
0xa: {  	[smem:$0x3FA2] =	sst s2  }
0xb: {  	[smem:$0x3FA3] =	sst s3  }
0xc: {  	[smem:$0x3FA4] =	sst s4  }
0xd: {  	[smem:$0x3FA5] =	sst s5  }
0xe: {  	[smem:$0x3FA6] =	sst s6  }
0xf: {  	[smem:$0x3FA7] =	sst s7  }
0x10: {  	[smem:$0x3FA8] =	sst s8  }
0x11: {  	[smem:$0x3FA9] =	sst s9;
	s0 =	simm.s32 @!p0 $0x0  }
0x12: {  	s1 =	sld [smem:$0x3F8F];
	s0 =	simm.s32 @p0 $0x1  }
0x13: {  	[smem:$0x3FAA] =	sst s0;
	s0 =	simm.s32 @!p1 $0x0  }
0x14: {  	s2 =	sld [smem:$0x3F8E];
	s0 =	simm.s32 @p1 $0x1  }
0x15: {  	[smem:$0x3FAB] =	sst s0;
	s0 =	simm.s32 @!p2 $0x0  }
0x16: {  	s3 =	sld [smem:$0x3FDB];
	s0 =	simm.s32 @p2 $0x1  }
0x17: {  	s4 =	simm.s32 $0x1BF5;
	[smem:$0x3FAD] =	sst s0  }
0x18: {  	s0 =	sld [smem:$0x3F90];
	_ =	swait.ge [sflag:s4], $0x0  }
0x19: {  	s7 =	sld [smem:$0x3F91]  }
0x1a: {  	s8 =	sadd.s32 $0xFFFFE003, lr  }
0x1b: {  	s9 =	sadd.s32 $0xFFFFFEF7, lr;
	s5 =	simm.s32 $0xFFFFFFFF;
	p2 =	slt.u32 s8, $0xFFFFF086  }
0x1c: {  	p1 =	slt.u32 s9, $0xF7A;
	s5 =	simm.s32 @!p2 $0x0  }
0x1d: {  	s5 =	simm.s32 @p1 $0x1;
	p0 =	seq.s32 s7, s2  }
0x1e: {  	s7 =	smul.u32 @!p0 $0xF7A, s2;
	p2 =	seq.s32 @!p0 s5, $0x0  }
0x1f: {  	s9 =	smul.u32 $0xF7A, s1;
	s8 =	simm.s32 @!p0 $0x1BF5;
	p2 =	por !p2, p0  }
0x20: {  	[sflag:s8] =	ssyncset.s32 @!p0 $0xFFFFF086;
	s6 =	sadd.s32 @!p0 s3, s7;
	s7 =	simm.s32 @!p0 $0x108  }
0x21: {  	s3 =	sadd.s32 s3, s9;
	s6 =	sadd.s32 @!p0 $0x88, s6;
	s7 =	simm.s32 @p2 $0x1082  }
0x22: {  	[simem:s7], [sflag:s8] =	dma.local @!p0 [hbm:s6], $0xF7A  }
0x23: {  	s9 =	sor.u32 $0xD0000000, s2;
	s6 =	simm.s32 $0x108;
	_ =	swait.ge @!p0 [sflag:s8], $0x0  }
0x24: {  	s3 =	sadd.s32 $0x88, s3;
	s6 =	simm.s32 @!p1 $0x1082;
	[sflag:s4] =	ssyncset.s32 $0xFFFFF086  }
0x25: {  	[simem:s6], [sflag:s4] =	dma.local [hbm:s3], $0xF7A  }
0x26: {  	[smem:$0x3F91] =	sst s1;
	(tag) =	ssettag s2;
	_ =	strace s9  }
0x27: {  	s1 =	sld [smem:$0x3FA1]  }
0x28: {  	s2 =	sld [smem:$0x3FA2]  }
0x29: {  	s4 =	sld [smem:$0x3FA4]  }
0x2a: {  	p0 =	seq.s32 s5, $0x0;
	s5 =	sld [smem:$0x3FA5]  }
0x2b: {  	s6 =	sld [smem:$0x3FA6]  }
0x2c: {  	s7 =	sld [smem:$0x3FA7]  }
0x2d: {  	s3 =	simm.s32 $0x108;
	s8 =	sld [smem:$0x3FA8]  }
0x2e: {  	s3 =	simm.s32 @!p0 $0x1082;
	s9 =	sld [smem:$0x3FA9]  }
0x2f: {  	lr =	sadd.s32 s0, s3;
	s0 =	sld [smem:$0x3FA0]  }
0x30: {  	s3 =	sld [smem:$0x3FA3]  }
0x31: {  	[smem:$0x3FAC] =	sst s10  }
0x32: {  	s10 =	sld [smem:$0x3FAA];
	_ =	sdelay $0x3  }
0x33: {  	p0 =	seq.s32 s10, $0x1;
	s10 =	sld [smem:$0x3FAC];
	_ =	sdelay $0x3  }
0x34: {  	[smem:$0x3FAC] =	sst s10  }
0x35: {  	s10 =	sld [smem:$0x3FAB];
	_ =	sdelay $0x3  }
0x36: {  	p1 =	seq.s32 s10, $0x1;
	s10 =	sld [smem:$0x3FAC];
	_ =	sdelay $0x3  }
0x37: {  	[smem:$0x3FAC] =	sst s10  }
0x38: {  	s10 =	sld [smem:$0x3FAD]  }
0x39: {  	_ = 	snop;
	(pc) =	sbr.ind lr, $3  }
0x3a: {  	_ = 	snop  }
0x3b: {  	_ = 	snop  }
0x3c: {  	p2 =	seq.s32 s10, $0x1;
	s10 =	sld [smem:$0x3FAC]  }
0x3d: {  	_ =	shalt  }
0x3e: {  	_ =	shalt  }
0x3f: {  	_ =	shalt  }
0x40: {  	_ =	shalt  }
0x41: {  	_ =	shalt  }
0x42: {  	_ =	shalt  }
0x43: {  	_ =	shalt  }
0x44: {  	_ =	shalt  }
0x45: {  	_ =	shalt  }
0x46: {  	_ =	shalt  }
0x47: {  	_ =	shalt  }
0x48: {  	_ =	shalt  }
0x49: {  	_ =	shalt  }
0x4a: {  	_ =	shalt  }
0x4b: {  	_ =	shalt  }
0x4c: {  	_ =	shalt  }
0x4d: {  	_ =	shalt  }
0x4e: {  	_ =	shalt  }
0x4f: {  	_ =	shalt  }
0x50: {  	_ =	shalt  }
0x51: {  	_ =	shalt  }
0x52: {  	_ =	shalt  }
0x53: {  	_ =	shalt  }
0x54: {  	_ =	shalt  }
0x55: {  	_ =	shalt  }
0x56: {  	_ =	shalt  }
0x57: {  	_ =	shalt  }
0x58: {  	_ =	shalt  }
0x59: {  	_ =	shalt  }
0x5a: {  	_ =	shalt  }
0x5b: {  	_ =	shalt  }
0x5c: {  	_ =	shalt  }
0x5d: {  	_ =	shalt  }
0x5e: {  	_ =	shalt  }
0x5f: {  	_ =	shalt  }
0x60: {  	_ =	shalt  }
0x61: {  	_ =	shalt  }
0x62: {  	_ =	shalt  }
0x63: {  	_ =	shalt  }
0x64: {  	_ =	shalt  }
0x65: {  	_ =	shalt  }
0x66: {  	_ =	shalt  }
0x67: {  	_ =	shalt  }
0x68: {  	_ =	shalt  }
0x69: {  	_ =	shalt  }
0x6a: {  	_ =	shalt  }
0x6b: {  	_ =	shalt  }
0x6c: {  	_ =	shalt  }
0x6d: {  	_ =	shalt  }
0x6e: {  	_ =	shalt  }
0x6f: {  	_ =	shalt  }
0x70: {  	_ =	shalt  }
0x71: {  	_ =	shalt  }
0x72: {  	_ =	shalt  }
0x73: {  	_ =	shalt  }
0x74: {  	_ =	shalt  }
0x75: {  	_ =	shalt  }
0x76: {  	_ =	shalt  }
0x77: {  	_ =	shalt  }
0x78: {  	_ =	shalt  }
0x79: {  	_ =	shalt  }
0x7a: {  	_ =	shalt  }
0x7b: {  	_ =	shalt  }
0x7c: {  	_ =	shalt  }
0x7d: {  	_ =	shalt  }
0x7e: {  	_ =	shalt  }
0x7f: {  	_ =	shalt  }
0x80: {  	_ =	shalt  }
0x81: {  	_ =	shalt  }
0x82: {  	_ =	shalt  }
0x83: {  	_ =	shalt  }
0x84: {  	_ =	shalt  }
0x85: {  	_ =	shalt  }
0x86: {  	_ =	shalt  }
0x87: {  	_ =	shalt  }
.Lfunc_end0:
.L_simem_size_0:
called_computation.1_lowered:
.L_overlay_start_0:
0x88: {  	s2 =	sld [smem:$0x3FD9]  }
0x89: {  	s3 =	sld [smem:$0x3FFE];
	_ =	sdelay $0x1  }
0x8a: {  	s1 =	srdreg.scid  }
0x8b: {  	s0 =	sand.u32 $0x1, s1  }
0x8c: {  	s16 =	sshll.u32 s0, $0xA;
	s2 =	sadd.s32 s3, s2  }
0x8d: {  	s2 =	sadd.s32 s2, s16  }
0x8e: {  	[smem:$0x3FB8] =	sst s2  }
0x8f: {  	_ = 	snop  }
0x90: {  	(tm) =	ssettm $0x1  }
0x91: {  	s17 =	sld [smem:$0x3FFB];
	_ =	sdelay $0x3  }
0x92: {  	_ =	strace s17  }
0x93: {  	s2 =	sld [smem:$0x3FFC];
	_ =	sdelay $0x3  }
0x94: {  	_ =	strace s2  }
0x95: {  	s2 =	sld [smem:$0x3FFD];
	_ =	sdelay $0x3  }
0x96: {  	_ =	strace s2  }
0x97: {  	_ =	strace $0x8FFFFFFF  }
0x98: {  	s18 =	sld [smem:$0x3FDB];
	_ =	sdelay $0x1  }
0x99: {  	s19 =	simm.s32 $_scs_section_size  }
0x9a: {  	s4 =	simm.s32 $_size__tile_overlayer_lowered;
	s5 =	simm.s32 $_tile_overlayer_lowered  }
0x9b: {  	s22 =	simm.s32 $0x1BFF;
	s21 =	sshll.u32 s5, $0x1;
	s2 =	sadd.s32 s19, s18  }
0x9c: {  	s6 =	simm.s32 $0x0;
	s20 =	sshll.u32 s4, $0x1;
	s4 =	sadd.s32 s21, s2  }
0x9d: {  	[timem:s6], [sflag:s22] =	dma.local [hbm:s4], s20  }
0x9e: {  	_ =	swait.ge [sflag:s22], s20  }
0x9f: {  	s3 =	ssub.s32 $0x0, s20;
	[sflag:s22] =	ssyncset.done $0x0  }
0xa0: {  	[sflag:s22] =	ssyncadd.s32 s3;
	_ =	sdelay $0x1  }
0xa1: {  	s23 =	simm.s32 $0x1B8B  }
0xa2: {  	_ =	swait.ge [sflag:s23], $0x1  }
0xa3: {  	[sflag:s23] =	ssyncset.done $0x0  }
0xa4: {  	s25 =	simm.s32 $0x1B8E;
	s24 =	sld [smem:$0x3FFE];
	[sflag:s23] =	ssyncadd.s32 $0xFFFFFFFF  }
0xa5: {  	s26 =	simm.s32 $execute0_lowered;
	[smem:$0x3FD2] =	sst s25  }
0xa6: {  	s4 =	sshll.u32 s26, $0x1;
	_ =	strace $0x80000046;
	[dreg:$0x1] =	wrdreg $0xFFFFFFFF  }
0xa7: {  	s28 =	simm.s32 $_size_execute0_lowered;
	s2 =	sadd.s32 s2, s4;
	[dreg:$0x0] =	wrdreg $0x0  }
0xa8: {  	s4 =	sshll.u32 s28, $0x1;
	[dreg:$0x2] =	wrdreg s2  }
0xa9: {  	[dreg:$0x3] =	wrdreg s4  }
0xaa: {  	[dreg:$0x4] =	wrdreg $0xC0  }
0xab: {  	_ =	task [dreg:s6], $0x5FFFF  }
0xac: {  	[dreg:$0x1] =	wrdreg $0xFFFFFFFF  }
0xad: {  	[dreg:$0x0] =	wrdreg $0x60  }
0xae: {  	[dreg:$0x2] =	wrdreg s24  }
0xaf: {  	[dreg:$0x3] =	wrdreg $0x9  }
0xb0: {  	_ =	task.clear_ibuf [dreg:s6], $0x4FFFF;
	_ =	strace $0x90000046  }
0xb1: {  	s29 =	simm.s32 $0x9;
	_ =	strace $0x80000048  }
0xb2: {  	_ =	swait.ge [sflag:s29], $0x1  }
0xb3: {  	[sflag:s29] =	ssyncadd.s32 $0xFFFFFFFF  }
0xb4: {  	_ =	strace $0x90000048  }
0xb5: {  	_ =	sfence  }
0xb6: {  	s30 =	sld [smem:$0x0];
	_ =	sdelay $0x2  }
0xb7: {  	s31 =	sshll.u32 s1, $0xD;
	s1 =	sshrl.u32 s1, $0x2  }
0xb8: {  	s3 =	sand.u32 $0x4000, s31;
	s1 =	sadd.s32 s1, s30  }
0xb9: {  	s0 =	sor.u32 s3, s0;
	s1 =	sshll.u32 s1, $0x11  }
0xba: {  	s0 =	sor.u32 s1, s0  }
0xbb: {  	s0 =	sadd.s32 $0x8F2B, s0  }
0xbc: {  	[sflag:s0] =	ssyncadd.remote.s32 $0x1  }
0xbd: {  	_ =	sfence.sel $0xFFFF  }
0xbe: {  	[dreg:$0x0] =	wrdreg $0xFFFFFFFF;
	(pc) =	sbr.abs _section_cstart, $3  }
0xbf: {  	[dreg:$0x1] =	wrdreg $0xFFFFFFFF  }
0xc0: {  	_ =	task.clear_ibuf [dreg:s6], $0x2FFFF;
	_ =	strace $0x9FFFFFFF  }
0xc1: {  	(tm) =	ssettm $0x7FFFFFFF  }
tec
execute0_lowered:
.L_overlay_start_1:
0x0: {  	(tag) =	ssettag $0x1  }
0x1: {  	s0 =	srdreg.scid;
	s10 =	stileid.u32  }
0x2: {  	s1 =	rddreg [dreg:$0x0];
	s2 =	simm.s32 $0x0;
	s14 =	simm.s32 $0x9  }
0x3: {  	s15 =	simm.s32 $0x80;
	s16 =	simm.s32 $0x2800;
	s17 =	simm.s32 $0x6800  }
0x4: {  	s19 =	simm.s32 $0xA800;
	s21 =	simm.s32 $0xE800;
	s22 =	simm.s32 $0x1  }
0x5: {  	s23 =	simm.s32 $0x2;
	s24 =	simm.s32 $0x3;
	s9 =	smul.u32 $0x280000, s10  }
0x6: {  	s0 =	sand.u32 $0x1, s0;
	s3 =	sshll.u32 s10, $0x1;
	s10 =	smul.u32 $0x5000, s10  }
0x7: {  	s28 =	simm.s32 $0x6;
	s29 =	simm.s32 $0x7;
	s11 =	smul.u32 $0x2800, s0  }
0x8: {  	s4 =	sor.u32 s0, s3;
	s7 =	ssub.s32 $0x2, s0;
	s0 =	smul.u32 $0x140000, s0  }
0x9: {  	s30 =	simm.s32 $0x8;
	[smem:$0x7FF] =	sst s2;
	s5 =	smul.u32 $0x500, s4  }
0xa: {  	s31 =	simm.s32 $0x0;
	_ =	strace $0x80000047;
	s6 =	smul.u32 $0x140000, s4  }
0xb: {  	s3 =	sadd.s32 $0x12800, s1;
	s8 =	smul.u32 $0x28000, s4;
	s25 =	sshrl.u32 s7, $0x1  }
0xc: {  	s7 =	ssub.s32 s7, s25;
	s10 =	sadd.s32 s11, s10;
	s0 =	sadd.s32 s0, s9  }
0xd: {  	s25 =	simm.s32 $0x4;
	s5 =	sadd.s32 s5, s1;
	s1 =	sadd.s32 $0x3A800, s1  }
0xe: {  	s6 =	sshrl.u32 s6, $0x3;
	s10 =	sshll.u32 s10, $0x4;
	s0 =	sshrl.u32 s0, $0x3  }
0xf: {  	s26 =	sadd.s32 $0x8800, s5;
	s5 =	smax.u32 s7, $0x1;
	s6 =	sadd.s32 s1, s6  }
0x10: {  	s12 =	sadd.s32 s1, s8;
	s13 =	sadd.s32 s10, s1;
	s10 =	sadd.s32 s0, s1  }
0x11: {  	[dreg:$0x2] =	wrdreg s26;
	s6 =	sadd.s32 $0x26000, s6;
	s7 =	sadd.s32 $0x26800, s12  }
0x12: {  	s8 =	sadd.s32 $0x27000, s12;
	s9 =	sadd.s32 $0x27800, s12;
	s11 =	sadd.s32 $0x1800, s13  }
0x13: {  	s12 =	sadd.s32 $0x1000, s13;
	s13 =	sadd.s32 $0x800, s13;
	s26 =	simm.s32 $0x5  }
.LBB2_1:
0x14: {  	s0 =	rddreg [dreg:$0x2]  }
0x15: {  	[tilespmem:s2], [sflag:$0x9] =	stream.linear.gather [hbm4b:s0+s2], $0x2800, $0x38;
	[tilespmem:$0x12800] =	vst v63  }
0x16: {  	_ =	swait.ge [sflag:s14], $0x2800  }
0x17: {  	[sflag:s14] =	ssyncset.done $0x0  }
0x18: {  	[sflag:s14] =	ssyncadd.s32 $0xFFFFD800  }
0x19: {  	[tilespmem:s16], [sflag:$0x1] =	stream.indirect.gather [hbm4b:s3+s15], $0x80, s2, s15, $0xb8;
	[tilespmem:$0x12800] =	vst v63  }
0x1a: {  	_ = 	snop  }
0x1b: {  	[tilespmem:s17], [sflag:$0x2] =	stream.indirect.gather [hbm4b:s3+s15], $0x80, s15, s15, $0xb8;
	[tilespmem:$0x12800] =	vst v63  }
0x1c: {  	s20 =	simm.s32 $0x100  }
0x1d: {  	[tilespmem:s19], [sflag:$0x3] =	stream.indirect.gather [hbm4b:s3+s15], $0x80, s20, s15, $0xb8;
	[tilespmem:$0x12800] =	vst v63  }
0x1e: {  	s1 =	simm.s32 $0x180  }
0x1f: {  	[tilespmem:s21], [sflag:$0x4] =	stream.indirect.gather [hbm4b:s3+s15], $0x80, s1, s15, $0xb8;
	[tilespmem:$0x12800] =	vst v63  }
0x20: {  	_ =	swait.ge [sflag:s22], $0x4000  }
0x21: {  	[sflag:s22] =	ssyncset.done $0x0  }
0x22: {  	s4 =	sadd.s32 $0x0, s10;
	[sflag:s22] =	ssyncadd.s32 $0xFFFFC000  }
0x23: {  	[hbm4b:s4+s2] =	stream.linear.scatter [tilespmem:s16], [sflag:$0x5], $0x4000, $0x38;
	[tilespmem:$0x12800] =	vst v63  }
0x24: {  	_ =	swait.ge [sflag:s23], $0x4000  }
0x25: {  	[sflag:s23] =	ssyncset.done $0x0  }
0x26: {  	s18 =	sadd.s32 $0x0, s13;
	[sflag:s23] =	ssyncadd.s32 $0xFFFFC000  }
0x27: {  	[hbm4b:s18+s2] =	stream.linear.scatter [tilespmem:s17], [sflag:$0x6], $0x4000, $0x38;
	[tilespmem:$0x12800] =	vst v63  }
0x28: {  	_ =	swait.ge [sflag:s24], $0x4000  }
0x29: {  	[sflag:s24] =	ssyncset.done $0x0  }
0x2a: {  	s20 =	sadd.s32 $0x0, s12;
	[sflag:s24] =	ssyncadd.s32 $0xFFFFC000  }
0x2b: {  	[hbm4b:s20+s2] =	stream.linear.scatter [tilespmem:s19], [sflag:$0x7], $0x4000, $0x38;
	[tilespmem:$0x12800] =	vst v63  }
0x2c: {  	_ =	swait.ge [sflag:s25], $0x4000  }
0x2d: {  	[sflag:s25] =	ssyncset.done $0x0  }
0x2e: {  	s1 =	sadd.s32 $0x0, s11;
	[sflag:s25] =	ssyncadd.s32 $0xFFFFC000  }
0x2f: {  	[hbm4b:s1+s2] =	stream.linear.scatter [tilespmem:s21], [sflag:$0x8], $0x4000, $0x38;
	[tilespmem:$0x12800] =	vst v63  }
0x30: {  	_ =	swait.ge [sflag:s26], $0x4000  }
0x31: {  	[sflag:s26] =	ssyncset.done $0x0  }
0x32: {  	s4 =	simm.s32 $0x200;
	[sflag:s26] =	ssyncadd.s32 $0xFFFFC000  }
0x33: {  	[tilespmem:s16], [sflag:$0x1] =	stream.indirect.gather [hbm4b:s3+s15], $0x80, s4, s15, $0xb8;
	[tilespmem:$0x12800] =	vst v63  }
0x34: {  	_ =	swait.ge [sflag:s28], $0x4000  }
0x35: {  	[sflag:s28] =	ssyncset.done $0x0  }
0x36: {  	s18 =	simm.s32 $0x280;
	[sflag:s28] =	ssyncadd.s32 $0xFFFFC000  }
0x37: {  	[tilespmem:s17], [sflag:$0x2] =	stream.indirect.gather [hbm4b:s3+s15], $0x80, s18, s15, $0xb8;
	[tilespmem:$0x12800] =	vst v63  }
0x38: {  	_ =	swait.ge [sflag:s29], $0x4000  }
0x39: {  	[sflag:s29] =	ssyncset.done $0x0  }
0x3a: {  	s20 =	simm.s32 $0x300;
	[sflag:s29] =	ssyncadd.s32 $0xFFFFC000  }
0x3b: {  	[tilespmem:s19], [sflag:$0x3] =	stream.indirect.gather [hbm4b:s3+s15], $0x80, s20, s15, $0xb8;
	[tilespmem:$0x12800] =	vst v63  }
0x3c: {  	_ =	swait.ge [sflag:s30], $0x4000  }
0x3d: {  	s0 =	simm.s32 $0x2000;
	[sflag:s30] =	ssyncset.done $0x0  }
0x3e: {  	s1 =	simm.s32 $0x380;
	s18 =	simm.s32 $0x580;
	[sflag:s30] =	ssyncadd.s32 $0xFFFFC000  }
.LBB2_2:
0x3f: {  	[tilespmem:s21], [sflag:$0x4] =	stream.indirect.gather [hbm4b:s3+s15], $0x80, s1, s15, $0xb8;
	[tilespmem:$0x12800] =	vst v63  }
0x40: {  	s20 =	smov.u32 s0;
	s1 =	smov.u32 s18  }
0x41: {  	p0 =	sne.s32 s0, $0x24000;
	s0 =	sadd.s32 $0x2000, s0;
	_ =	swait.ge [sflag:s22], $0x4000  }
0x42: {  	[sflag:s22] =	ssyncset.done $0x0  }
0x43: {  	s4 =	sadd.s32 s20, s10;
	[sflag:s22] =	ssyncadd.s32 $0xFFFFC000  }
0x44: {  	[hbm4b:s4+s2] =	stream.linear.scatter [tilespmem:s16], [sflag:$0x5], $0x4000, $0x38;
	[tilespmem:$0x12800] =	vst v63  }
0x45: {  	_ =	swait.ge [sflag:s23], $0x4000  }
0x46: {  	[sflag:s23] =	ssyncset.done $0x0  }
0x47: {  	s4 =	sadd.s32 s20, s13;
	[sflag:s23] =	ssyncadd.s32 $0xFFFFC000  }
0x48: {  	[hbm4b:s4+s2] =	stream.linear.scatter [tilespmem:s17], [sflag:$0x6], $0x4000, $0x38;
	[tilespmem:$0x12800] =	vst v63  }
0x49: {  	_ =	swait.ge [sflag:s24], $0x4000  }
0x4a: {  	[sflag:s24] =	ssyncset.done $0x0  }
0x4b: {  	s4 =	sadd.s32 s20, s12;
	[sflag:s24] =	ssyncadd.s32 $0xFFFFC000  }
0x4c: {  	[hbm4b:s4+s2] =	stream.linear.scatter [tilespmem:s19], [sflag:$0x7], $0x4000, $0x38;
	[tilespmem:$0x12800] =	vst v63  }
0x4d: {  	_ =	swait.ge [sflag:s25], $0x4000  }
0x4e: {  	[sflag:s25] =	ssyncset.done $0x0  }
0x4f: {  	s4 =	sadd.s32 s20, s11;
	[sflag:s25] =	ssyncadd.s32 $0xFFFFC000  }
0x50: {  	[hbm4b:s4+s2] =	stream.linear.scatter [tilespmem:s21], [sflag:$0x8], $0x4000, $0x38;
	[tilespmem:$0x12800] =	vst v63  }
0x51: {  	_ =	swait.ge [sflag:s26], $0x4000  }
0x52: {  	[sflag:s26] =	ssyncset.done $0x0  }
0x53: {  	s4 =	sadd.s32 $0xFFFFFE80, s18;
	[sflag:s26] =	ssyncadd.s32 $0xFFFFC000  }
0x54: {  	[tilespmem:s16], [sflag:$0x1] =	stream.indirect.gather [hbm4b:s3+s15], $0x80, s4, s15, $0xb8;
	[tilespmem:$0x12800] =	vst v63  }
0x55: {  	_ =	swait.ge [sflag:s28], $0x4000  }
0x56: {  	[sflag:s28] =	ssyncset.done $0x0  }
0x57: {  	s4 =	sadd.s32 $0xFFFFFF00, s18;
	[sflag:s28] =	ssyncadd.s32 $0xFFFFC000  }
0x58: {  	[tilespmem:s17], [sflag:$0x2] =	stream.indirect.gather [hbm4b:s3+s15], $0x80, s4, s15, $0xb8;
	[tilespmem:$0x12800] =	vst v63  }
0x59: {  	_ =	swait.ge [sflag:s29], $0x4000  }
0x5a: {  	[sflag:s29] =	ssyncset.done $0x0  }
.Ltmp0:
0x5b: {  	s4 =	sadd.s32 $0xFFFFFF80, s18;
	[sflag:s29] =	ssyncadd.s32 $0xFFFFC000;
	(pc) =	sbr.rel @p0 .LBB2_2-.Ltmp0, $4  }
0x5c: {  	[tilespmem:s19], [sflag:$0x3] =	stream.indirect.gather [hbm4b:s3+s15], $0x80, s4, s15, $0xb8;
	[tilespmem:$0x12800] =	vst v63  }
0x5d: {  	_ =	swait.ge [sflag:s30], $0x4000  }
0x5e: {  	[sflag:s30] =	ssyncset.done $0x0  }
0x5f: {  	s18 =	sadd.s32 $0x200, s18;
	[sflag:s30] =	ssyncadd.s32 $0xFFFFC000  }
0x60: {  	[tilespmem:s21], [sflag:$0x4] =	stream.indirect.gather [hbm4b:s3+s15], $0x80, s1, s15, $0xb8;
	[tilespmem:$0x12800] =	vst v63  }
0x61: {  	_ =	swait.ge [sflag:s22], $0x4000  }
0x62: {  	[sflag:s22] =	ssyncset.done $0x0  }
0x63: {  	[sflag:s22] =	ssyncadd.s32 $0xFFFFC000  }
0x64: {  	[hbm4b:s6+s2] =	stream.linear.scatter [tilespmem:s16], [sflag:$0x5], $0x4000, $0x38;
	[tilespmem:$0x12800] =	vst v63  }
0x65: {  	_ =	swait.ge [sflag:s23], $0x4000  }
0x66: {  	[sflag:s23] =	ssyncset.done $0x0  }
0x67: {  	[sflag:s23] =	ssyncadd.s32 $0xFFFFC000  }
0x68: {  	[hbm4b:s7+s2] =	stream.linear.scatter [tilespmem:s17], [sflag:$0x6], $0x4000, $0x38;
	[tilespmem:$0x12800] =	vst v63  }
0x69: {  	_ =	swait.ge [sflag:s24], $0x4000  }
0x6a: {  	[sflag:s24] =	ssyncset.done $0x0  }
0x6b: {  	[sflag:s24] =	ssyncadd.s32 $0xFFFFC000  }
0x6c: {  	[hbm4b:s8+s2] =	stream.linear.scatter [tilespmem:s19], [sflag:$0x7], $0x4000, $0x38;
	[tilespmem:$0x12800] =	vst v63  }
0x6d: {  	_ =	swait.ge [sflag:s25], $0x4000  }
0x6e: {  	[sflag:s25] =	ssyncset.done $0x0  }
0x6f: {  	[sflag:s25] =	ssyncadd.s32 $0xFFFFC000  }
0x70: {  	[hbm4b:s9+s2] =	stream.linear.scatter [tilespmem:s21], [sflag:$0x8], $0x4000, $0x38;
	[tilespmem:$0x12800] =	vst v63  }
0x71: {  	_ =	swait.ge [sflag:s26], $0x4000  }
0x72: {  	[sflag:s26] =	ssyncset.done $0x0  }
0x73: {  	[sflag:s26] =	ssyncadd.s32 $0xFFFFC000  }
0x74: {  	_ =	swait.ge [sflag:s28], $0x4000  }
0x75: {  	[sflag:s28] =	ssyncset.done $0x0  }
0x76: {  	s31 =	sadd.s32 $0x1, s31;
	[sflag:s28] =	ssyncadd.s32 $0xFFFFC000  }
0x77: {  	p0 =	sne.s32 s31, s5;
	_ =	swait.ge [sflag:s29], $0x4000  }
.Ltmp1:
0x78: {  	[sflag:s29] =	ssyncset.done $0x0;
	(pc) =	sbr.rel @p0 .LBB2_1-.Ltmp1, $4  }
0x79: {  	[sflag:s29] =	ssyncadd.s32 $0xFFFFC000  }
0x7a: {  	_ =	swait.ge [sflag:s30], $0x4000  }
0x7b: {  	[sflag:s30] =	ssyncset.done $0x0  }
0x7c: {  	[sflag:s30] =	ssyncadd.s32 $0xFFFFC000  }
0x7d: {  	_ =	sfence.sel $0x180000  }
0x7e: {  	[bflag:$0x0] =	sbarrier.arrive $0xFFFF  }
0x7f: {  	_ =	strace $0x90000047  }
0x80: {  	s0 =	stileid.u32;
	[bflag:$0x2] =	sbarrier.arrive $0xFFFF  }
0x81: {  	p0 =	sne.s32 s0, $0x0;
	s0 =	rddreg [dreg:$0x1]  }
0x82: {  	s0 =	sadd.s32 @!p0 $0x100000, s0  }
0x83: {  	[sflag:s0] =	ssyncadd.tile.s32 @!p0 $0x1;
	_ =	shalt  }
.Lfunc_end2:
_tile_overlayer_lowered:
.L_overlay_start_2:
0x84: {  	(tag) =	ssettag $0x2  }
0x85: {  	s0 =	rddreg [dreg:$0x0];
	s2 =	stileid.u32  }
0x86: {  	s1 =	rddreg [dreg:$0x1];
	p0 =	sne.s32 s2, $0x0  }
0x87: {  	s3 =	rddreg [dreg:$0x2];
	[bflag:$0x3] =	sbarrier.arrive $0xFFFF;
	s2 =	simm.s32 @!p0 $0x1C09  }
0x88: {  	[timem:s3], [sflag:s2] =	dma.local @!p0 [hbm:s0], s1  }
0x89: {  	s0 =	simm.s32 @!p0 $0x9  }
0x8a: {  	_ =	swait.ge @!p0 [sflag:s0], s1  }
0x8b: {  	s1 =	ssub.s32 @!p0 $0x0, s1;
	[sflag:s0] =	ssyncset.done @!p0 $0x0  }
0x8c: {  	[sflag:s0] =	ssyncadd.s32 @!p0 s1  }
0x8d: {  	[bflag:$0x3] =	sbarrier.arrive $0xFFFF  }
0x8e: {  	_ =	shalt  }

// kernel: kernel.18.cloned.1.call-start
scs
__scs_entry_jumppad:
0x0: {  	(pc) =	sbr.rel $0x88, $3  }
0x1: {  	(tag) =	ssettag $0x0;
	lr =	simm.s32 $0x1  }
0x2: {  	[smem:$0x3F91] =	sst lr;
	_ =	strace $0xD0000000  }
0x3: {  	_ = 	snop  }
0x4: {  	_ = 	snop  }
0x5: {  	_ = 	snop  }
0x6: {  	_ = 	snop  }
0x7: {  	_ = 	snop  }
__scs_overlays_trampoline_lowered:
0x8: {  	[smem:$0x3FA0] =	sst s0  }
0x9: {  	[smem:$0x3FA1] =	sst s1  }
0xa: {  	[smem:$0x3FA2] =	sst s2  }
0xb: {  	[smem:$0x3FA3] =	sst s3  }
0xc: {  	[smem:$0x3FA4] =	sst s4  }
0xd: {  	[smem:$0x3FA5] =	sst s5  }
0xe: {  	[smem:$0x3FA6] =	sst s6  }
0xf: {  	[smem:$0x3FA7] =	sst s7  }
0x10: {  	[smem:$0x3FA8] =	sst s8  }
0x11: {  	[smem:$0x3FA9] =	sst s9;
	s0 =	simm.s32 @!p0 $0x0  }
0x12: {  	s1 =	sld [smem:$0x3F8F];
	s0 =	simm.s32 @p0 $0x1  }
0x13: {  	[smem:$0x3FAA] =	sst s0;
	s0 =	simm.s32 @!p1 $0x0  }
0x14: {  	s2 =	sld [smem:$0x3F8E];
	s0 =	simm.s32 @p1 $0x1  }
0x15: {  	[smem:$0x3FAB] =	sst s0;
	s0 =	simm.s32 @!p2 $0x0  }
0x16: {  	s3 =	sld [smem:$0x3FDB];
	s0 =	simm.s32 @p2 $0x1  }
0x17: {  	s4 =	simm.s32 $0x1BF5;
	[smem:$0x3FAD] =	sst s0  }
0x18: {  	s0 =	sld [smem:$0x3F90];
	_ =	swait.ge [sflag:s4], $0x0  }
0x19: {  	s7 =	sld [smem:$0x3F91]  }
0x1a: {  	s8 =	sadd.s32 $0xFFFFE003, lr  }
0x1b: {  	s9 =	sadd.s32 $0xFFFFFEF7, lr;
	s5 =	simm.s32 $0xFFFFFFFF;
	p2 =	slt.u32 s8, $0xFFFFF086  }
0x1c: {  	p1 =	slt.u32 s9, $0xF7A;
	s5 =	simm.s32 @!p2 $0x0  }
0x1d: {  	s5 =	simm.s32 @p1 $0x1;
	p0 =	seq.s32 s7, s2  }
0x1e: {  	s7 =	smul.u32 @!p0 $0xF7A, s2;
	p2 =	seq.s32 @!p0 s5, $0x0  }
0x1f: {  	s9 =	smul.u32 $0xF7A, s1;
	s8 =	simm.s32 @!p0 $0x1BF5;
	p2 =	por !p2, p0  }
0x20: {  	[sflag:s8] =	ssyncset.s32 @!p0 $0xFFFFF086;
	s6 =	sadd.s32 @!p0 s3, s7;
	s7 =	simm.s32 @!p0 $0x108  }
0x21: {  	s3 =	sadd.s32 s3, s9;
	s6 =	sadd.s32 @!p0 $0x88, s6;
	s7 =	simm.s32 @p2 $0x1082  }
0x22: {  	[simem:s7], [sflag:s8] =	dma.local @!p0 [hbm:s6], $0xF7A  }
0x23: {  	s9 =	sor.u32 $0xD0000000, s2;
	s6 =	simm.s32 $0x108;
	_ =	swait.ge @!p0 [sflag:s8], $0x0  }
0x24: {  	s3 =	sadd.s32 $0x88, s3;
	s6 =	simm.s32 @!p1 $0x1082;
	[sflag:s4] =	ssyncset.s32 $0xFFFFF086  }
0x25: {  	[simem:s6], [sflag:s4] =	dma.local [hbm:s3], $0xF7A  }
0x26: {  	[smem:$0x3F91] =	sst s1;
	(tag) =	ssettag s2;
	_ =	strace s9  }
0x27: {  	s1 =	sld [smem:$0x3FA1]  }
0x28: {  	s2 =	sld [smem:$0x3FA2]  }
0x29: {  	s4 =	sld [smem:$0x3FA4]  }
0x2a: {  	p0 =	seq.s32 s5, $0x0;
	s5 =	sld [smem:$0x3FA5]  }
0x2b: {  	s6 =	sld [smem:$0x3FA6]  }
0x2c: {  	s7 =	sld [smem:$0x3FA7]  }
0x2d: {  	s3 =	simm.s32 $0x108;
	s8 =	sld [smem:$0x3FA8]  }
0x2e: {  	s3 =	simm.s32 @!p0 $0x1082;
	s9 =	sld [smem:$0x3FA9]  }
0x2f: {  	lr =	sadd.s32 s0, s3;
	s0 =	sld [smem:$0x3FA0]  }
0x30: {  	s3 =	sld [smem:$0x3FA3]  }
0x31: {  	[smem:$0x3FAC] =	sst s10  }
0x32: {  	s10 =	sld [smem:$0x3FAA];
	_ =	sdelay $0x3  }
0x33: {  	p0 =	seq.s32 s10, $0x1;
	s10 =	sld [smem:$0x3FAC];
	_ =	sdelay $0x3  }
0x34: {  	[smem:$0x3FAC] =	sst s10  }
0x35: {  	s10 =	sld [smem:$0x3FAB];
	_ =	sdelay $0x3  }
0x36: {  	p1 =	seq.s32 s10, $0x1;
	s10 =	sld [smem:$0x3FAC];
	_ =	sdelay $0x3  }
0x37: {  	[smem:$0x3FAC] =	sst s10  }
0x38: {  	s10 =	sld [smem:$0x3FAD]  }
0x39: {  	_ = 	snop;
	(pc) =	sbr.ind lr, $3  }
0x3a: {  	_ = 	snop  }
0x3b: {  	_ = 	snop  }
0x3c: {  	p2 =	seq.s32 s10, $0x1;
	s10 =	sld [smem:$0x3FAC]  }
0x3d: {  	_ =	shalt  }
0x3e: {  	_ =	shalt  }
0x3f: {  	_ =	shalt  }
0x40: {  	_ =	shalt  }
0x41: {  	_ =	shalt  }
0x42: {  	_ =	shalt  }
0x43: {  	_ =	shalt  }
0x44: {  	_ =	shalt  }
0x45: {  	_ =	shalt  }
0x46: {  	_ =	shalt  }
0x47: {  	_ =	shalt  }
0x48: {  	_ =	shalt  }
0x49: {  	_ =	shalt  }
0x4a: {  	_ =	shalt  }
0x4b: {  	_ =	shalt  }
0x4c: {  	_ =	shalt  }
0x4d: {  	_ =	shalt  }
0x4e: {  	_ =	shalt  }
0x4f: {  	_ =	shalt  }
0x50: {  	_ =	shalt  }
0x51: {  	_ =	shalt  }
0x52: {  	_ =	shalt  }
0x53: {  	_ =	shalt  }
0x54: {  	_ =	shalt  }
0x55: {  	_ =	shalt  }
0x56: {  	_ =	shalt  }
0x57: {  	_ =	shalt  }
0x58: {  	_ =	shalt  }
0x59: {  	_ =	shalt  }
0x5a: {  	_ =	shalt  }
0x5b: {  	_ =	shalt  }
0x5c: {  	_ =	shalt  }
0x5d: {  	_ =	shalt  }
0x5e: {  	_ =	shalt  }
0x5f: {  	_ =	shalt  }
0x60: {  	_ =	shalt  }
0x61: {  	_ =	shalt  }
0x62: {  	_ =	shalt  }
0x63: {  	_ =	shalt  }
0x64: {  	_ =	shalt  }
0x65: {  	_ =	shalt  }
0x66: {  	_ =	shalt  }
0x67: {  	_ =	shalt  }
0x68: {  	_ =	shalt  }
0x69: {  	_ =	shalt  }
0x6a: {  	_ =	shalt  }
0x6b: {  	_ =	shalt  }
0x6c: {  	_ =	shalt  }
0x6d: {  	_ =	shalt  }
0x6e: {  	_ =	shalt  }
0x6f: {  	_ =	shalt  }
0x70: {  	_ =	shalt  }
0x71: {  	_ =	shalt  }
0x72: {  	_ =	shalt  }
0x73: {  	_ =	shalt  }
0x74: {  	_ =	shalt  }
0x75: {  	_ =	shalt  }
0x76: {  	_ =	shalt  }
0x77: {  	_ =	shalt  }
0x78: {  	_ =	shalt  }
0x79: {  	_ =	shalt  }
0x7a: {  	_ =	shalt  }
0x7b: {  	_ =	shalt  }
0x7c: {  	_ =	shalt  }
0x7d: {  	_ =	shalt  }
0x7e: {  	_ =	shalt  }
0x7f: {  	_ =	shalt  }
0x80: {  	_ =	shalt  }
0x81: {  	_ =	shalt  }
0x82: {  	_ =	shalt  }
0x83: {  	_ =	shalt  }
0x84: {  	_ =	shalt  }
0x85: {  	_ =	shalt  }
0x86: {  	_ =	shalt  }
0x87: {  	_ =	shalt  }
.Lfunc_end0:
.L_simem_size_0:
called_computation.2_lowered:
.L_overlay_start_0:
0x88: {  	s2 =	sld [smem:$0x3FD9]  }
0x89: {  	s3 =	sld [smem:$0x3FFE];
	_ =	sdelay $0x1  }
0x8a: {  	s1 =	srdreg.scid  }
0x8b: {  	s0 =	sand.u32 $0x1, s1  }
0x8c: {  	s16 =	sshll.u32 s0, $0xA;
	s2 =	sadd.s32 s3, s2  }
0x8d: {  	s2 =	sadd.s32 s2, s16  }
0x8e: {  	[smem:$0x3FB8] =	sst s2  }
0x8f: {  	_ = 	snop  }
0x90: {  	(tm) =	ssettm $0x1  }
0x91: {  	s17 =	sld [smem:$0x3FFB];
	_ =	sdelay $0x3  }
0x92: {  	_ =	strace s17  }
0x93: {  	s2 =	sld [smem:$0x3FFC];
	_ =	sdelay $0x3  }
0x94: {  	_ =	strace s2  }
0x95: {  	s2 =	sld [smem:$0x3FFD];
	_ =	sdelay $0x3  }
0x96: {  	_ =	strace s2  }
0x97: {  	_ =	strace $0x8FFFFFFF  }
0x98: {  	s18 =	sld [smem:$0x3FDB];
	_ =	sdelay $0x1  }
0x99: {  	s19 =	simm.s32 $_scs_section_size  }
0x9a: {  	s4 =	simm.s32 $_size__tile_overlayer_lowered;
	s5 =	simm.s32 $_tile_overlayer_lowered  }
0x9b: {  	s22 =	simm.s32 $0x1BFF;
	s21 =	sshll.u32 s5, $0x1;
	s2 =	sadd.s32 s19, s18  }
0x9c: {  	s6 =	simm.s32 $0x0;
	s20 =	sshll.u32 s4, $0x1;
	s4 =	sadd.s32 s21, s2  }
0x9d: {  	[timem:s6], [sflag:s22] =	dma.local [hbm:s4], s20  }
0x9e: {  	_ =	swait.ge [sflag:s22], s20  }
0x9f: {  	s3 =	ssub.s32 $0x0, s20;
	[sflag:s22] =	ssyncset.done $0x0  }
0xa0: {  	[sflag:s22] =	ssyncadd.s32 s3;
	_ =	sdelay $0x1  }
0xa1: {  	s23 =	simm.s32 $0x1B8B  }
0xa2: {  	_ =	swait.ge [sflag:s23], $0x1  }
0xa3: {  	[sflag:s23] =	ssyncset.done $0x0  }
0xa4: {  	s25 =	simm.s32 $0x1B8E;
	s24 =	sld [smem:$0x3FFE];
	[sflag:s23] =	ssyncadd.s32 $0xFFFFFFFF  }
0xa5: {  	s26 =	simm.s32 $execute0_lowered;
	[smem:$0x3FD2] =	sst s25  }
0xa6: {  	s4 =	sshll.u32 s26, $0x1;
	_ =	strace $0x80000049;
	[dreg:$0x1] =	wrdreg $0xFFFFFFFF  }
0xa7: {  	s28 =	simm.s32 $_size_execute0_lowered;
	s2 =	sadd.s32 s2, s4;
	[dreg:$0x0] =	wrdreg $0x0  }
0xa8: {  	s4 =	sshll.u32 s28, $0x1;
	[dreg:$0x2] =	wrdreg s2  }
0xa9: {  	[dreg:$0x3] =	wrdreg s4  }
0xaa: {  	[dreg:$0x4] =	wrdreg $0xC0  }
0xab: {  	_ =	task [dreg:s6], $0x5FFFF  }
0xac: {  	[dreg:$0x1] =	wrdreg $0xFFFFFFFF  }
0xad: {  	[dreg:$0x0] =	wrdreg $0x60  }
0xae: {  	[dreg:$0x2] =	wrdreg s24  }
0xaf: {  	[dreg:$0x3] =	wrdreg $0x9  }
0xb0: {  	_ =	task.clear_ibuf [dreg:s6], $0x4FFFF;
	_ =	strace $0x90000049  }
0xb1: {  	s29 =	simm.s32 $0x9;
	_ =	strace $0x8000004B  }
0xb2: {  	_ =	swait.ge [sflag:s29], $0x1  }
0xb3: {  	[sflag:s29] =	ssyncadd.s32 $0xFFFFFFFF  }
0xb4: {  	_ =	strace $0x9000004B  }
0xb5: {  	_ =	sfence  }
0xb6: {  	s30 =	sld [smem:$0x0];
	_ =	sdelay $0x2  }
0xb7: {  	s31 =	sshll.u32 s1, $0xD;
	s1 =	sshrl.u32 s1, $0x2  }
0xb8: {  	s3 =	sand.u32 $0x4000, s31;
	s1 =	sadd.s32 s1, s30  }
0xb9: {  	s0 =	sor.u32 s3, s0;
	s1 =	sshll.u32 s1, $0x11  }
0xba: {  	s0 =	sor.u32 s1, s0  }
0xbb: {  	s0 =	sadd.s32 $0x8F2B, s0  }
0xbc: {  	[sflag:s0] =	ssyncadd.remote.s32 $0x1  }
0xbd: {  	_ =	sfence.sel $0xFFFF  }
0xbe: {  	[dreg:$0x0] =	wrdreg $0xFFFFFFFF;
	(pc) =	sbr.abs _section_cstart, $3  }
0xbf: {  	[dreg:$0x1] =	wrdreg $0xFFFFFFFF  }
0xc0: {  	_ =	task.clear_ibuf [dreg:s6], $0x2FFFF;
	_ =	strace $0x9FFFFFFF  }
0xc1: {  	(tm) =	ssettm $0x7FFFFFFF  }
tec
execute0_lowered:
.L_overlay_start_1:
0x0: {  	(tag) =	ssettag $0x1  }
0x1: {  	s0 =	srdreg.scid;
	s10 =	stileid.u32  }
0x2: {  	s1 =	rddreg [dreg:$0x0];
	s2 =	simm.s32 $0x0;
	s14 =	simm.s32 $0x9  }
0x3: {  	s15 =	simm.s32 $0x80;
	s16 =	simm.s32 $0x2800;
	s17 =	simm.s32 $0x4800  }
0x4: {  	s19 =	simm.s32 $0x6800;
	s21 =	simm.s32 $0x8800;
	s22 =	simm.s32 $0x1  }
0x5: {  	s23 =	simm.s32 $0x2;
	s24 =	simm.s32 $0x3;
	s9 =	smul.u32 $0x140000, s10  }
0x6: {  	s0 =	sand.u32 $0x1, s0;
	s3 =	sshll.u32 s10, $0x1;
	s10 =	smul.u32 $0x5000, s10  }
0x7: {  	s28 =	simm.s32 $0x6;
	s29 =	simm.s32 $0x7;
	s11 =	smul.u32 $0x2800, s0  }
0x8: {  	s4 =	sor.u32 s0, s3;
	s7 =	ssub.s32 $0x2, s0;
	s0 =	smul.u32 $0xA0000, s0  }
0x9: {  	s30 =	simm.s32 $0x8;
	[smem:$0x7FF] =	sst s2;
	s5 =	smul.u32 $0x500, s4  }
0xa: {  	s31 =	simm.s32 $0x0;
	_ =	strace $0x8000004A;
	s6 =	smul.u32 $0xA0000, s4  }
0xb: {  	s3 =	sadd.s32 $0x3A800, s1;
	s8 =	smul.u32 $0x14000, s4;
	s25 =	sshrl.u32 s7, $0x1  }
0xc: {  	s7 =	ssub.s32 s7, s25;
	s10 =	sadd.s32 s11, s10;
	s0 =	sadd.s32 s0, s9  }
0xd: {  	s25 =	simm.s32 $0x4;
	s5 =	sadd.s32 s5, s1;
	s1 =	sadd.s32 $0x4E800, s1  }
0xe: {  	s6 =	sshrl.u32 s6, $0x3;
	s10 =	sshll.u32 s10, $0x3;
	s0 =	sshrl.u32 s0, $0x3  }
0xf: {  	s26 =	sadd.s32 $0x8800, s5;
	s5 =	smax.u32 s7, $0x1;
	s6 =	sadd.s32 s1, s6  }
0x10: {  	s12 =	sadd.s32 s1, s8;
	s13 =	sadd.s32 s10, s1;
	s10 =	sadd.s32 s0, s1  }
0x11: {  	[dreg:$0x2] =	wrdreg s26;
	s6 =	sadd.s32 $0x13000, s6;
	s7 =	sadd.s32 $0x13400, s12  }
0x12: {  	s8 =	sadd.s32 $0x13800, s12;
	s9 =	sadd.s32 $0x13C00, s12;
	s11 =	sadd.s32 $0xC00, s13  }
0x13: {  	s12 =	sadd.s32 $0x800, s13;
	s13 =	sadd.s32 $0x400, s13;
	s26 =	simm.s32 $0x5  }
.LBB2_1:
0x14: {  	s0 =	rddreg [dreg:$0x2]  }
0x15: {  	[tilespmem:s2], [sflag:$0x9] =	stream.linear.gather [hbm4b:s0+s2], $0x2800, $0x38;
	[tilespmem:$0xA800] =	vst v63  }
0x16: {  	_ =	swait.ge [sflag:s14], $0x2800  }
0x17: {  	[sflag:s14] =	ssyncset.done $0x0  }
0x18: {  	[sflag:s14] =	ssyncadd.s32 $0xFFFFD800  }
0x19: {  	[tilespmem:s16], [sflag:$0x1] =	stream.indirect.gather [hbm4b:s3+s15], $0x40, s2, s15, $0xb8;
	[tilespmem:$0xA800] =	vst v63  }
0x1a: {  	_ = 	snop  }
0x1b: {  	[tilespmem:s17], [sflag:$0x2] =	stream.indirect.gather [hbm4b:s3+s15], $0x40, s15, s15, $0xb8;
	[tilespmem:$0xA800] =	vst v63  }
0x1c: {  	s20 =	simm.s32 $0x100  }
0x1d: {  	[tilespmem:s19], [sflag:$0x3] =	stream.indirect.gather [hbm4b:s3+s15], $0x40, s20, s15, $0xb8;
	[tilespmem:$0xA800] =	vst v63  }
0x1e: {  	s1 =	simm.s32 $0x180  }
0x1f: {  	[tilespmem:s21], [sflag:$0x4] =	stream.indirect.gather [hbm4b:s3+s15], $0x40, s1, s15, $0xb8;
	[tilespmem:$0xA800] =	vst v63  }
0x20: {  	_ =	swait.ge [sflag:s22], $0x2000  }
0x21: {  	[sflag:s22] =	ssyncset.done $0x0  }
0x22: {  	s4 =	sadd.s32 $0x0, s10;
	[sflag:s22] =	ssyncadd.s32 $0xFFFFE000  }
0x23: {  	[hbm4b:s4+s2] =	stream.linear.scatter [tilespmem:s16], [sflag:$0x5], $0x2000, $0x38;
	[tilespmem:$0xA800] =	vst v63  }
0x24: {  	_ =	swait.ge [sflag:s23], $0x2000  }
0x25: {  	[sflag:s23] =	ssyncset.done $0x0  }
0x26: {  	s18 =	sadd.s32 $0x0, s13;
	[sflag:s23] =	ssyncadd.s32 $0xFFFFE000  }
0x27: {  	[hbm4b:s18+s2] =	stream.linear.scatter [tilespmem:s17], [sflag:$0x6], $0x2000, $0x38;
	[tilespmem:$0xA800] =	vst v63  }
0x28: {  	_ =	swait.ge [sflag:s24], $0x2000  }
0x29: {  	[sflag:s24] =	ssyncset.done $0x0  }
0x2a: {  	s20 =	sadd.s32 $0x0, s12;
	[sflag:s24] =	ssyncadd.s32 $0xFFFFE000  }
0x2b: {  	[hbm4b:s20+s2] =	stream.linear.scatter [tilespmem:s19], [sflag:$0x7], $0x2000, $0x38;
	[tilespmem:$0xA800] =	vst v63  }
0x2c: {  	_ =	swait.ge [sflag:s25], $0x2000  }
0x2d: {  	[sflag:s25] =	ssyncset.done $0x0  }
0x2e: {  	s1 =	sadd.s32 $0x0, s11;
	[sflag:s25] =	ssyncadd.s32 $0xFFFFE000  }
0x2f: {  	[hbm4b:s1+s2] =	stream.linear.scatter [tilespmem:s21], [sflag:$0x8], $0x2000, $0x38;
	[tilespmem:$0xA800] =	vst v63  }
0x30: {  	_ =	swait.ge [sflag:s26], $0x2000  }
0x31: {  	[sflag:s26] =	ssyncset.done $0x0  }
0x32: {  	s4 =	simm.s32 $0x200;
	[sflag:s26] =	ssyncadd.s32 $0xFFFFE000  }
0x33: {  	[tilespmem:s16], [sflag:$0x1] =	stream.indirect.gather [hbm4b:s3+s15], $0x40, s4, s15, $0xb8;
	[tilespmem:$0xA800] =	vst v63  }
0x34: {  	_ =	swait.ge [sflag:s28], $0x2000  }
0x35: {  	[sflag:s28] =	ssyncset.done $0x0  }
0x36: {  	s18 =	simm.s32 $0x280;
	[sflag:s28] =	ssyncadd.s32 $0xFFFFE000  }
0x37: {  	[tilespmem:s17], [sflag:$0x2] =	stream.indirect.gather [hbm4b:s3+s15], $0x40, s18, s15, $0xb8;
	[tilespmem:$0xA800] =	vst v63  }
0x38: {  	_ =	swait.ge [sflag:s29], $0x2000  }
0x39: {  	[sflag:s29] =	ssyncset.done $0x0  }
0x3a: {  	s20 =	simm.s32 $0x300;
	[sflag:s29] =	ssyncadd.s32 $0xFFFFE000  }
0x3b: {  	[tilespmem:s19], [sflag:$0x3] =	stream.indirect.gather [hbm4b:s3+s15], $0x40, s20, s15, $0xb8;
	[tilespmem:$0xA800] =	vst v63  }
0x3c: {  	_ =	swait.ge [sflag:s30], $0x2000  }
0x3d: {  	s0 =	simm.s32 $0x1000;
	[sflag:s30] =	ssyncset.done $0x0  }
0x3e: {  	s1 =	simm.s32 $0x380;
	s18 =	simm.s32 $0x580;
	[sflag:s30] =	ssyncadd.s32 $0xFFFFE000  }
.LBB2_2:
0x3f: {  	[tilespmem:s21], [sflag:$0x4] =	stream.indirect.gather [hbm4b:s3+s15], $0x40, s1, s15, $0xb8;
	[tilespmem:$0xA800] =	vst v63  }
0x40: {  	s20 =	smov.u32 s0;
	s1 =	smov.u32 s18  }
0x41: {  	p0 =	sne.s32 s0, $0x12000;
	s0 =	sadd.s32 $0x1000, s0;
	_ =	swait.ge [sflag:s22], $0x2000  }
0x42: {  	[sflag:s22] =	ssyncset.done $0x0  }
0x43: {  	s4 =	sadd.s32 s20, s10;
	[sflag:s22] =	ssyncadd.s32 $0xFFFFE000  }
0x44: {  	[hbm4b:s4+s2] =	stream.linear.scatter [tilespmem:s16], [sflag:$0x5], $0x2000, $0x38;
	[tilespmem:$0xA800] =	vst v63  }
0x45: {  	_ =	swait.ge [sflag:s23], $0x2000  }
0x46: {  	[sflag:s23] =	ssyncset.done $0x0  }
0x47: {  	s4 =	sadd.s32 s20, s13;
	[sflag:s23] =	ssyncadd.s32 $0xFFFFE000  }
0x48: {  	[hbm4b:s4+s2] =	stream.linear.scatter [tilespmem:s17], [sflag:$0x6], $0x2000, $0x38;
	[tilespmem:$0xA800] =	vst v63  }
0x49: {  	_ =	swait.ge [sflag:s24], $0x2000  }
0x4a: {  	[sflag:s24] =	ssyncset.done $0x0  }
0x4b: {  	s4 =	sadd.s32 s20, s12;
	[sflag:s24] =	ssyncadd.s32 $0xFFFFE000  }
0x4c: {  	[hbm4b:s4+s2] =	stream.linear.scatter [tilespmem:s19], [sflag:$0x7], $0x2000, $0x38;
	[tilespmem:$0xA800] =	vst v63  }
0x4d: {  	_ =	swait.ge [sflag:s25], $0x2000  }
0x4e: {  	[sflag:s25] =	ssyncset.done $0x0  }
0x4f: {  	s4 =	sadd.s32 s20, s11;
	[sflag:s25] =	ssyncadd.s32 $0xFFFFE000  }
0x50: {  	[hbm4b:s4+s2] =	stream.linear.scatter [tilespmem:s21], [sflag:$0x8], $0x2000, $0x38;
	[tilespmem:$0xA800] =	vst v63  }
0x51: {  	_ =	swait.ge [sflag:s26], $0x2000  }
0x52: {  	[sflag:s26] =	ssyncset.done $0x0  }
0x53: {  	s4 =	sadd.s32 $0xFFFFFE80, s18;
	[sflag:s26] =	ssyncadd.s32 $0xFFFFE000  }
0x54: {  	[tilespmem:s16], [sflag:$0x1] =	stream.indirect.gather [hbm4b:s3+s15], $0x40, s4, s15, $0xb8;
	[tilespmem:$0xA800] =	vst v63  }
0x55: {  	_ =	swait.ge [sflag:s28], $0x2000  }
0x56: {  	[sflag:s28] =	ssyncset.done $0x0  }
0x57: {  	s4 =	sadd.s32 $0xFFFFFF00, s18;
	[sflag:s28] =	ssyncadd.s32 $0xFFFFE000  }
0x58: {  	[tilespmem:s17], [sflag:$0x2] =	stream.indirect.gather [hbm4b:s3+s15], $0x40, s4, s15, $0xb8;
	[tilespmem:$0xA800] =	vst v63  }
0x59: {  	_ =	swait.ge [sflag:s29], $0x2000  }
0x5a: {  	[sflag:s29] =	ssyncset.done $0x0  }
.Ltmp0:
0x5b: {  	s4 =	sadd.s32 $0xFFFFFF80, s18;
	[sflag:s29] =	ssyncadd.s32 $0xFFFFE000;
	(pc) =	sbr.rel @p0 .LBB2_2-.Ltmp0, $4  }
0x5c: {  	[tilespmem:s19], [sflag:$0x3] =	stream.indirect.gather [hbm4b:s3+s15], $0x40, s4, s15, $0xb8;
	[tilespmem:$0xA800] =	vst v63  }
0x5d: {  	_ =	swait.ge [sflag:s30], $0x2000  }
0x5e: {  	[sflag:s30] =	ssyncset.done $0x0  }
0x5f: {  	s18 =	sadd.s32 $0x200, s18;
	[sflag:s30] =	ssyncadd.s32 $0xFFFFE000  }
0x60: {  	[tilespmem:s21], [sflag:$0x4] =	stream.indirect.gather [hbm4b:s3+s15], $0x40, s1, s15, $0xb8;
	[tilespmem:$0xA800] =	vst v63  }
0x61: {  	_ =	swait.ge [sflag:s22], $0x2000  }
0x62: {  	[sflag:s22] =	ssyncset.done $0x0  }
0x63: {  	[sflag:s22] =	ssyncadd.s32 $0xFFFFE000  }
0x64: {  	[hbm4b:s6+s2] =	stream.linear.scatter [tilespmem:s16], [sflag:$0x5], $0x2000, $0x38;
	[tilespmem:$0xA800] =	vst v63  }
0x65: {  	_ =	swait.ge [sflag:s23], $0x2000  }
0x66: {  	[sflag:s23] =	ssyncset.done $0x0  }
0x67: {  	[sflag:s23] =	ssyncadd.s32 $0xFFFFE000  }
0x68: {  	[hbm4b:s7+s2] =	stream.linear.scatter [tilespmem:s17], [sflag:$0x6], $0x2000, $0x38;
	[tilespmem:$0xA800] =	vst v63  }
0x69: {  	_ =	swait.ge [sflag:s24], $0x2000  }
0x6a: {  	[sflag:s24] =	ssyncset.done $0x0  }
0x6b: {  	[sflag:s24] =	ssyncadd.s32 $0xFFFFE000  }
0x6c: {  	[hbm4b:s8+s2] =	stream.linear.scatter [tilespmem:s19], [sflag:$0x7], $0x2000, $0x38;
	[tilespmem:$0xA800] =	vst v63  }
0x6d: {  	_ =	swait.ge [sflag:s25], $0x2000  }
0x6e: {  	[sflag:s25] =	ssyncset.done $0x0  }
0x6f: {  	[sflag:s25] =	ssyncadd.s32 $0xFFFFE000  }
0x70: {  	[hbm4b:s9+s2] =	stream.linear.scatter [tilespmem:s21], [sflag:$0x8], $0x2000, $0x38;
	[tilespmem:$0xA800] =	vst v63  }
0x71: {  	_ =	swait.ge [sflag:s26], $0x2000  }
0x72: {  	[sflag:s26] =	ssyncset.done $0x0  }
0x73: {  	[sflag:s26] =	ssyncadd.s32 $0xFFFFE000  }
0x74: {  	_ =	swait.ge [sflag:s28], $0x2000  }
0x75: {  	[sflag:s28] =	ssyncset.done $0x0  }
0x76: {  	s31 =	sadd.s32 $0x1, s31;
	[sflag:s28] =	ssyncadd.s32 $0xFFFFE000  }
0x77: {  	p0 =	sne.s32 s31, s5;
	_ =	swait.ge [sflag:s29], $0x2000  }
.Ltmp1:
0x78: {  	[sflag:s29] =	ssyncset.done $0x0;
	(pc) =	sbr.rel @p0 .LBB2_1-.Ltmp1, $4  }
0x79: {  	[sflag:s29] =	ssyncadd.s32 $0xFFFFE000  }
0x7a: {  	_ =	swait.ge [sflag:s30], $0x2000  }
0x7b: {  	[sflag:s30] =	ssyncset.done $0x0  }
0x7c: {  	[sflag:s30] =	ssyncadd.s32 $0xFFFFE000  }
0x7d: {  	_ =	sfence.sel $0x180000  }
0x7e: {  	[bflag:$0x0] =	sbarrier.arrive $0xFFFF  }
0x7f: {  	_ =	strace $0x9000004A  }
0x80: {  	s0 =	stileid.u32;
	[bflag:$0x2] =	sbarrier.arrive $0xFFFF  }
0x81: {  	p0 =	sne.s32 s0, $0x0;
	s0 =	rddreg [dreg:$0x1]  }
0x82: {  	s0 =	sadd.s32 @!p0 $0x100000, s0  }
0x83: {  	[sflag:s0] =	ssyncadd.tile.s32 @!p0 $0x1;
	_ =	shalt  }
.Lfunc_end2:
_tile_overlayer_lowered:
.L_overlay_start_2:
0x84: {  	(tag) =	ssettag $0x2  }
0x85: {  	s0 =	rddreg [dreg:$0x0];
	s2 =	stileid.u32  }
0x86: {  	s1 =	rddreg [dreg:$0x1];
	p0 =	sne.s32 s2, $0x0  }
0x87: {  	s3 =	rddreg [dreg:$0x2];
	[bflag:$0x3] =	sbarrier.arrive $0xFFFF;
	s2 =	simm.s32 @!p0 $0x1C09  }
0x88: {  	[timem:s3], [sflag:s2] =	dma.local @!p0 [hbm:s0], s1  }
0x89: {  	s0 =	simm.s32 @!p0 $0x9  }
0x8a: {  	_ =	swait.ge @!p0 [sflag:s0], s1  }
0x8b: {  	s1 =	ssub.s32 @!p0 $0x0, s1;
	[sflag:s0] =	ssyncset.done @!p0 $0x0  }
0x8c: {  	[sflag:s0] =	ssyncadd.s32 @!p0 s1  }
0x8d: {  	[bflag:$0x3] =	sbarrier.arrive $0xFFFF  }
0x8e: {  	_ =	shalt  }

// kernel: kernel.21.cloned.1.call-start
scs
__scs_entry_jumppad:
0x0: {  	(pc) =	sbr.rel $0x88, $3  }
0x1: {  	(tag) =	ssettag $0x0;
	lr =	simm.s32 $0x1  }
0x2: {  	[smem:$0x3F91] =	sst lr;
	_ =	strace $0xD0000000  }
0x3: {  	_ = 	snop  }
0x4: {  	_ = 	snop  }
0x5: {  	_ = 	snop  }
0x6: {  	_ = 	snop  }
0x7: {  	_ = 	snop  }
__scs_overlays_trampoline_lowered:
0x8: {  	[smem:$0x3FA0] =	sst s0  }
0x9: {  	[smem:$0x3FA1] =	sst s1  }
0xa: {  	[smem:$0x3FA2] =	sst s2  }
0xb: {  	[smem:$0x3FA3] =	sst s3  }
0xc: {  	[smem:$0x3FA4] =	sst s4  }
0xd: {  	[smem:$0x3FA5] =	sst s5  }
0xe: {  	[smem:$0x3FA6] =	sst s6  }
0xf: {  	[smem:$0x3FA7] =	sst s7  }
0x10: {  	[smem:$0x3FA8] =	sst s8  }
0x11: {  	[smem:$0x3FA9] =	sst s9;
	s0 =	simm.s32 @!p0 $0x0  }
0x12: {  	s1 =	sld [smem:$0x3F8F];
	s0 =	simm.s32 @p0 $0x1  }
0x13: {  	[smem:$0x3FAA] =	sst s0;
	s0 =	simm.s32 @!p1 $0x0  }
0x14: {  	s2 =	sld [smem:$0x3F8E];
	s0 =	simm.s32 @p1 $0x1  }
0x15: {  	[smem:$0x3FAB] =	sst s0;
	s0 =	simm.s32 @!p2 $0x0  }
0x16: {  	s3 =	sld [smem:$0x3FDB];
	s0 =	simm.s32 @p2 $0x1  }
0x17: {  	s4 =	simm.s32 $0x1BF5;
	[smem:$0x3FAD] =	sst s0  }
0x18: {  	s0 =	sld [smem:$0x3F90];
	_ =	swait.ge [sflag:s4], $0x0  }
0x19: {  	s7 =	sld [smem:$0x3F91]  }
0x1a: {  	s8 =	sadd.s32 $0xFFFFE003, lr  }
0x1b: {  	s9 =	sadd.s32 $0xFFFFFEF7, lr;
	s5 =	simm.s32 $0xFFFFFFFF;
	p2 =	slt.u32 s8, $0xFFFFF086  }
0x1c: {  	p1 =	slt.u32 s9, $0xF7A;
	s5 =	simm.s32 @!p2 $0x0  }
0x1d: {  	s5 =	simm.s32 @p1 $0x1;
	p0 =	seq.s32 s7, s2  }
0x1e: {  	s7 =	smul.u32 @!p0 $0xF7A, s2;
	p2 =	seq.s32 @!p0 s5, $0x0  }
0x1f: {  	s9 =	smul.u32 $0xF7A, s1;
	s8 =	simm.s32 @!p0 $0x1BF5;
	p2 =	por !p2, p0  }
0x20: {  	[sflag:s8] =	ssyncset.s32 @!p0 $0xFFFFF086;
	s6 =	sadd.s32 @!p0 s3, s7;
	s7 =	simm.s32 @!p0 $0x108  }
0x21: {  	s3 =	sadd.s32 s3, s9;
	s6 =	sadd.s32 @!p0 $0x88, s6;
	s7 =	simm.s32 @p2 $0x1082  }
0x22: {  	[simem:s7], [sflag:s8] =	dma.local @!p0 [hbm:s6], $0xF7A  }
0x23: {  	s9 =	sor.u32 $0xD0000000, s2;
	s6 =	simm.s32 $0x108;
	_ =	swait.ge @!p0 [sflag:s8], $0x0  }
0x24: {  	s3 =	sadd.s32 $0x88, s3;
	s6 =	simm.s32 @!p1 $0x1082;
	[sflag:s4] =	ssyncset.s32 $0xFFFFF086  }
0x25: {  	[simem:s6], [sflag:s4] =	dma.local [hbm:s3], $0xF7A  }
0x26: {  	[smem:$0x3F91] =	sst s1;
	(tag) =	ssettag s2;
	_ =	strace s9  }
0x27: {  	s1 =	sld [smem:$0x3FA1]  }
0x28: {  	s2 =	sld [smem:$0x3FA2]  }
0x29: {  	s4 =	sld [smem:$0x3FA4]  }
0x2a: {  	p0 =	seq.s32 s5, $0x0;
	s5 =	sld [smem:$0x3FA5]  }
0x2b: {  	s6 =	sld [smem:$0x3FA6]  }
0x2c: {  	s7 =	sld [smem:$0x3FA7]  }
0x2d: {  	s3 =	simm.s32 $0x108;
	s8 =	sld [smem:$0x3FA8]  }
0x2e: {  	s3 =	simm.s32 @!p0 $0x1082;
	s9 =	sld [smem:$0x3FA9]  }
0x2f: {  	lr =	sadd.s32 s0, s3;
	s0 =	sld [smem:$0x3FA0]  }
0x30: {  	s3 =	sld [smem:$0x3FA3]  }
0x31: {  	[smem:$0x3FAC] =	sst s10  }
0x32: {  	s10 =	sld [smem:$0x3FAA];
	_ =	sdelay $0x3  }
0x33: {  	p0 =	seq.s32 s10, $0x1;
	s10 =	sld [smem:$0x3FAC];
	_ =	sdelay $0x3  }
0x34: {  	[smem:$0x3FAC] =	sst s10  }
0x35: {  	s10 =	sld [smem:$0x3FAB];
	_ =	sdelay $0x3  }
0x36: {  	p1 =	seq.s32 s10, $0x1;
	s10 =	sld [smem:$0x3FAC];
	_ =	sdelay $0x3  }
0x37: {  	[smem:$0x3FAC] =	sst s10  }
0x38: {  	s10 =	sld [smem:$0x3FAD]  }
0x39: {  	_ = 	snop;
	(pc) =	sbr.ind lr, $3  }
0x3a: {  	_ = 	snop  }
0x3b: {  	_ = 	snop  }
0x3c: {  	p2 =	seq.s32 s10, $0x1;
	s10 =	sld [smem:$0x3FAC]  }
0x3d: {  	_ =	shalt  }
0x3e: {  	_ =	shalt  }
0x3f: {  	_ =	shalt  }
0x40: {  	_ =	shalt  }
0x41: {  	_ =	shalt  }
0x42: {  	_ =	shalt  }
0x43: {  	_ =	shalt  }
0x44: {  	_ =	shalt  }
0x45: {  	_ =	shalt  }
0x46: {  	_ =	shalt  }
0x47: {  	_ =	shalt  }
0x48: {  	_ =	shalt  }
0x49: {  	_ =	shalt  }
0x4a: {  	_ =	shalt  }
0x4b: {  	_ =	shalt  }
0x4c: {  	_ =	shalt  }
0x4d: {  	_ =	shalt  }
0x4e: {  	_ =	shalt  }
0x4f: {  	_ =	shalt  }
0x50: {  	_ =	shalt  }
0x51: {  	_ =	shalt  }
0x52: {  	_ =	shalt  }
0x53: {  	_ =	shalt  }
0x54: {  	_ =	shalt  }
0x55: {  	_ =	shalt  }
0x56: {  	_ =	shalt  }
0x57: {  	_ =	shalt  }
0x58: {  	_ =	shalt  }
0x59: {  	_ =	shalt  }
0x5a: {  	_ =	shalt  }
0x5b: {  	_ =	shalt  }
0x5c: {  	_ =	shalt  }
0x5d: {  	_ =	shalt  }
0x5e: {  	_ =	shalt  }
0x5f: {  	_ =	shalt  }
0x60: {  	_ =	shalt  }
0x61: {  	_ =	shalt  }
0x62: {  	_ =	shalt  }
0x63: {  	_ =	shalt  }
0x64: {  	_ =	shalt  }
0x65: {  	_ =	shalt  }
0x66: {  	_ =	shalt  }
0x67: {  	_ =	shalt  }
0x68: {  	_ =	shalt  }
0x69: {  	_ =	shalt  }
0x6a: {  	_ =	shalt  }
0x6b: {  	_ =	shalt  }
0x6c: {  	_ =	shalt  }
0x6d: {  	_ =	shalt  }
0x6e: {  	_ =	shalt  }
0x6f: {  	_ =	shalt  }
0x70: {  	_ =	shalt  }
0x71: {  	_ =	shalt  }
0x72: {  	_ =	shalt  }
0x73: {  	_ =	shalt  }
0x74: {  	_ =	shalt  }
0x75: {  	_ =	shalt  }
0x76: {  	_ =	shalt  }
0x77: {  	_ =	shalt  }
0x78: {  	_ =	shalt  }
0x79: {  	_ =	shalt  }
0x7a: {  	_ =	shalt  }
0x7b: {  	_ =	shalt  }
0x7c: {  	_ =	shalt  }
0x7d: {  	_ =	shalt  }
0x7e: {  	_ =	shalt  }
0x7f: {  	_ =	shalt  }
0x80: {  	_ =	shalt  }
0x81: {  	_ =	shalt  }
0x82: {  	_ =	shalt  }
0x83: {  	_ =	shalt  }
0x84: {  	_ =	shalt  }
0x85: {  	_ =	shalt  }
0x86: {  	_ =	shalt  }
0x87: {  	_ =	shalt  }
.Lfunc_end0:
.L_simem_size_0:
called_computation.3_lowered:
.L_overlay_start_0:
0x88: {  	s2 =	sld [smem:$0x3FD9]  }
0x89: {  	s3 =	sld [smem:$0x3FFE];
	_ =	sdelay $0x1  }
0x8a: {  	s1 =	srdreg.scid  }
0x8b: {  	s0 =	sand.u32 $0x1, s1  }
0x8c: {  	s16 =	sshll.u32 s0, $0xA;
	s2 =	sadd.s32 s3, s2  }
0x8d: {  	s2 =	sadd.s32 s2, s16  }
0x8e: {  	[smem:$0x3FB8] =	sst s2  }
0x8f: {  	_ = 	snop  }
0x90: {  	(tm) =	ssettm $0x1  }
0x91: {  	s17 =	sld [smem:$0x3FFB];
	_ =	sdelay $0x3  }
0x92: {  	_ =	strace s17  }
0x93: {  	s2 =	sld [smem:$0x3FFC];
	_ =	sdelay $0x3  }
0x94: {  	_ =	strace s2  }
0x95: {  	s2 =	sld [smem:$0x3FFD];
	_ =	sdelay $0x3  }
0x96: {  	_ =	strace s2  }
0x97: {  	_ =	strace $0x8FFFFFFF  }
0x98: {  	s18 =	sld [smem:$0x3FDB];
	_ =	sdelay $0x1  }
0x99: {  	s19 =	simm.s32 $_scs_section_size  }
0x9a: {  	s4 =	simm.s32 $_size__tile_overlayer_lowered;
	s5 =	simm.s32 $_tile_overlayer_lowered  }
0x9b: {  	s22 =	simm.s32 $0x1BFF;
	s21 =	sshll.u32 s5, $0x1;
	s2 =	sadd.s32 s19, s18  }
0x9c: {  	s6 =	simm.s32 $0x0;
	s20 =	sshll.u32 s4, $0x1;
	s4 =	sadd.s32 s21, s2  }
0x9d: {  	[timem:s6], [sflag:s22] =	dma.local [hbm:s4], s20  }
0x9e: {  	_ =	swait.ge [sflag:s22], s20  }
0x9f: {  	s3 =	ssub.s32 $0x0, s20;
	[sflag:s22] =	ssyncset.done $0x0  }
0xa0: {  	[sflag:s22] =	ssyncadd.s32 s3;
	_ =	sdelay $0x1  }
0xa1: {  	s23 =	simm.s32 $0x1B8B  }
0xa2: {  	_ =	swait.ge [sflag:s23], $0x1  }
0xa3: {  	[sflag:s23] =	ssyncset.done $0x0  }
0xa4: {  	s25 =	simm.s32 $0x1B8E;
	s24 =	sld [smem:$0x3FFE];
	[sflag:s23] =	ssyncadd.s32 $0xFFFFFFFF  }
0xa5: {  	s26 =	simm.s32 $execute0_lowered;
	[smem:$0x3FD2] =	sst s25  }
0xa6: {  	s4 =	sshll.u32 s26, $0x1;
	_ =	strace $0x8000004C;
	[dreg:$0x1] =	wrdreg $0xFFFFFFFF  }
0xa7: {  	s28 =	simm.s32 $_size_execute0_lowered;
	s2 =	sadd.s32 s2, s4;
	[dreg:$0x0] =	wrdreg $0x0  }
0xa8: {  	s4 =	sshll.u32 s28, $0x1;
	[dreg:$0x2] =	wrdreg s2  }
0xa9: {  	[dreg:$0x3] =	wrdreg s4  }
0xaa: {  	[dreg:$0x4] =	wrdreg $0xC0  }
0xab: {  	_ =	task [dreg:s6], $0x5FFFF  }
0xac: {  	[dreg:$0x1] =	wrdreg $0xFFFFFFFF  }
0xad: {  	[dreg:$0x0] =	wrdreg $0x60  }
0xae: {  	[dreg:$0x2] =	wrdreg s24  }
0xaf: {  	[dreg:$0x3] =	wrdreg $0xA  }
0xb0: {  	_ =	task.clear_ibuf [dreg:s6], $0x4FFFF;
	_ =	strace $0x9000004C  }
0xb1: {  	s29 =	simm.s32 $0xA;
	_ =	strace $0x8000004E  }
0xb2: {  	_ =	swait.ge [sflag:s29], $0x1  }
0xb3: {  	[sflag:s29] =	ssyncadd.s32 $0xFFFFFFFF  }
0xb4: {  	_ =	strace $0x9000004E  }
0xb5: {  	_ =	sfence  }
0xb6: {  	s30 =	sld [smem:$0x0];
	_ =	sdelay $0x2  }
0xb7: {  	s31 =	sshll.u32 s1, $0xD;
	s1 =	sshrl.u32 s1, $0x2  }
0xb8: {  	s3 =	sand.u32 $0x4000, s31;
	s1 =	sadd.s32 s1, s30  }
0xb9: {  	s0 =	sor.u32 s3, s0;
	s1 =	sshll.u32 s1, $0x11  }
0xba: {  	s0 =	sor.u32 s1, s0  }
0xbb: {  	s0 =	sadd.s32 $0x8F2B, s0  }
0xbc: {  	[sflag:s0] =	ssyncadd.remote.s32 $0x1  }
0xbd: {  	_ =	sfence.sel $0xFFFF  }
0xbe: {  	[dreg:$0x0] =	wrdreg $0xFFFFFFFF;
	(pc) =	sbr.abs _section_cstart, $3  }
0xbf: {  	[dreg:$0x1] =	wrdreg $0xFFFFFFFF  }
0xc0: {  	_ =	task.clear_ibuf [dreg:s6], $0x2FFFF;
	_ =	strace $0x9FFFFFFF  }
0xc1: {  	(tm) =	ssettm $0x7FFFFFFF  }
tec
execute0_lowered:
.L_overlay_start_1:
0x0: {  	(tag) =	ssettag $0x1  }
0x1: {  	s0 =	srdreg.scid;
	s10 =	stileid.u32  }
0x2: {  	s1 =	rddreg [dreg:$0x0];
	s2 =	simm.s32 $0x0;
	s14 =	simm.s32 $0x9  }
0x3: {  	s15 =	simm.s32 $0x80;
	s16 =	simm.s32 $0x2800;
	s17 =	simm.s32 $0x4800  }
0x4: {  	s19 =	simm.s32 $0x6800;
	s21 =	simm.s32 $0x8800;
	s22 =	simm.s32 $0x1  }
0x5: {  	s23 =	simm.s32 $0x2;
	s24 =	simm.s32 $0x3;
	s9 =	smul.u32 $0x140000, s10  }
0x6: {  	s0 =	sand.u32 $0x1, s0;
	s3 =	sshll.u32 s10, $0x1;
	s10 =	smul.u32 $0x5000, s10  }
0x7: {  	s28 =	simm.s32 $0x6;
	s29 =	simm.s32 $0x7;
	s11 =	smul.u32 $0x2800, s0  }
0x8: {  	s4 =	sor.u32 s0, s3;
	s7 =	ssub.s32 $0x2, s0;
	s0 =	smul.u32 $0xA0000, s0  }
0x9: {  	s30 =	simm.s32 $0x8;
	[smem:$0x7FF] =	sst s2;
	s5 =	smul.u32 $0x500, s4  }
0xa: {  	s31 =	simm.s32 $0x0;
	_ =	strace $0x8000004D;
	s6 =	smul.u32 $0xA0000, s4  }
0xb: {  	s3 =	sadd.s32 $0x2F8000, s1;
	s8 =	smul.u32 $0x14000, s4;
	s25 =	sshrl.u32 s7, $0x1  }
0xc: {  	s7 =	ssub.s32 s7, s25;
	s10 =	sadd.s32 s11, s10;
	s0 =	sadd.s32 s0, s9  }
0xd: {  	s25 =	simm.s32 $0x4;
	s5 =	sadd.s32 s5, s1;
	s1 =	sadd.s32 $0x12800, s1  }
0xe: {  	s6 =	sshrl.u32 s6, $0x3;
	s10 =	sshll.u32 s10, $0x3;
	s0 =	sshrl.u32 s0, $0x3  }
0xf: {  	s26 =	sadd.s32 $0x8800, s5;
	s5 =	smax.u32 s7, $0x1;
	s6 =	sadd.s32 s1, s6  }
0x10: {  	s12 =	sadd.s32 s1, s8;
	s13 =	sadd.s32 s10, s1;
	s10 =	sadd.s32 s0, s1  }
0x11: {  	[dreg:$0x2] =	wrdreg s26;
	s6 =	sadd.s32 $0x13000, s6;
	s7 =	sadd.s32 $0x13400, s12  }
0x12: {  	s8 =	sadd.s32 $0x13800, s12;
	s9 =	sadd.s32 $0x13C00, s12;
	s11 =	sadd.s32 $0xC00, s13  }
0x13: {  	s12 =	sadd.s32 $0x800, s13;
	s13 =	sadd.s32 $0x400, s13;
	s26 =	simm.s32 $0x5  }
.LBB2_1:
0x14: {  	s0 =	rddreg [dreg:$0x2]  }
0x15: {  	[tilespmem:s2], [sflag:$0x9] =	stream.linear.gather [hbm4b:s0+s2], $0x2800, $0x38;
	[tilespmem:$0xA800] =	vst v63  }
0x16: {  	_ =	swait.ge [sflag:s14], $0x2800  }
0x17: {  	[sflag:s14] =	ssyncset.done $0x0  }
0x18: {  	[sflag:s14] =	ssyncadd.s32 $0xFFFFD800  }
0x19: {  	[tilespmem:s16], [sflag:$0x1] =	stream.indirect.gather [hbm4b:s3+s15], $0x40, s2, s15, $0xb8;
	[tilespmem:$0xA800] =	vst v63  }
0x1a: {  	_ = 	snop  }
0x1b: {  	[tilespmem:s17], [sflag:$0x2] =	stream.indirect.gather [hbm4b:s3+s15], $0x40, s15, s15, $0xb8;
	[tilespmem:$0xA800] =	vst v63  }
0x1c: {  	s20 =	simm.s32 $0x100  }
0x1d: {  	[tilespmem:s19], [sflag:$0x3] =	stream.indirect.gather [hbm4b:s3+s15], $0x40, s20, s15, $0xb8;
	[tilespmem:$0xA800] =	vst v63  }
0x1e: {  	s1 =	simm.s32 $0x180  }
0x1f: {  	[tilespmem:s21], [sflag:$0x4] =	stream.indirect.gather [hbm4b:s3+s15], $0x40, s1, s15, $0xb8;
	[tilespmem:$0xA800] =	vst v63  }
0x20: {  	_ =	swait.ge [sflag:s22], $0x2000  }
0x21: {  	[sflag:s22] =	ssyncset.done $0x0  }
0x22: {  	s4 =	sadd.s32 $0x0, s10;
	[sflag:s22] =	ssyncadd.s32 $0xFFFFE000  }
0x23: {  	[hbm4b:s4+s2] =	stream.linear.scatter [tilespmem:s16], [sflag:$0x5], $0x2000, $0x38;
	[tilespmem:$0xA800] =	vst v63  }
0x24: {  	_ =	swait.ge [sflag:s23], $0x2000  }
0x25: {  	[sflag:s23] =	ssyncset.done $0x0  }
0x26: {  	s18 =	sadd.s32 $0x0, s13;
	[sflag:s23] =	ssyncadd.s32 $0xFFFFE000  }
0x27: {  	[hbm4b:s18+s2] =	stream.linear.scatter [tilespmem:s17], [sflag:$0x6], $0x2000, $0x38;
	[tilespmem:$0xA800] =	vst v63  }
0x28: {  	_ =	swait.ge [sflag:s24], $0x2000  }
0x29: {  	[sflag:s24] =	ssyncset.done $0x0  }
0x2a: {  	s20 =	sadd.s32 $0x0, s12;
	[sflag:s24] =	ssyncadd.s32 $0xFFFFE000  }
0x2b: {  	[hbm4b:s20+s2] =	stream.linear.scatter [tilespmem:s19], [sflag:$0x7], $0x2000, $0x38;
	[tilespmem:$0xA800] =	vst v63  }
0x2c: {  	_ =	swait.ge [sflag:s25], $0x2000  }
0x2d: {  	[sflag:s25] =	ssyncset.done $0x0  }
0x2e: {  	s1 =	sadd.s32 $0x0, s11;
	[sflag:s25] =	ssyncadd.s32 $0xFFFFE000  }
0x2f: {  	[hbm4b:s1+s2] =	stream.linear.scatter [tilespmem:s21], [sflag:$0x8], $0x2000, $0x38;
	[tilespmem:$0xA800] =	vst v63  }
0x30: {  	_ =	swait.ge [sflag:s26], $0x2000  }
0x31: {  	[sflag:s26] =	ssyncset.done $0x0  }
0x32: {  	s4 =	simm.s32 $0x200;
	[sflag:s26] =	ssyncadd.s32 $0xFFFFE000  }
0x33: {  	[tilespmem:s16], [sflag:$0x1] =	stream.indirect.gather [hbm4b:s3+s15], $0x40, s4, s15, $0xb8;
	[tilespmem:$0xA800] =	vst v63  }
0x34: {  	_ =	swait.ge [sflag:s28], $0x2000  }
0x35: {  	[sflag:s28] =	ssyncset.done $0x0  }
0x36: {  	s18 =	simm.s32 $0x280;
	[sflag:s28] =	ssyncadd.s32 $0xFFFFE000  }
0x37: {  	[tilespmem:s17], [sflag:$0x2] =	stream.indirect.gather [hbm4b:s3+s15], $0x40, s18, s15, $0xb8;
	[tilespmem:$0xA800] =	vst v63  }
0x38: {  	_ =	swait.ge [sflag:s29], $0x2000  }
0x39: {  	[sflag:s29] =	ssyncset.done $0x0  }
0x3a: {  	s20 =	simm.s32 $0x300;
	[sflag:s29] =	ssyncadd.s32 $0xFFFFE000  }
0x3b: {  	[tilespmem:s19], [sflag:$0x3] =	stream.indirect.gather [hbm4b:s3+s15], $0x40, s20, s15, $0xb8;
	[tilespmem:$0xA800] =	vst v63  }
0x3c: {  	_ =	swait.ge [sflag:s30], $0x2000  }
0x3d: {  	s0 =	simm.s32 $0x1000;
	[sflag:s30] =	ssyncset.done $0x0  }
0x3e: {  	s1 =	simm.s32 $0x380;
	s18 =	simm.s32 $0x580;
	[sflag:s30] =	ssyncadd.s32 $0xFFFFE000  }
.LBB2_2:
0x3f: {  	[tilespmem:s21], [sflag:$0x4] =	stream.indirect.gather [hbm4b:s3+s15], $0x40, s1, s15, $0xb8;
	[tilespmem:$0xA800] =	vst v63  }
0x40: {  	s20 =	smov.u32 s0;
	s1 =	smov.u32 s18  }
0x41: {  	p0 =	sne.s32 s0, $0x12000;
	s0 =	sadd.s32 $0x1000, s0;
	_ =	swait.ge [sflag:s22], $0x2000  }
0x42: {  	[sflag:s22] =	ssyncset.done $0x0  }
0x43: {  	s4 =	sadd.s32 s20, s10;
	[sflag:s22] =	ssyncadd.s32 $0xFFFFE000  }
0x44: {  	[hbm4b:s4+s2] =	stream.linear.scatter [tilespmem:s16], [sflag:$0x5], $0x2000, $0x38;
	[tilespmem:$0xA800] =	vst v63  }
0x45: {  	_ =	swait.ge [sflag:s23], $0x2000  }
0x46: {  	[sflag:s23] =	ssyncset.done $0x0  }
0x47: {  	s4 =	sadd.s32 s20, s13;
	[sflag:s23] =	ssyncadd.s32 $0xFFFFE000  }
0x48: {  	[hbm4b:s4+s2] =	stream.linear.scatter [tilespmem:s17], [sflag:$0x6], $0x2000, $0x38;
	[tilespmem:$0xA800] =	vst v63  }
0x49: {  	_ =	swait.ge [sflag:s24], $0x2000  }
0x4a: {  	[sflag:s24] =	ssyncset.done $0x0  }
0x4b: {  	s4 =	sadd.s32 s20, s12;
	[sflag:s24] =	ssyncadd.s32 $0xFFFFE000  }
0x4c: {  	[hbm4b:s4+s2] =	stream.linear.scatter [tilespmem:s19], [sflag:$0x7], $0x2000, $0x38;
	[tilespmem:$0xA800] =	vst v63  }
0x4d: {  	_ =	swait.ge [sflag:s25], $0x2000  }
0x4e: {  	[sflag:s25] =	ssyncset.done $0x0  }
0x4f: {  	s4 =	sadd.s32 s20, s11;
	[sflag:s25] =	ssyncadd.s32 $0xFFFFE000  }
0x50: {  	[hbm4b:s4+s2] =	stream.linear.scatter [tilespmem:s21], [sflag:$0x8], $0x2000, $0x38;
	[tilespmem:$0xA800] =	vst v63  }
0x51: {  	_ =	swait.ge [sflag:s26], $0x2000  }
0x52: {  	[sflag:s26] =	ssyncset.done $0x0  }
0x53: {  	s4 =	sadd.s32 $0xFFFFFE80, s18;
	[sflag:s26] =	ssyncadd.s32 $0xFFFFE000  }
0x54: {  	[tilespmem:s16], [sflag:$0x1] =	stream.indirect.gather [hbm4b:s3+s15], $0x40, s4, s15, $0xb8;
	[tilespmem:$0xA800] =	vst v63  }
0x55: {  	_ =	swait.ge [sflag:s28], $0x2000  }
0x56: {  	[sflag:s28] =	ssyncset.done $0x0  }
0x57: {  	s4 =	sadd.s32 $0xFFFFFF00, s18;
	[sflag:s28] =	ssyncadd.s32 $0xFFFFE000  }
0x58: {  	[tilespmem:s17], [sflag:$0x2] =	stream.indirect.gather [hbm4b:s3+s15], $0x40, s4, s15, $0xb8;
	[tilespmem:$0xA800] =	vst v63  }
0x59: {  	_ =	swait.ge [sflag:s29], $0x2000  }
0x5a: {  	[sflag:s29] =	ssyncset.done $0x0  }
.Ltmp0:
0x5b: {  	s4 =	sadd.s32 $0xFFFFFF80, s18;
	[sflag:s29] =	ssyncadd.s32 $0xFFFFE000;
	(pc) =	sbr.rel @p0 .LBB2_2-.Ltmp0, $4  }
0x5c: {  	[tilespmem:s19], [sflag:$0x3] =	stream.indirect.gather [hbm4b:s3+s15], $0x40, s4, s15, $0xb8;
	[tilespmem:$0xA800] =	vst v63  }
0x5d: {  	_ =	swait.ge [sflag:s30], $0x2000  }
0x5e: {  	[sflag:s30] =	ssyncset.done $0x0  }
0x5f: {  	s18 =	sadd.s32 $0x200, s18;
	[sflag:s30] =	ssyncadd.s32 $0xFFFFE000  }
0x60: {  	[tilespmem:s21], [sflag:$0x4] =	stream.indirect.gather [hbm4b:s3+s15], $0x40, s1, s15, $0xb8;
	[tilespmem:$0xA800] =	vst v63  }
0x61: {  	_ =	swait.ge [sflag:s22], $0x2000  }
0x62: {  	[sflag:s22] =	ssyncset.done $0x0  }
0x63: {  	[sflag:s22] =	ssyncadd.s32 $0xFFFFE000  }
0x64: {  	[hbm4b:s6+s2] =	stream.linear.scatter [tilespmem:s16], [sflag:$0x5], $0x2000, $0x38;
	[tilespmem:$0xA800] =	vst v63  }
0x65: {  	_ =	swait.ge [sflag:s23], $0x2000  }
0x66: {  	[sflag:s23] =	ssyncset.done $0x0  }
0x67: {  	[sflag:s23] =	ssyncadd.s32 $0xFFFFE000  }
0x68: {  	[hbm4b:s7+s2] =	stream.linear.scatter [tilespmem:s17], [sflag:$0x6], $0x2000, $0x38;
	[tilespmem:$0xA800] =	vst v63  }
0x69: {  	_ =	swait.ge [sflag:s24], $0x2000  }
0x6a: {  	[sflag:s24] =	ssyncset.done $0x0  }
0x6b: {  	[sflag:s24] =	ssyncadd.s32 $0xFFFFE000  }
0x6c: {  	[hbm4b:s8+s2] =	stream.linear.scatter [tilespmem:s19], [sflag:$0x7], $0x2000, $0x38;
	[tilespmem:$0xA800] =	vst v63  }
0x6d: {  	_ =	swait.ge [sflag:s25], $0x2000  }
0x6e: {  	[sflag:s25] =	ssyncset.done $0x0  }
0x6f: {  	[sflag:s25] =	ssyncadd.s32 $0xFFFFE000  }
0x70: {  	[hbm4b:s9+s2] =	stream.linear.scatter [tilespmem:s21], [sflag:$0x8], $0x2000, $0x38;
	[tilespmem:$0xA800] =	vst v63  }
0x71: {  	_ =	swait.ge [sflag:s26], $0x2000  }
0x72: {  	[sflag:s26] =	ssyncset.done $0x0  }
0x73: {  	[sflag:s26] =	ssyncadd.s32 $0xFFFFE000  }
0x74: {  	_ =	swait.ge [sflag:s28], $0x2000  }
0x75: {  	[sflag:s28] =	ssyncset.done $0x0  }
0x76: {  	s31 =	sadd.s32 $0x1, s31;
	[sflag:s28] =	ssyncadd.s32 $0xFFFFE000  }
0x77: {  	p0 =	sne.s32 s31, s5;
	_ =	swait.ge [sflag:s29], $0x2000  }
.Ltmp1:
0x78: {  	[sflag:s29] =	ssyncset.done $0x0;
	(pc) =	sbr.rel @p0 .LBB2_1-.Ltmp1, $4  }
0x79: {  	[sflag:s29] =	ssyncadd.s32 $0xFFFFE000  }
0x7a: {  	_ =	swait.ge [sflag:s30], $0x2000  }
0x7b: {  	[sflag:s30] =	ssyncset.done $0x0  }
0x7c: {  	[sflag:s30] =	ssyncadd.s32 $0xFFFFE000  }
0x7d: {  	_ =	sfence.sel $0x180000  }
0x7e: {  	[bflag:$0x0] =	sbarrier.arrive $0xFFFF  }
0x7f: {  	_ =	strace $0x9000004D  }
0x80: {  	s0 =	stileid.u32;
	[bflag:$0x2] =	sbarrier.arrive $0xFFFF  }
0x81: {  	p0 =	sne.s32 s0, $0x0;
	s0 =	rddreg [dreg:$0x1]  }
0x82: {  	s0 =	sadd.s32 @!p0 $0x100000, s0  }
0x83: {  	[sflag:s0] =	ssyncadd.tile.s32 @!p0 $0x1;
	_ =	shalt  }
.Lfunc_end2:
_tile_overlayer_lowered:
.L_overlay_start_2:
0x84: {  	(tag) =	ssettag $0x2  }
0x85: {  	s0 =	rddreg [dreg:$0x0];
	s2 =	stileid.u32  }
0x86: {  	s1 =	rddreg [dreg:$0x1];
	p0 =	sne.s32 s2, $0x0  }
0x87: {  	s3 =	rddreg [dreg:$0x2];
	[bflag:$0x3] =	sbarrier.arrive $0xFFFF;
	s2 =	simm.s32 @!p0 $0x1C09  }
0x88: {  	[timem:s3], [sflag:s2] =	dma.local @!p0 [hbm:s0], s1  }
0x89: {  	s0 =	simm.s32 @!p0 $0x9  }
0x8a: {  	_ =	swait.ge @!p0 [sflag:s0], s1  }
0x8b: {  	s1 =	ssub.s32 @!p0 $0x0, s1;
	[sflag:s0] =	ssyncset.done @!p0 $0x0  }
0x8c: {  	[sflag:s0] =	ssyncadd.s32 @!p0 s1  }
0x8d: {  	[bflag:$0x3] =	sbarrier.arrive $0xFFFF  }
0x8e: {  	_ =	shalt  }

// kernel: kernel.24.cloned.1.call-start
scs
__scs_entry_jumppad:
0x0: {  	(pc) =	sbr.rel $0x88, $3  }
0x1: {  	(tag) =	ssettag $0x0;
	lr =	simm.s32 $0x1  }
0x2: {  	[smem:$0x3F91] =	sst lr;
	_ =	strace $0xD0000000  }
0x3: {  	_ = 	snop  }
0x4: {  	_ = 	snop  }
0x5: {  	_ = 	snop  }
0x6: {  	_ = 	snop  }
0x7: {  	_ = 	snop  }
__scs_overlays_trampoline_lowered:
0x8: {  	[smem:$0x3FA0] =	sst s0  }
0x9: {  	[smem:$0x3FA1] =	sst s1  }
0xa: {  	[smem:$0x3FA2] =	sst s2  }
0xb: {  	[smem:$0x3FA3] =	sst s3  }
0xc: {  	[smem:$0x3FA4] =	sst s4  }
0xd: {  	[smem:$0x3FA5] =	sst s5  }
0xe: {  	[smem:$0x3FA6] =	sst s6  }
0xf: {  	[smem:$0x3FA7] =	sst s7  }
0x10: {  	[smem:$0x3FA8] =	sst s8  }
0x11: {  	[smem:$0x3FA9] =	sst s9;
	s0 =	simm.s32 @!p0 $0x0  }
0x12: {  	s1 =	sld [smem:$0x3F8F];
	s0 =	simm.s32 @p0 $0x1  }
0x13: {  	[smem:$0x3FAA] =	sst s0;
	s0 =	simm.s32 @!p1 $0x0  }
0x14: {  	s2 =	sld [smem:$0x3F8E];
	s0 =	simm.s32 @p1 $0x1  }
0x15: {  	[smem:$0x3FAB] =	sst s0;
	s0 =	simm.s32 @!p2 $0x0  }
0x16: {  	s3 =	sld [smem:$0x3FDB];
	s0 =	simm.s32 @p2 $0x1  }
0x17: {  	s4 =	simm.s32 $0x1BF5;
	[smem:$0x3FAD] =	sst s0  }
0x18: {  	s0 =	sld [smem:$0x3F90];
	_ =	swait.ge [sflag:s4], $0x0  }
0x19: {  	s7 =	sld [smem:$0x3F91]  }
0x1a: {  	s8 =	sadd.s32 $0xFFFFE003, lr  }
0x1b: {  	s9 =	sadd.s32 $0xFFFFFEF7, lr;
	s5 =	simm.s32 $0xFFFFFFFF;
	p2 =	slt.u32 s8, $0xFFFFF086  }
0x1c: {  	p1 =	slt.u32 s9, $0xF7A;
	s5 =	simm.s32 @!p2 $0x0  }
0x1d: {  	s5 =	simm.s32 @p1 $0x1;
	p0 =	seq.s32 s7, s2  }
0x1e: {  	s7 =	smul.u32 @!p0 $0xF7A, s2;
	p2 =	seq.s32 @!p0 s5, $0x0  }
0x1f: {  	s9 =	smul.u32 $0xF7A, s1;
	s8 =	simm.s32 @!p0 $0x1BF5;
	p2 =	por !p2, p0  }
0x20: {  	[sflag:s8] =	ssyncset.s32 @!p0 $0xFFFFF086;
	s6 =	sadd.s32 @!p0 s3, s7;
	s7 =	simm.s32 @!p0 $0x108  }
0x21: {  	s3 =	sadd.s32 s3, s9;
	s6 =	sadd.s32 @!p0 $0x88, s6;
	s7 =	simm.s32 @p2 $0x1082  }
0x22: {  	[simem:s7], [sflag:s8] =	dma.local @!p0 [hbm:s6], $0xF7A  }
0x23: {  	s9 =	sor.u32 $0xD0000000, s2;
	s6 =	simm.s32 $0x108;
	_ =	swait.ge @!p0 [sflag:s8], $0x0  }
0x24: {  	s3 =	sadd.s32 $0x88, s3;
	s6 =	simm.s32 @!p1 $0x1082;
	[sflag:s4] =	ssyncset.s32 $0xFFFFF086  }
0x25: {  	[simem:s6], [sflag:s4] =	dma.local [hbm:s3], $0xF7A  }
0x26: {  	[smem:$0x3F91] =	sst s1;
	(tag) =	ssettag s2;
	_ =	strace s9  }
0x27: {  	s1 =	sld [smem:$0x3FA1]  }
0x28: {  	s2 =	sld [smem:$0x3FA2]  }
0x29: {  	s4 =	sld [smem:$0x3FA4]  }
0x2a: {  	p0 =	seq.s32 s5, $0x0;
	s5 =	sld [smem:$0x3FA5]  }
0x2b: {  	s6 =	sld [smem:$0x3FA6]  }
0x2c: {  	s7 =	sld [smem:$0x3FA7]  }
0x2d: {  	s3 =	simm.s32 $0x108;
	s8 =	sld [smem:$0x3FA8]  }
0x2e: {  	s3 =	simm.s32 @!p0 $0x1082;
	s9 =	sld [smem:$0x3FA9]  }
0x2f: {  	lr =	sadd.s32 s0, s3;
	s0 =	sld [smem:$0x3FA0]  }
0x30: {  	s3 =	sld [smem:$0x3FA3]  }
0x31: {  	[smem:$0x3FAC] =	sst s10  }
0x32: {  	s10 =	sld [smem:$0x3FAA];
	_ =	sdelay $0x3  }
0x33: {  	p0 =	seq.s32 s10, $0x1;
	s10 =	sld [smem:$0x3FAC];
	_ =	sdelay $0x3  }
0x34: {  	[smem:$0x3FAC] =	sst s10  }
0x35: {  	s10 =	sld [smem:$0x3FAB];
	_ =	sdelay $0x3  }
0x36: {  	p1 =	seq.s32 s10, $0x1;
	s10 =	sld [smem:$0x3FAC];
	_ =	sdelay $0x3  }
0x37: {  	[smem:$0x3FAC] =	sst s10  }
0x38: {  	s10 =	sld [smem:$0x3FAD]  }
0x39: {  	_ = 	snop;
	(pc) =	sbr.ind lr, $3  }
0x3a: {  	_ = 	snop  }
0x3b: {  	_ = 	snop  }
0x3c: {  	p2 =	seq.s32 s10, $0x1;
	s10 =	sld [smem:$0x3FAC]  }
0x3d: {  	_ =	shalt  }
0x3e: {  	_ =	shalt  }
0x3f: {  	_ =	shalt  }
0x40: {  	_ =	shalt  }
0x41: {  	_ =	shalt  }
0x42: {  	_ =	shalt  }
0x43: {  	_ =	shalt  }
0x44: {  	_ =	shalt  }
0x45: {  	_ =	shalt  }
0x46: {  	_ =	shalt  }
0x47: {  	_ =	shalt  }
0x48: {  	_ =	shalt  }
0x49: {  	_ =	shalt  }
0x4a: {  	_ =	shalt  }
0x4b: {  	_ =	shalt  }
0x4c: {  	_ =	shalt  }
0x4d: {  	_ =	shalt  }
0x4e: {  	_ =	shalt  }
0x4f: {  	_ =	shalt  }
0x50: {  	_ =	shalt  }
0x51: {  	_ =	shalt  }
0x52: {  	_ =	shalt  }
0x53: {  	_ =	shalt  }
0x54: {  	_ =	shalt  }
0x55: {  	_ =	shalt  }
0x56: {  	_ =	shalt  }
0x57: {  	_ =	shalt  }
0x58: {  	_ =	shalt  }
0x59: {  	_ =	shalt  }
0x5a: {  	_ =	shalt  }
0x5b: {  	_ =	shalt  }
0x5c: {  	_ =	shalt  }
0x5d: {  	_ =	shalt  }
0x5e: {  	_ =	shalt  }
0x5f: {  	_ =	shalt  }
0x60: {  	_ =	shalt  }
0x61: {  	_ =	shalt  }
0x62: {  	_ =	shalt  }
0x63: {  	_ =	shalt  }
0x64: {  	_ =	shalt  }
0x65: {  	_ =	shalt  }
0x66: {  	_ =	shalt  }
0x67: {  	_ =	shalt  }
0x68: {  	_ =	shalt  }
0x69: {  	_ =	shalt  }
0x6a: {  	_ =	shalt  }
0x6b: {  	_ =	shalt  }
0x6c: {  	_ =	shalt  }
0x6d: {  	_ =	shalt  }
0x6e: {  	_ =	shalt  }
0x6f: {  	_ =	shalt  }
0x70: {  	_ =	shalt  }
0x71: {  	_ =	shalt  }
0x72: {  	_ =	shalt  }
0x73: {  	_ =	shalt  }
0x74: {  	_ =	shalt  }
0x75: {  	_ =	shalt  }
0x76: {  	_ =	shalt  }
0x77: {  	_ =	shalt  }
0x78: {  	_ =	shalt  }
0x79: {  	_ =	shalt  }
0x7a: {  	_ =	shalt  }
0x7b: {  	_ =	shalt  }
0x7c: {  	_ =	shalt  }
0x7d: {  	_ =	shalt  }
0x7e: {  	_ =	shalt  }
0x7f: {  	_ =	shalt  }
0x80: {  	_ =	shalt  }
0x81: {  	_ =	shalt  }
0x82: {  	_ =	shalt  }
0x83: {  	_ =	shalt  }
0x84: {  	_ =	shalt  }
0x85: {  	_ =	shalt  }
0x86: {  	_ =	shalt  }
0x87: {  	_ =	shalt  }
.Lfunc_end0:
.L_simem_size_0:
called_computation.4_lowered:
.L_overlay_start_0:
0x88: {  	s2 =	sld [smem:$0x3FD9]  }
0x89: {  	s3 =	sld [smem:$0x3FFE];
	_ =	sdelay $0x1  }
0x8a: {  	s1 =	srdreg.scid  }
0x8b: {  	s0 =	sand.u32 $0x1, s1  }
0x8c: {  	s16 =	sshll.u32 s0, $0xA;
	s2 =	sadd.s32 s3, s2  }
0x8d: {  	s2 =	sadd.s32 s2, s16  }
0x8e: {  	[smem:$0x3FB8] =	sst s2  }
0x8f: {  	_ = 	snop  }
0x90: {  	(tm) =	ssettm $0x1  }
0x91: {  	s17 =	sld [smem:$0x3FFB];
	_ =	sdelay $0x3  }
0x92: {  	_ =	strace s17  }
0x93: {  	s2 =	sld [smem:$0x3FFC];
	_ =	sdelay $0x3  }
0x94: {  	_ =	strace s2  }
0x95: {  	s2 =	sld [smem:$0x3FFD];
	_ =	sdelay $0x3  }
0x96: {  	_ =	strace s2  }
0x97: {  	_ =	strace $0x8FFFFFFF  }
0x98: {  	s18 =	sld [smem:$0x3FDB];
	_ =	sdelay $0x1  }
0x99: {  	s19 =	simm.s32 $_scs_section_size  }
0x9a: {  	s4 =	simm.s32 $_size__tile_overlayer_lowered;
	s5 =	simm.s32 $_tile_overlayer_lowered  }
0x9b: {  	s22 =	simm.s32 $0x1BFF;
	s21 =	sshll.u32 s5, $0x1;
	s2 =	sadd.s32 s19, s18  }
0x9c: {  	s6 =	simm.s32 $0x0;
	s20 =	sshll.u32 s4, $0x1;
	s4 =	sadd.s32 s21, s2  }
0x9d: {  	[timem:s6], [sflag:s22] =	dma.local [hbm:s4], s20  }
0x9e: {  	_ =	swait.ge [sflag:s22], s20  }
0x9f: {  	s3 =	ssub.s32 $0x0, s20;
	[sflag:s22] =	ssyncset.done $0x0  }
0xa0: {  	[sflag:s22] =	ssyncadd.s32 s3;
	_ =	sdelay $0x1  }
0xa1: {  	s23 =	simm.s32 $0x1B8B  }
0xa2: {  	_ =	swait.ge [sflag:s23], $0x1  }
0xa3: {  	[sflag:s23] =	ssyncset.done $0x0  }
0xa4: {  	s25 =	simm.s32 $0x1B8E;
	s24 =	sld [smem:$0x3FFE];
	[sflag:s23] =	ssyncadd.s32 $0xFFFFFFFF  }
0xa5: {  	s26 =	simm.s32 $execute0_lowered;
	[smem:$0x3FD2] =	sst s25  }
0xa6: {  	s4 =	sshll.u32 s26, $0x1;
	_ =	strace $0x80000052;
	[dreg:$0x1] =	wrdreg $0xFFFFFFFF  }
0xa7: {  	s28 =	simm.s32 $_size_execute0_lowered;
	s2 =	sadd.s32 s2, s4;
	[dreg:$0x0] =	wrdreg $0x0  }
0xa8: {  	s4 =	sshll.u32 s28, $0x1;
	[dreg:$0x2] =	wrdreg s2  }
0xa9: {  	[dreg:$0x3] =	wrdreg s4  }
0xaa: {  	[dreg:$0x4] =	wrdreg $0xC0  }
0xab: {  	_ =	task [dreg:s6], $0x5FFFF  }
0xac: {  	[dreg:$0x1] =	wrdreg $0xFFFFFFFF  }
0xad: {  	[dreg:$0x0] =	wrdreg $0x60  }
0xae: {  	[dreg:$0x2] =	wrdreg s24  }
0xaf: {  	[dreg:$0x3] =	wrdreg $0x9  }
0xb0: {  	_ =	task.clear_ibuf [dreg:s6], $0x4FFFF;
	_ =	strace $0x90000052  }
0xb1: {  	s29 =	simm.s32 $0x9;
	_ =	strace $0x80000054  }
0xb2: {  	_ =	swait.ge [sflag:s29], $0x1  }
0xb3: {  	[sflag:s29] =	ssyncadd.s32 $0xFFFFFFFF  }
0xb4: {  	_ =	strace $0x90000054  }
0xb5: {  	_ =	sfence  }
0xb6: {  	s30 =	sld [smem:$0x0];
	_ =	sdelay $0x2  }
0xb7: {  	s31 =	sshll.u32 s1, $0xD;
	s1 =	sshrl.u32 s1, $0x2  }
0xb8: {  	s3 =	sand.u32 $0x4000, s31;
	s1 =	sadd.s32 s1, s30  }
0xb9: {  	s0 =	sor.u32 s3, s0;
	s1 =	sshll.u32 s1, $0x11  }
0xba: {  	s0 =	sor.u32 s1, s0  }
0xbb: {  	s0 =	sadd.s32 $0x8F2B, s0  }
0xbc: {  	[sflag:s0] =	ssyncadd.remote.s32 $0x1  }
0xbd: {  	_ =	sfence.sel $0xFFFF  }
0xbe: {  	[dreg:$0x0] =	wrdreg $0xFFFFFFFF;
	(pc) =	sbr.abs _section_cstart, $3  }
0xbf: {  	[dreg:$0x1] =	wrdreg $0xFFFFFFFF  }
0xc0: {  	_ =	task.clear_ibuf [dreg:s6], $0x2FFFF;
	_ =	strace $0x9FFFFFFF  }
0xc1: {  	(tm) =	ssettm $0x7FFFFFFF  }
tec
execute0_lowered:
.L_overlay_start_1:
0x0: {  	(tag) =	ssettag $0x1  }
0x1: {  	s0 =	srdreg.scid;
	s10 =	stileid.u32  }
0x2: {  	s1 =	rddreg [dreg:$0x0];
	s2 =	simm.s32 $0x0;
	s14 =	simm.s32 $0x9  }
0x3: {  	s15 =	simm.s32 $0x80;
	s16 =	simm.s32 $0x2800;
	s17 =	simm.s32 $0x3000  }
0x4: {  	s19 =	simm.s32 $0x3800;
	s21 =	simm.s32 $0x4000;
	s22 =	simm.s32 $0x1  }
0x5: {  	s23 =	simm.s32 $0x2;
	s24 =	simm.s32 $0x3;
	s9 =	smul.u32 $0x50000, s10  }
0x6: {  	s0 =	sand.u32 $0x1, s0;
	s3 =	sshll.u32 s10, $0x1;
	s10 =	smul.u32 $0x5000, s10  }
0x7: {  	s28 =	simm.s32 $0x6;
	s29 =	simm.s32 $0x7;
	s11 =	smul.u32 $0x2800, s0  }
0x8: {  	s4 =	sor.u32 s0, s3;
	s7 =	ssub.s32 $0x2, s0;
	s0 =	smul.u32 $0x28000, s0  }
0x9: {  	s30 =	simm.s32 $0x8;
	[smem:$0x7FF] =	sst s2;
	s5 =	smul.u32 $0x500, s4  }
0xa: {  	s31 =	simm.s32 $0x0;
	_ =	strace $0x80000053;
	s6 =	smul.u32 $0x28000, s4  }
0xb: {  	s3 =	sadd.s32 $0x12800, s1;
	s8 =	smul.u32 $0x5000, s4;
	s25 =	sshrl.u32 s7, $0x1  }
0xc: {  	s7 =	ssub.s32 s7, s25;
	s10 =	sadd.s32 s11, s10;
	s0 =	sadd.s32 s0, s9  }
0xd: {  	s25 =	simm.s32 $0x4;
	s5 =	sadd.s32 s5, s1;
	s1 =	sadd.s32 $0x17800, s1  }
0xe: {  	s6 =	sshrl.u32 s6, $0x3;
	s10 =	sshll.u32 s10, $0x1;
	s0 =	sshrl.u32 s0, $0x3  }
0xf: {  	s26 =	sadd.s32 $0x8800, s5;
	s5 =	smax.u32 s7, $0x1;
	s6 =	sadd.s32 s1, s6  }
0x10: {  	s12 =	sadd.s32 s1, s8;
	s13 =	sadd.s32 s10, s1;
	s10 =	sadd.s32 s0, s1  }
0x11: {  	[dreg:$0x2] =	wrdreg s26;
	s6 =	sadd.s32 $0x4C00, s6;
	s7 =	sadd.s32 $0x4D00, s12  }
0x12: {  	s8 =	sadd.s32 $0x4E00, s12;
	s9 =	sadd.s32 $0x4F00, s12;
	s11 =	sadd.s32 $0x300, s13  }
0x13: {  	s12 =	sadd.s32 $0x200, s13;
	s13 =	sadd.s32 $0x100, s13;
	s26 =	simm.s32 $0x5  }
.LBB2_1:
0x14: {  	s0 =	rddreg [dreg:$0x2]  }
0x15: {  	[tilespmem:s2], [sflag:$0x9] =	stream.linear.gather [hbm4b:s0+s2], $0x2800, $0x38;
	[tilespmem:$0x4800] =	vst v63  }
0x16: {  	_ =	swait.ge [sflag:s14], $0x2800  }
0x17: {  	[sflag:s14] =	ssyncset.done $0x0  }
0x18: {  	[sflag:s14] =	ssyncadd.s32 $0xFFFFD800  }
0x19: {  	[tilespmem:s16], [sflag:$0x1] =	stream.indirect.gather [hbm4b:s3+s15], $0x10, s2, s15, $0xb8;
	[tilespmem:$0x4800] =	vst v63  }
0x1a: {  	_ = 	snop  }
0x1b: {  	[tilespmem:s17], [sflag:$0x2] =	stream.indirect.gather [hbm4b:s3+s15], $0x10, s15, s15, $0xb8;
	[tilespmem:$0x4800] =	vst v63  }
0x1c: {  	s20 =	simm.s32 $0x100  }
0x1d: {  	[tilespmem:s19], [sflag:$0x3] =	stream.indirect.gather [hbm4b:s3+s15], $0x10, s20, s15, $0xb8;
	[tilespmem:$0x4800] =	vst v63  }
0x1e: {  	s1 =	simm.s32 $0x180  }
0x1f: {  	[tilespmem:s21], [sflag:$0x4] =	stream.indirect.gather [hbm4b:s3+s15], $0x10, s1, s15, $0xb8;
	[tilespmem:$0x4800] =	vst v63  }
0x20: {  	_ =	swait.ge [sflag:s22], $0x800  }
0x21: {  	[sflag:s22] =	ssyncset.done $0x0  }
0x22: {  	s4 =	sadd.s32 $0x0, s10;
	[sflag:s22] =	ssyncadd.s32 $0xFFFFF800  }
0x23: {  	[hbm4b:s4+s2] =	stream.linear.scatter [tilespmem:s16], [sflag:$0x5], $0x800, $0x38;
	[tilespmem:$0x4800] =	vst v63  }
0x24: {  	_ =	swait.ge [sflag:s23], $0x800  }
0x25: {  	[sflag:s23] =	ssyncset.done $0x0  }
0x26: {  	s18 =	sadd.s32 $0x0, s13;
	[sflag:s23] =	ssyncadd.s32 $0xFFFFF800  }
0x27: {  	[hbm4b:s18+s2] =	stream.linear.scatter [tilespmem:s17], [sflag:$0x6], $0x800, $0x38;
	[tilespmem:$0x4800] =	vst v63  }
0x28: {  	_ =	swait.ge [sflag:s24], $0x800  }
0x29: {  	[sflag:s24] =	ssyncset.done $0x0  }
0x2a: {  	s20 =	sadd.s32 $0x0, s12;
	[sflag:s24] =	ssyncadd.s32 $0xFFFFF800  }
0x2b: {  	[hbm4b:s20+s2] =	stream.linear.scatter [tilespmem:s19], [sflag:$0x7], $0x800, $0x38;
	[tilespmem:$0x4800] =	vst v63  }
0x2c: {  	_ =	swait.ge [sflag:s25], $0x800  }
0x2d: {  	[sflag:s25] =	ssyncset.done $0x0  }
0x2e: {  	s1 =	sadd.s32 $0x0, s11;
	[sflag:s25] =	ssyncadd.s32 $0xFFFFF800  }
0x2f: {  	[hbm4b:s1+s2] =	stream.linear.scatter [tilespmem:s21], [sflag:$0x8], $0x800, $0x38;
	[tilespmem:$0x4800] =	vst v63  }
0x30: {  	_ =	swait.ge [sflag:s26], $0x800  }
0x31: {  	[sflag:s26] =	ssyncset.done $0x0  }
0x32: {  	s4 =	simm.s32 $0x200;
	[sflag:s26] =	ssyncadd.s32 $0xFFFFF800  }
0x33: {  	[tilespmem:s16], [sflag:$0x1] =	stream.indirect.gather [hbm4b:s3+s15], $0x10, s4, s15, $0xb8;
	[tilespmem:$0x4800] =	vst v63  }
0x34: {  	_ =	swait.ge [sflag:s28], $0x800  }
0x35: {  	[sflag:s28] =	ssyncset.done $0x0  }
0x36: {  	s18 =	simm.s32 $0x280;
	[sflag:s28] =	ssyncadd.s32 $0xFFFFF800  }
0x37: {  	[tilespmem:s17], [sflag:$0x2] =	stream.indirect.gather [hbm4b:s3+s15], $0x10, s18, s15, $0xb8;
	[tilespmem:$0x4800] =	vst v63  }
0x38: {  	_ =	swait.ge [sflag:s29], $0x800  }
0x39: {  	[sflag:s29] =	ssyncset.done $0x0  }
0x3a: {  	s20 =	simm.s32 $0x300;
	[sflag:s29] =	ssyncadd.s32 $0xFFFFF800  }
0x3b: {  	[tilespmem:s19], [sflag:$0x3] =	stream.indirect.gather [hbm4b:s3+s15], $0x10, s20, s15, $0xb8;
	[tilespmem:$0x4800] =	vst v63  }
0x3c: {  	_ =	swait.ge [sflag:s30], $0x800  }
0x3d: {  	s0 =	simm.s32 $0x400;
	[sflag:s30] =	ssyncset.done $0x0  }
0x3e: {  	s1 =	simm.s32 $0x380;
	s18 =	simm.s32 $0x580;
	[sflag:s30] =	ssyncadd.s32 $0xFFFFF800  }
.LBB2_2:
0x3f: {  	[tilespmem:s21], [sflag:$0x4] =	stream.indirect.gather [hbm4b:s3+s15], $0x10, s1, s15, $0xb8;
	[tilespmem:$0x4800] =	vst v63  }
0x40: {  	s20 =	smov.u32 s0;
	s1 =	smov.u32 s18  }
0x41: {  	p0 =	sne.s32 s0, $0x4800;
	s0 =	sadd.s32 $0x400, s0;
	_ =	swait.ge [sflag:s22], $0x800  }
0x42: {  	[sflag:s22] =	ssyncset.done $0x0  }
0x43: {  	s4 =	sadd.s32 s20, s10;
	[sflag:s22] =	ssyncadd.s32 $0xFFFFF800  }
0x44: {  	[hbm4b:s4+s2] =	stream.linear.scatter [tilespmem:s16], [sflag:$0x5], $0x800, $0x38;
	[tilespmem:$0x4800] =	vst v63  }
0x45: {  	_ =	swait.ge [sflag:s23], $0x800  }
0x46: {  	[sflag:s23] =	ssyncset.done $0x0  }
0x47: {  	s4 =	sadd.s32 s20, s13;
	[sflag:s23] =	ssyncadd.s32 $0xFFFFF800  }
0x48: {  	[hbm4b:s4+s2] =	stream.linear.scatter [tilespmem:s17], [sflag:$0x6], $0x800, $0x38;
	[tilespmem:$0x4800] =	vst v63  }
0x49: {  	_ =	swait.ge [sflag:s24], $0x800  }
0x4a: {  	[sflag:s24] =	ssyncset.done $0x0  }
0x4b: {  	s4 =	sadd.s32 s20, s12;
	[sflag:s24] =	ssyncadd.s32 $0xFFFFF800  }
0x4c: {  	[hbm4b:s4+s2] =	stream.linear.scatter [tilespmem:s19], [sflag:$0x7], $0x800, $0x38;
	[tilespmem:$0x4800] =	vst v63  }
0x4d: {  	_ =	swait.ge [sflag:s25], $0x800  }
0x4e: {  	[sflag:s25] =	ssyncset.done $0x0  }
0x4f: {  	s4 =	sadd.s32 s20, s11;
	[sflag:s25] =	ssyncadd.s32 $0xFFFFF800  }
0x50: {  	[hbm4b:s4+s2] =	stream.linear.scatter [tilespmem:s21], [sflag:$0x8], $0x800, $0x38;
	[tilespmem:$0x4800] =	vst v63  }
0x51: {  	_ =	swait.ge [sflag:s26], $0x800  }
0x52: {  	[sflag:s26] =	ssyncset.done $0x0  }
0x53: {  	s4 =	sadd.s32 $0xFFFFFE80, s18;
	[sflag:s26] =	ssyncadd.s32 $0xFFFFF800  }
0x54: {  	[tilespmem:s16], [sflag:$0x1] =	stream.indirect.gather [hbm4b:s3+s15], $0x10, s4, s15, $0xb8;
	[tilespmem:$0x4800] =	vst v63  }
0x55: {  	_ =	swait.ge [sflag:s28], $0x800  }
0x56: {  	[sflag:s28] =	ssyncset.done $0x0  }
0x57: {  	s4 =	sadd.s32 $0xFFFFFF00, s18;
	[sflag:s28] =	ssyncadd.s32 $0xFFFFF800  }
0x58: {  	[tilespmem:s17], [sflag:$0x2] =	stream.indirect.gather [hbm4b:s3+s15], $0x10, s4, s15, $0xb8;
	[tilespmem:$0x4800] =	vst v63  }
0x59: {  	_ =	swait.ge [sflag:s29], $0x800  }
0x5a: {  	[sflag:s29] =	ssyncset.done $0x0  }
.Ltmp0:
0x5b: {  	s4 =	sadd.s32 $0xFFFFFF80, s18;
	[sflag:s29] =	ssyncadd.s32 $0xFFFFF800;
	(pc) =	sbr.rel @p0 .LBB2_2-.Ltmp0, $4  }
0x5c: {  	[tilespmem:s19], [sflag:$0x3] =	stream.indirect.gather [hbm4b:s3+s15], $0x10, s4, s15, $0xb8;
	[tilespmem:$0x4800] =	vst v63  }
0x5d: {  	_ =	swait.ge [sflag:s30], $0x800  }
0x5e: {  	[sflag:s30] =	ssyncset.done $0x0  }
0x5f: {  	s18 =	sadd.s32 $0x200, s18;
	[sflag:s30] =	ssyncadd.s32 $0xFFFFF800  }
0x60: {  	[tilespmem:s21], [sflag:$0x4] =	stream.indirect.gather [hbm4b:s3+s15], $0x10, s1, s15, $0xb8;
	[tilespmem:$0x4800] =	vst v63  }
0x61: {  	_ =	swait.ge [sflag:s22], $0x800  }
0x62: {  	[sflag:s22] =	ssyncset.done $0x0  }
0x63: {  	[sflag:s22] =	ssyncadd.s32 $0xFFFFF800  }
0x64: {  	[hbm4b:s6+s2] =	stream.linear.scatter [tilespmem:s16], [sflag:$0x5], $0x800, $0x38;
	[tilespmem:$0x4800] =	vst v63  }
0x65: {  	_ =	swait.ge [sflag:s23], $0x800  }
0x66: {  	[sflag:s23] =	ssyncset.done $0x0  }
0x67: {  	[sflag:s23] =	ssyncadd.s32 $0xFFFFF800  }
0x68: {  	[hbm4b:s7+s2] =	stream.linear.scatter [tilespmem:s17], [sflag:$0x6], $0x800, $0x38;
	[tilespmem:$0x4800] =	vst v63  }
0x69: {  	_ =	swait.ge [sflag:s24], $0x800  }
0x6a: {  	[sflag:s24] =	ssyncset.done $0x0  }
0x6b: {  	[sflag:s24] =	ssyncadd.s32 $0xFFFFF800  }
0x6c: {  	[hbm4b:s8+s2] =	stream.linear.scatter [tilespmem:s19], [sflag:$0x7], $0x800, $0x38;
	[tilespmem:$0x4800] =	vst v63  }
0x6d: {  	_ =	swait.ge [sflag:s25], $0x800  }
0x6e: {  	[sflag:s25] =	ssyncset.done $0x0  }
0x6f: {  	[sflag:s25] =	ssyncadd.s32 $0xFFFFF800  }
0x70: {  	[hbm4b:s9+s2] =	stream.linear.scatter [tilespmem:s21], [sflag:$0x8], $0x800, $0x38;
	[tilespmem:$0x4800] =	vst v63  }
0x71: {  	_ =	swait.ge [sflag:s26], $0x800  }
0x72: {  	[sflag:s26] =	ssyncset.done $0x0  }
0x73: {  	[sflag:s26] =	ssyncadd.s32 $0xFFFFF800  }
0x74: {  	_ =	swait.ge [sflag:s28], $0x800  }
0x75: {  	[sflag:s28] =	ssyncset.done $0x0  }
0x76: {  	s31 =	sadd.s32 $0x1, s31;
	[sflag:s28] =	ssyncadd.s32 $0xFFFFF800  }
0x77: {  	p0 =	sne.s32 s31, s5;
	_ =	swait.ge [sflag:s29], $0x800  }
.Ltmp1:
0x78: {  	[sflag:s29] =	ssyncset.done $0x0;
	(pc) =	sbr.rel @p0 .LBB2_1-.Ltmp1, $4  }
0x79: {  	[sflag:s29] =	ssyncadd.s32 $0xFFFFF800  }
0x7a: {  	_ =	swait.ge [sflag:s30], $0x800  }
0x7b: {  	[sflag:s30] =	ssyncset.done $0x0  }
0x7c: {  	[sflag:s30] =	ssyncadd.s32 $0xFFFFF800  }
0x7d: {  	_ =	sfence.sel $0x180000  }
0x7e: {  	[bflag:$0x0] =	sbarrier.arrive $0xFFFF  }
0x7f: {  	_ =	strace $0x90000053  }
0x80: {  	s0 =	stileid.u32;
	[bflag:$0x2] =	sbarrier.arrive $0xFFFF  }
0x81: {  	p0 =	sne.s32 s0, $0x0;
	s0 =	rddreg [dreg:$0x1]  }
0x82: {  	s0 =	sadd.s32 @!p0 $0x100000, s0  }
0x83: {  	[sflag:s0] =	ssyncadd.tile.s32 @!p0 $0x1;
	_ =	shalt  }
.Lfunc_end2:
_tile_overlayer_lowered:
.L_overlay_start_2:
0x84: {  	(tag) =	ssettag $0x2  }
0x85: {  	s0 =	rddreg [dreg:$0x0];
	s2 =	stileid.u32  }
0x86: {  	s1 =	rddreg [dreg:$0x1];
	p0 =	sne.s32 s2, $0x0  }
0x87: {  	s3 =	rddreg [dreg:$0x2];
	[bflag:$0x3] =	sbarrier.arrive $0xFFFF;
	s2 =	simm.s32 @!p0 $0x1C09  }
0x88: {  	[timem:s3], [sflag:s2] =	dma.local @!p0 [hbm:s0], s1  }
0x89: {  	s0 =	simm.s32 @!p0 $0x9  }
0x8a: {  	_ =	swait.ge @!p0 [sflag:s0], s1  }
0x8b: {  	s1 =	ssub.s32 @!p0 $0x0, s1;
	[sflag:s0] =	ssyncset.done @!p0 $0x0  }
0x8c: {  	[sflag:s0] =	ssyncadd.s32 @!p0 s1  }
0x8d: {  	[bflag:$0x3] =	sbarrier.arrive $0xFFFF  }
0x8e: {  	_ =	shalt  }

</sc_bundles>
